<compile_context>
chip_gen: v7x
topology: tpu7x:2x2x1
jax: 0.10.2.dev20260603
libtpu: 0.0.44.dev20260713+nightly
codegen_flags: <defaults>
</compile_context>

<pallas_src>
import jax
import jax.numpy as jnp
from jax import lax
from jax.experimental import pallas as pl
from jax.experimental.pallas import tpu as pltpu
from jax.experimental.pallas import tpu_sc as plsc

_N_OBS = 262144
_N_REFL = 65536
_N_IMG = 1024
_NBIN = 1040
_GRID = 65
_MC = 32
_KLW = 1.0

_NC = 2
_NS = 16
_LANES = 16
_NW = _NC * _NS
_ROWS_W = _N_OBS // _NW
_CH = 1024
_GB = 128

_B = 1024


def _sc_gather_body(hx, hy, hz, img, asu, qloc, sq, ztab, etab,
                    qg0, sg0, qg1, sg1, embg, z0g, z1g,
                    hb, kb, lb, ib, f0b, f1b, r0b, r1b,
                    q0b, s0b, q1b, s1b, eb, z0b, z1b, sem):
    wid = lax.axis_index("s") * _NC + lax.axis_index("c")

    def chunk(ci, carry):
        base = wid * _ROWS_W + ci * _CH
        pltpu.sync_copy(hx.at[pl.ds(base, _CH)], hb)
        pltpu.sync_copy(hy.at[pl.ds(base, _CH)], kb)
        pltpu.sync_copy(hz.at[pl.ds(base, _CH)], lb)
        pltpu.sync_copy(img.at[pl.ds(base, _CH)], ib)

        def lane(i, c2):
            sl = pl.ds(i * _LANES, _LANES)
            f = hb[sl] * (_GRID * _GRID) + kb[sl] * _GRID + lb[sl]
            f0b[sl] = f
            f1b[sl] = (_GRID * _GRID * _GRID - 1) - f
            return c2

        lax.fori_loop(0, _CH // _LANES, lane, 0)

        cps = []
        for j in range(_CH // _GB):
            sl = pl.ds(j * _GB, _GB)
            cps.append(pltpu.async_copy(asu.at[f0b.at[sl]], r0b.at[sl], sem))
            cps.append(pltpu.async_copy(asu.at[f1b.at[sl]], r1b.at[sl], sem))
        for cp in cps:
            cp.wait()

        cps = []
        for j in range(_CH // _GB):
            sl = pl.ds(j * _GB, _GB)
            cps.append(pltpu.async_copy(qloc.at[r0b.at[sl]], q0b.at[sl], sem))
            cps.append(pltpu.async_copy(sq.at[r0b.at[sl]], s0b.at[sl], sem))
            cps.append(pltpu.async_copy(qloc.at[r1b.at[sl]], q1b.at[sl], sem))
            cps.append(pltpu.async_copy(sq.at[r1b.at[sl]], s1b.at[sl], sem))
            cps.append(pltpu.async_copy(ztab.at[r0b.at[sl]], z0b.at[sl], sem))
            cps.append(pltpu.async_copy(ztab.at[r1b.at[sl]], z1b.at[sl], sem))
            cps.append(pltpu.async_copy(etab.at[ib.at[sl]], eb.at[sl], sem))
        for cp in cps:
            cp.wait()

        pltpu.sync_copy(q0b, qg0.at[pl.ds(base, _CH)])
        pltpu.sync_copy(s0b, sg0.at[pl.ds(base, _CH)])
        pltpu.sync_copy(q1b, qg1.at[pl.ds(base, _CH)])
        pltpu.sync_copy(s1b, sg1.at[pl.ds(base, _CH)])
        pltpu.sync_copy(eb, embg.at[pl.ds(base, _CH)])
        pltpu.sync_copy(z0b, z0g.at[pl.ds(base, _CH)])
        pltpu.sync_copy(z1b, z1g.at[pl.ds(base, _CH)])
        return carry

    lax.fori_loop(0, _ROWS_W // _CH, chunk, 0)


_sc_gather = pl.kernel(
    _sc_gather_body,
    out_type=(
        jax.ShapeDtypeStruct((_N_OBS,), jnp.float32),
        jax.ShapeDtypeStruct((_N_OBS,), jnp.float32),
        jax.ShapeDtypeStruct((_N_OBS,), jnp.float32),
        jax.ShapeDtypeStruct((_N_OBS,), jnp.float32),
        jax.ShapeDtypeStruct((_N_OBS, 16), jnp.float32),
        jax.ShapeDtypeStruct((_N_OBS, _MC), jnp.float32),
        jax.ShapeDtypeStruct((_N_OBS, _MC), jnp.float32),
    ),
    mesh=plsc.VectorSubcoreMesh(core_axis_name="c", subcore_axis_name="s",
                                num_cores=_NC, num_subcores=_NS),
    scratch_types=[
        pltpu.VMEM((_CH,), jnp.int32),
        pltpu.VMEM((_CH,), jnp.int32),
        pltpu.VMEM((_CH,), jnp.int32),
        pltpu.VMEM((_CH,), jnp.int32),
        pltpu.VMEM((_CH,), jnp.int32),
        pltpu.VMEM((_CH,), jnp.int32),
        pltpu.VMEM((_CH,), jnp.int32),
        pltpu.VMEM((_CH,), jnp.int32),
        pltpu.VMEM((_CH,), jnp.float32),
        pltpu.VMEM((_CH,), jnp.float32),
        pltpu.VMEM((_CH,), jnp.float32),
        pltpu.VMEM((_CH,), jnp.float32),
        pltpu.VMEM((_CH, 16), jnp.float32),
        pltpu.VMEM((_CH, _MC), jnp.float32),
        pltpu.VMEM((_CH, _MC), jnp.float32),
        pltpu.SemaphoreType.DMA,
    ],
    compiler_params=pltpu.CompilerParams(use_tc_tiling_on_sc=False),
)


def _bf16x3(x):
    hi = x.astype(jnp.bfloat16)
    lo = (x - hi.astype(jnp.float32)).astype(jnp.bfloat16)
    return hi, lo


def _dot3(x, y, dn):
    xh, xl = _bf16x3(x)
    yh, yl = _bf16x3(y)
    d = lambda a_, b_: lax.dot_general(a_, b_, dn,
                                       preferred_element_type=jnp.float32)
    return d(xh, yl) + d(xl, yh) + d(xh, yh)


def _tc_main_body(s0_ref, s1_ref, i_ref, sig_ref, md_ref, embg_ref,
                  epst_ref, z0_ref, z1_ref, w1m_ref, waug_ref, w2_ref,
                  b2_ref, l0_ref, l1_ref):
    iv = i_ref[...]
    sg = sig_ref[...]
    w1m = w1m_ref[...]
    dn_std = (((1,), (0,)), ((), ()))
    hsh = (_dot3(md_ref[...], w1m[0:16], dn_std)
           + _dot3(embg_ref[...], w1m[16:32], dn_std))
    eps = epst_ref[...]
    inv = 1.0 / sg
    u = -jnp.log(sg) - 0.5 * jnp.log(2.0 * jnp.pi)
    w2 = w2_ref[...]
    b2t = b2_ref[...]
    waug = waug_ref[...]
    for s_ref, z_ref, l_ref in ((s0_ref, z0_ref, l0_ref),
                                (s1_ref, z1_ref, l1_ref)):
        svals = s_ref[...]
        h = jnp.maximum(
            hsh + _dot3(svals, waug, (((0,), (0,)), ((), ()))), 0.0)
        outt = _dot3(w2, h, (((0,), (1,)), ((), ()))) + b2t
        a = outt[0:1, :]
        c = jax.nn.softplus(outt[1:2, :])
        zt = z_ref[...].T
        scale = a + c * eps
        resid = (iv - zt * scale) * inv
        acc = jnp.sum(resid * resid, axis=0, keepdims=True)
        l_ref[...] = u - (0.5 / _MC) * acc


def _tc_main(s0, s1, i_row, sig_row, md, embg, epst, z0g, z1g,
             w1m, waug, w2, b2):
    nblk = _N_OBS // _B
    col = lambda i: (0, i)
    return pl.pallas_call(
        _tc_main_body,
        grid=(nblk,),
        in_specs=[
            pl.BlockSpec((5, _B), col),
            pl.BlockSpec((5, _B), col),
            pl.BlockSpec((1, _B), col),
            pl.BlockSpec((1, _B), col),
            pl.BlockSpec((_B, 16), lambda i: (i, 0)),
            pl.BlockSpec((_B, 16), lambda i: (i, 0)),
            pl.BlockSpec((_MC, _B), col),
            pl.BlockSpec((_B, _MC), lambda i: (i, 0)),
            pl.BlockSpec((_B, _MC), lambda i: (i, 0)),
            pl.BlockSpec((32, 64), lambda i: (0, 0)),
            pl.BlockSpec((5, 64), lambda i: (0, 0)),
            pl.BlockSpec((64, 2), lambda i: (0, 0)),
            pl.BlockSpec((2, 1), lambda i: (0, 0)),
        ],
        out_specs=(pl.BlockSpec((1, _B), col), pl.BlockSpec((1, _B), col)),
        out_shape=(jax.ShapeDtypeStruct((1, _N_OBS), jnp.float32),
                   jax.ShapeDtypeStruct((1, _N_OBS), jnp.float32)),
    )(s0, s1, i_row, sig_row, md, embg, epst, z0g, z1g, w1m, waug, w2, b2)


def _sc_bins_body(l0, l1, ids, gend, gnext, bins_hbm,
                  l0b, l1b, idb, eb_, nb_, b0, b1, sem):
    wid = lax.axis_index("s") * _NC + lax.axis_index("c")

    def zero(i, c2):
        sl = pl.ds(i * _LANES, _LANES)
        b0[sl] = jnp.zeros((_LANES,), jnp.float32)
        b1[sl] = jnp.zeros((_LANES,), jnp.float32)
        return c2

    lax.fori_loop(0, _NBIN // _LANES, zero, 0)

    is_last = lax.iota(jnp.int32, _LANES) == (_LANES - 1)

    def chunk(ci, carry):
        base = wid * _ROWS_W + ci * _CH
        pltpu.sync_copy(l0.at[pl.ds(base, _CH)], l0b)
        pltpu.sync_copy(l1.at[pl.ds(base, _CH)], l1b)
        pltpu.sync_copy(ids.at[pl.ds(base, _CH)], idb)
        pltpu.sync_copy(gend.at[pl.ds(base, _CH)], eb_)
        pltpu.sync_copy(gnext.at[pl.ds(base, _CH)], nb_)

        def vreg(i, c2):
            sl = pl.ds(i * _LANES, _LANES)
            idv = idb[sl]
            endv = (eb_[sl] != 0) | is_last
            nxt = jnp.where(is_last, _N_IMG, nb_[sl])
            cs0 = plsc.cumsum(l0b[sl])
            cs1 = plsc.cumsum(l1b[sl])
            plsc.addupdate_scatter(b0, [idv], cs0, mask=endv)
            plsc.addupdate_scatter(b0, [nxt], -cs0, mask=endv)
            plsc.addupdate_scatter(b1, [idv], cs1, mask=endv)
            plsc.addupdate_scatter(b1, [nxt], -cs1, mask=endv)
            return c2

        lax.fori_loop(0, _CH // _LANES, vreg, 0)
        return carry

    lax.fori_loop(0, _ROWS_W // _CH, chunk, 0)
    pltpu.sync_copy(b0, bins_hbm.at[wid, 0])
    pltpu.sync_copy(b1, bins_hbm.at[wid, 1])


_sc_bins = pl.kernel(
    _sc_bins_body,
    out_type=jax.ShapeDtypeStruct((_NW, 2, _NBIN), jnp.float32),
    mesh=plsc.VectorSubcoreMesh(core_axis_name="c", subcore_axis_name="s",
                                num_cores=_NC, num_subcores=_NS),
    scratch_types=[
        pltpu.VMEM((_CH,), jnp.float32),
        pltpu.VMEM((_CH,), jnp.float32),
        pltpu.VMEM((_CH,), jnp.int32),
        pltpu.VMEM((_CH,), jnp.int32),
        pltpu.VMEM((_CH,), jnp.int32),
        pltpu.VMEM((_NBIN,), jnp.float32),
        pltpu.VMEM((_NBIN,), jnp.float32),
        pltpu.SemaphoreType.DMA,
    ],
    compiler_params=pltpu.CompilerParams(use_tc_tiling_on_sc=False,
                                         needs_layout_passes=False),
)


def _tc_finish_body(bins_ref, ql_ref, qr_ref, elbo_ref, op_ref):
    red = jnp.sum(bins_ref[...], axis=0)
    r0 = red[0, :_N_IMG] * (1.0 / _MC)
    r1 = red[1, :_N_IMG] * (1.0 / _MC)
    op_ref[...] = (r1 > r0).astype(jnp.int32)
    llmax = jnp.maximum(r0, r1)
    ql = ql_ref[...]
    sq = jax.nn.softplus(qr_ref[...])
    kl = jnp.mean(-jnp.log(sq) + 0.5 * (sq * sq + ql * ql - 1.0))
    elbo_ref[...] = jnp.reshape(-jnp.mean(llmax) + _KLW * kl, (1, 1))


def _tc_finish(bins, q_loc, q_raw_scale):
    return pl.pallas_call(
        _tc_finish_body,
        out_shape=(jax.ShapeDtypeStruct((1, 1), jnp.float32),
                   jax.ShapeDtypeStruct((_N_IMG,), jnp.int32)),
    )(bins, q_loc, q_raw_scale)


def kernel(hkl, I, SigI, image_id, metadata, q_loc, q_raw_scale,
           asu_lookup, image_emb, W1, b1, W2, b2):
    s_q = jax.nn.softplus(q_raw_scale)
    eps_z = jax.random.normal(jax.random.key(1), (_MC, _N_REFL), jnp.float32)
    ztab = q_loc[:, None] + s_q[:, None] * eps_z.T
    eps_s = jax.random.normal(jax.random.key(2), (_N_OBS, _MC), jnp.float32)
    hx = hkl[:, 0]
    hy = hkl[:, 1]
    hz = hkl[:, 2]
    asu_flat = asu_lookup.reshape(-1)
    qg0, sg0, qg1, sg1, embg, z0g, z1g = _sc_gather(
        hx, hy, hz, image_id, asu_flat, q_loc, s_q, ztab, image_emb)
    ones = jnp.ones((1, _N_OBS), jnp.float32)
    i_row = I.reshape(1, _N_OBS)
    sig_row = SigI.reshape(1, _N_OBS)
    s0 = jnp.concatenate([qg0.reshape(1, -1), sg0.reshape(1, -1),
                          i_row, sig_row, ones], axis=0)
    s1 = jnp.concatenate([qg1.reshape(1, -1), sg1.reshape(1, -1),
                          i_row, sig_row, ones], axis=0)
    w1m = W1[4:36]
    waug = jnp.concatenate([W1[0:4], b1.reshape(1, -1)], axis=0)
    l0, l1 = _tc_main(s0, s1, i_row, sig_row, metadata, embg, eps_s.T,
                      z0g, z1g, w1m, waug, W2, b2.reshape(2, 1))
    gend = jnp.concatenate(
        [(image_id[:-1] != image_id[1:]).astype(jnp.int32),
         jnp.ones((1,), jnp.int32)])
    gnext = jnp.concatenate(
        [image_id[1:], jnp.full((1,), _N_IMG, jnp.int32)])
    bins = _sc_bins(l0.reshape(-1), l1.reshape(-1), image_id, gend, gnext)
    elbo, op_idx = _tc_finish(bins, q_loc, q_raw_scale)
    return jnp.reshape(elbo, ()), op_idx

# --- scband reference (transcript-rebuilt; emitter-appended) ---
"""Pipeline reference for scband-merging-model-30374008717888 (READ-ONLY COPY).

The authoritative reference and input builder live on the scoring server;
editing this copy changes nothing except your own understanding.
"""

import jax, jax.numpy as jnp
import numpy as np

N_OBS = 262144
N_REFL = 65536
N_IMG = 1024
D_META = 16
D_IMG = 16
GRID = 65
MC = 32
HID = 64
KL_WEIGHT = 1.0


def setup_inputs(seed: int = 0) -> dict:
    key = jax.random.key(seed)
    ks = jax.random.split(key, 12)
    hkl = jax.random.randint(ks[0], (N_OBS, 3), 0, GRID, dtype=jnp.int32)
    I = jax.random.normal(ks[1], (N_OBS,), dtype=jnp.float32) + 2.0
    SigI = jax.random.uniform(ks[2], (N_OBS,), dtype=jnp.float32) + 0.1
    image_id = jnp.sort(jax.random.randint(ks[3], (N_OBS,), 0, N_IMG, dtype=jnp.int32))
    metadata = jax.random.normal(ks[4], (N_OBS, D_META), dtype=jnp.float32)
    # surrogate posterior parameters (Normal loc / raw scale per ASU reflection)
    q_loc = jax.random.normal(ks[5], (N_REFL,), dtype=jnp.float32)
    q_raw_scale = jax.random.normal(ks[6], (N_REFL,), dtype=jnp.float32) * 0.1
    # reciprocal_asu lookup: hkl grid -> reflection index
    asu_lookup = jax.random.randint(ks[7], (GRID, GRID, GRID), 0, N_REFL, dtype=jnp.int32)
    # scaling model parameters: per-image embedding + MLP
    image_emb = jax.random.normal(ks[8], (N_IMG, D_IMG), dtype=jnp.float32) * 0.1
    d_in = 2 + 2 + D_META + D_IMG
    W1 = jax.random.normal(ks[9], (d_in, HID), dtype=jnp.float32) * 0.1
    b1 = jnp.zeros((HID,), dtype=jnp.float32)
    W2 = jax.random.normal(ks[10], (HID, 2), dtype=jnp.float32) * 0.1
    b2 = jnp.zeros((2,), dtype=jnp.float32)
    return {"hkl": hkl, "I": I, "SigI": SigI, "image_id": image_id, "metadata": metadata,
            "q_loc": q_loc, "q_raw_scale": q_raw_scale, "asu_lookup": asu_lookup,
            "image_emb": image_emb, "W1": W1, "b1": b1, "W2": W2, "b2": b2}


def reference(hkl, I, SigI, image_id, metadata, q_loc, q_raw_scale, asu_lookup, image_emb, W1, b1, W2, b2):
    mc = MC
    s_q = jax.nn.softplus(q_raw_scale)
    # KL(N(q_loc, s_q) || N(0, 1)), analytic, mean over reflections
    kl_div = (-jnp.log(s_q) + 0.5 * (s_q ** 2 + q_loc ** 2 - 1.0)).mean()
    Imodel = jnp.stack([q_loc, s_q], axis=-1)          # [n_refl, 2]
    Iscale = jnp.stack([I, SigI], axis=-1)             # [n_obs, 2]
    # z = q.rsample((mc,))  -> [mc, n_refl]
    eps_z = jax.random.normal(jax.random.key(1), (mc, N_REFL), dtype=jnp.float32)
    z = q_loc[None, :] + s_q[None, :] * eps_z
    eps_s = jax.random.normal(jax.random.key(2), (hkl.shape[0], mc), dtype=jnp.float32)
    lls = []
    for op in range(2):  # reindexing ops: identity and hkl -> -hkl (grid-mirrored)
        _hkl = hkl if op == 0 else (GRID - 1) - hkl
        refl_id = asu_lookup[_hkl[:, 0], _hkl[:, 1], _hkl[:, 2]]  # gather
        # scaling model: MLP over [Imodel[refl_id], Iscale, metadata, image_emb[image_id]]
        feats = jnp.concatenate([Imodel[refl_id], Iscale, metadata, image_emb[image_id]], axis=-1)
        h = jax.nn.relu(feats @ W1 + b1)
        out = h @ W2 + b2
        scale = out[:, :1] + jax.nn.softplus(out[:, 1:]) * eps_s   # [n_obs, mc]
        Ipred = z.T[refl_id] * scale                               # [n_obs, mc]
        # normal log-likelihood of observed I under N(Ipred, SigI)
        ll = (-0.5 * ((I[:, None] - Ipred) / SigI[:, None]) ** 2
              - jnp.log(SigI)[:, None] - 0.5 * jnp.log(2.0 * jnp.pi))
        # sum_images: scatter-add per image, then / mc_samples
        ll_img = jax.ops.segment_sum(ll, image_id, num_segments=N_IMG) / mc
        lls.append(ll_img.mean(-1, keepdims=True))
    ll_all = jnp.concatenate(lls, axis=-1)   # [n_img, n_ops]
    ll_max = ll_all.max(-1)
    op_idx = ll_all.argmax(-1)
    elbo = -ll_max.mean() + KL_WEIGHT * kl_div
    return elbo, op_idx

if __name__ == "__main__":
    import jax
    _d = setup_inputs()
    print(jax.jit(kernel)(*tuple(_d.values())))

</pallas_src>

<mosaic_0001>
#map = affine_map<(d0, d1) -> (0)>
#map1 = affine_map<(d0, d1) -> (0, 0, 0)>
module attributes {stable_mosaic.version = 14 : i64} {
  func.func @_sc_bins_body(%arg0: i32, %arg1: i32, %arg2: memref<262144xf32, #tpu.memory_space<hbm>>, %arg3: memref<262144xf32, #tpu.memory_space<hbm>>, %arg4: memref<262144xi32, #tpu.memory_space<hbm>>, %arg5: memref<262144xi32, #tpu.memory_space<hbm>>, %arg6: memref<262144xi32, #tpu.memory_space<hbm>>, %arg7: memref<32x2x1040xf32, #tpu.memory_space<hbm>>, %arg8: memref<1024xf32, #tpu.memory_space<vmem>>, %arg9: memref<1024xf32, #tpu.memory_space<vmem>>, %arg10: memref<1024xi32, #tpu.memory_space<vmem>>, %arg11: memref<1024xi32, #tpu.memory_space<vmem>>, %arg12: memref<1024xi32, #tpu.memory_space<vmem>>, %arg13: memref<1040xf32, #tpu.memory_space<vmem>>, %arg14: memref<1040xf32, #tpu.memory_space<vmem>>, %arg15: memref<!tpu.dma_semaphore, #tpu.memory_space<semaphore_mem>>) attributes {dimension_semantics = [#tpu.dimension_semantics<core_parallel>, #tpu.dimension_semantics<subcore_parallel>], iteration_bounds = array<i64: 2, 16>, scalar_prefetch = 0 : i64, scratch_operands = 8 : i64, tpu.core_type = #tpu.core_type<sc_vector_subcore>, window_params = [{transform_indices = #map}, {transform_indices = #map}, {transform_indices = #map}, {transform_indices = #map}, {transform_indices = #map}, {transform_indices = #map1}]} {
    %mul3A = arith.constant 2 : i32
    %mul3A_0 = arith.muli %arg1, %mul3A : i32
    %add3A = arith.addi %mul3A_0, %arg0 : i32
    %scan3A = arith.constant 0 : i32
    %scan3A_1 = arith.constant 0 : i32
    %scan3A_2 = arith.constant 65 : i32
    %scan3A_3 = arith.addi %scan3A_1, %scan3A_2 : i32
    %scan3A_4 = arith.constant 1 : i32
    scf.for %scan3A_15 = %scan3A_1 to %scan3A_3 step %scan3A_4  : i32 {
      %mul3A_16 = arith.constant 16 : i32
      %mul3A_17 = arith.muli %scan3A_15, %mul3A_16 : i32
      %broadcast_in_dim3A = arith.constant 0.000000e+00 : f32
      %broadcast_in_dim3A_18 = vector.broadcast %broadcast_in_dim3A : f32 to vector<16xf32>
      %swap3A = arith.index_cast %mul3A_17 : i32 to index
      %swap3A_19 = tpu.vector_load %arg13[%swap3A] {strides = array<i32>} : memref<1040xf32, #tpu.memory_space<vmem>>, vector<16xf32>,
      tpu.vector_store %arg13[%swap3A], %broadcast_in_dim3A_18 {strides = array<i32>} : memref<1040xf32, #tpu.memory_space<vmem>>, vector<16xf32>,
      %broadcast_in_dim3A_20 = arith.constant 0.000000e+00 : f32
      %broadcast_in_dim3A_21 = vector.broadcast %broadcast_in_dim3A_20 : f32 to vector<16xf32>
      %swap3A_22 = arith.index_cast %mul3A_17 : i32 to index
      %swap3A_23 = tpu.vector_load %arg14[%swap3A_22] {strides = array<i32>} : memref<1040xf32, #tpu.memory_space<vmem>>, vector<16xf32>,
      tpu.vector_store %arg14[%swap3A_22], %broadcast_in_dim3A_21 {strides = array<i32>} : memref<1040xf32, #tpu.memory_space<vmem>>, vector<16xf32>,
    }
    %scan3A_5 = arith.constant 65 : i32
    %iota3A = tpu.iota {dimensions = array<i32: 0>} : vector<16xi32>
    %eq3A = arith.constant 15 : i32
    %eq3A_6 = vector.broadcast %eq3A : i32 to vector<16xi32>
    %eq3A_7 = arith.cmpi eq, %iota3A, %eq3A_6 : vector<16xi32>
    %scan3A_8 = arith.constant 0 : i32
    %scan3A_9 = arith.constant 0 : i32
    %scan3A_10 = arith.constant 8 : i32
    %scan3A_11 = arith.addi %scan3A_9, %scan3A_10 : i32
    %scan3A_12 = arith.constant 1 : i32
    scf.for %scan3A_15 = %scan3A_9 to %scan3A_11 step %scan3A_12  : i32 {
      %mul3A_16 = arith.constant 8192 : i32
      %mul3A_17 = arith.muli %add3A, %mul3A_16 : i32
      %mul3A_18 = arith.constant 1024 : i32
      %mul3A_19 = arith.muli %scan3A_15, %mul3A_18 : i32
      %add3A_20 = arith.addi %mul3A_17, %mul3A_19 : i32
      "tpu.region"() ({
        %run_scoped3A_27 = tpu.sem_alloc : memref<!tpu.dma_semaphore, #tpu.memory_space<semaphore_mem>>
        %dma_start3A = tpu.memref_slice %arg2[%add3A_20] : memref<262144xf32, #tpu.memory_space<hbm>> -> memref<1024xf32, #tpu.memory_space<hbm>>
        %dma_start3A_28 = tpu.memref_slice %arg2[%add3A_20] : memref<262144xf32, #tpu.memory_space<hbm>> -> memref<1024xf32, #tpu.memory_space<hbm>>
        tpu.enqueue_dma source(%dma_start3A_28 : memref<1024xf32, #tpu.memory_space<hbm>>) target(%arg8 : memref<1024xf32, #tpu.memory_space<vmem>>) target_semaphore(%run_scoped3A_27 : memref<!tpu.dma_semaphore, #tpu.memory_space<semaphore_mem>>)
        %dma_wait3A = tpu.memref_slice %arg2[%add3A_20] : memref<262144xf32, #tpu.memory_space<hbm>> -> memref<1024xf32, #tpu.memory_space<hbm>>
        %dma_wait3A_29 = tpu.memref_slice %arg2[%add3A_20] : memref<262144xf32, #tpu.memory_space<hbm>> -> memref<1024xf32, #tpu.memory_space<hbm>>
        tpu.wait_dma2 semaphore(%run_scoped3A_27 : memref<!tpu.dma_semaphore, #tpu.memory_space<semaphore_mem>>) src(%dma_wait3A_29 : memref<1024xf32, #tpu.memory_space<hbm>>) dst(%arg8 : memref<1024xf32, #tpu.memory_space<vmem>>)
        tpu.yield
      }) : () -> ()
      "tpu.region"() ({
        %run_scoped3A_27 = tpu.sem_alloc : memref<!tpu.dma_semaphore, #tpu.memory_space<semaphore_mem>>
        %dma_start3A = tpu.memref_slice %arg3[%add3A_20] : memref<262144xf32, #tpu.memory_space<hbm>> -> memref<1024xf32, #tpu.memory_space<hbm>>
        %dma_start3A_28 = tpu.memref_slice %arg3[%add3A_20] : memref<262144xf32, #tpu.memory_space<hbm>> -> memref<1024xf32, #tpu.memory_space<hbm>>
        tpu.enqueue_dma source(%dma_start3A_28 : memref<1024xf32, #tpu.memory_space<hbm>>) target(%arg9 : memref<1024xf32, #tpu.memory_space<vmem>>) target_semaphore(%run_scoped3A_27 : memref<!tpu.dma_semaphore, #tpu.memory_space<semaphore_mem>>)
        %dma_wait3A = tpu.memref_slice %arg3[%add3A_20] : memref<262144xf32, #tpu.memory_space<hbm>> -> memref<1024xf32, #tpu.memory_space<hbm>>
        %dma_wait3A_29 = tpu.memref_slice %arg3[%add3A_20] : memref<262144xf32, #tpu.memory_space<hbm>> -> memref<1024xf32, #tpu.memory_space<hbm>>
        tpu.wait_dma2 semaphore(%run_scoped3A_27 : memref<!tpu.dma_semaphore, #tpu.memory_space<semaphore_mem>>) src(%dma_wait3A_29 : memref<1024xf32, #tpu.memory_space<hbm>>) dst(%arg9 : memref<1024xf32, #tpu.memory_space<vmem>>)
        tpu.yield
      }) : () -> ()
      "tpu.region"() ({
        %run_scoped3A_27 = tpu.sem_alloc : memref<!tpu.dma_semaphore, #tpu.memory_space<semaphore_mem>>
        %dma_start3A = tpu.memref_slice %arg4[%add3A_20] : memref<262144xi32, #tpu.memory_space<hbm>> -> memref<1024xi32, #tpu.memory_space<hbm>>
        %dma_start3A_28 = tpu.memref_slice %arg4[%add3A_20] : memref<262144xi32, #tpu.memory_space<hbm>> -> memref<1024xi32, #tpu.memory_space<hbm>>
        tpu.enqueue_dma source(%dma_start3A_28 : memref<1024xi32, #tpu.memory_space<hbm>>) target(%arg10 : memref<1024xi32, #tpu.memory_space<vmem>>) target_semaphore(%run_scoped3A_27 : memref<!tpu.dma_semaphore, #tpu.memory_space<semaphore_mem>>)
        %dma_wait3A = tpu.memref_slice %arg4[%add3A_20] : memref<262144xi32, #tpu.memory_space<hbm>> -> memref<1024xi32, #tpu.memory_space<hbm>>
        %dma_wait3A_29 = tpu.memref_slice %arg4[%add3A_20] : memref<262144xi32, #tpu.memory_space<hbm>> -> memref<1024xi32, #tpu.memory_space<hbm>>
        tpu.wait_dma2 semaphore(%run_scoped3A_27 : memref<!tpu.dma_semaphore, #tpu.memory_space<semaphore_mem>>) src(%dma_wait3A_29 : memref<1024xi32, #tpu.memory_space<hbm>>) dst(%arg10 : memref<1024xi32, #tpu.memory_space<vmem>>)
        tpu.yield
      }) : () -> ()
      "tpu.region"() ({
        %run_scoped3A_27 = tpu.sem_alloc : memref<!tpu.dma_semaphore, #tpu.memory_space<semaphore_mem>>
        %dma_start3A = tpu.memref_slice %arg5[%add3A_20] : memref<262144xi32, #tpu.memory_space<hbm>> -> memref<1024xi32, #tpu.memory_space<hbm>>
        %dma_start3A_28 = tpu.memref_slice %arg5[%add3A_20] : memref<262144xi32, #tpu.memory_space<hbm>> -> memref<1024xi32, #tpu.memory_space<hbm>>
        tpu.enqueue_dma source(%dma_start3A_28 : memref<1024xi32, #tpu.memory_space<hbm>>) target(%arg11 : memref<1024xi32, #tpu.memory_space<vmem>>) target_semaphore(%run_scoped3A_27 : memref<!tpu.dma_semaphore, #tpu.memory_space<semaphore_mem>>)
        %dma_wait3A = tpu.memref_slice %arg5[%add3A_20] : memref<262144xi32, #tpu.memory_space<hbm>> -> memref<1024xi32, #tpu.memory_space<hbm>>
        %dma_wait3A_29 = tpu.memref_slice %arg5[%add3A_20] : memref<262144xi32, #tpu.memory_space<hbm>> -> memref<1024xi32, #tpu.memory_space<hbm>>
        tpu.wait_dma2 semaphore(%run_scoped3A_27 : memref<!tpu.dma_semaphore, #tpu.memory_space<semaphore_mem>>) src(%dma_wait3A_29 : memref<1024xi32, #tpu.memory_space<hbm>>) dst(%arg11 : memref<1024xi32, #tpu.memory_space<vmem>>)
        tpu.yield
      }) : () -> ()
      "tpu.region"() ({
        %run_scoped3A_27 = tpu.sem_alloc : memref<!tpu.dma_semaphore, #tpu.memory_space<semaphore_mem>>
        %dma_start3A = tpu.memref_slice %arg6[%add3A_20] : memref<262144xi32, #tpu.memory_space<hbm>> -> memref<1024xi32, #tpu.memory_space<hbm>>
        %dma_start3A_28 = tpu.memref_slice %arg6[%add3A_20] : memref<262144xi32, #tpu.memory_space<hbm>> -> memref<1024xi32, #tpu.memory_space<hbm>>
        tpu.enqueue_dma source(%dma_start3A_28 : memref<1024xi32, #tpu.memory_space<hbm>>) target(%arg12 : memref<1024xi32, #tpu.memory_space<vmem>>) target_semaphore(%run_scoped3A_27 : memref<!tpu.dma_semaphore, #tpu.memory_space<semaphore_mem>>)
        %dma_wait3A = tpu.memref_slice %arg6[%add3A_20] : memref<262144xi32, #tpu.memory_space<hbm>> -> memref<1024xi32, #tpu.memory_space<hbm>>
        %dma_wait3A_29 = tpu.memref_slice %arg6[%add3A_20] : memref<262144xi32, #tpu.memory_space<hbm>> -> memref<1024xi32, #tpu.memory_space<hbm>>
        tpu.wait_dma2 semaphore(%run_scoped3A_27 : memref<!tpu.dma_semaphore, #tpu.memory_space<semaphore_mem>>) src(%dma_wait3A_29 : memref<1024xi32, #tpu.memory_space<hbm>>) dst(%arg12 : memref<1024xi32, #tpu.memory_space<vmem>>)
        tpu.yield
      }) : () -> ()
      %scan3A_21 = arith.constant 0 : i32
      %scan3A_22 = arith.constant 0 : i32
      %scan3A_23 = arith.constant 64 : i32
      %scan3A_24 = arith.addi %scan3A_22, %scan3A_23 : i32
      %scan3A_25 = arith.constant 1 : i32
      scf.for %scan3A_27 = %scan3A_22 to %scan3A_24 step %scan3A_25  : i32 {
        %mul3A_28 = arith.constant 16 : i32
        %mul3A_29 = arith.muli %scan3A_27, %mul3A_28 : i32
        %get3A = arith.index_cast %mul3A_29 : i32 to index
        %get3A_30 = tpu.vector_load %arg10[%get3A] {strides = array<i32>} : memref<1024xi32, #tpu.memory_space<vmem>>, vector<16xi32>,
        %get3A_31 = vector.shape_cast %get3A_30 : vector<16xi32> to vector<16xi32>
        %get3A_32 = arith.index_cast %mul3A_29 : i32 to index
        %get3A_33 = tpu.vector_load %arg11[%get3A_32] {strides = array<i32>} : memref<1024xi32, #tpu.memory_space<vmem>>, vector<16xi32>,
        %get3A_34 = vector.shape_cast %get3A_33 : vector<16xi32> to vector<16xi32>
        %ne3A = arith.constant 0 : i32
        %ne3A_35 = vector.broadcast %ne3A : i32 to vector<16xi32>
        %ne3A_36 = arith.cmpi ne, %get3A_34, %ne3A_35 : vector<16xi32>
        %or3A = arith.ori %ne3A_36, %eq3A_7 : vector<16xi1>
        %get3A_37 = arith.index_cast %mul3A_29 : i32 to index
        %get3A_38 = tpu.vector_load %arg12[%get3A_37] {strides = array<i32>} : memref<1024xi32, #tpu.memory_space<vmem>>, vector<16xi32>,
        %get3A_39 = vector.shape_cast %get3A_38 : vector<16xi32> to vector<16xi32>
        %jit3A = arith.constant 1024 : i32
        %broadcast_in_dim3A = vector.broadcast %jit3A : i32 to vector<16xi32>
        %select_n3A = arith.select %eq3A_7, %broadcast_in_dim3A, %get3A_39 : vector<16xi1>, vector<16xi32>
        %get3A_40 = arith.index_cast %mul3A_29 : i32 to index
        %get3A_41 = tpu.vector_load %arg8[%get3A_40] {strides = array<i32>} : memref<1024xf32, #tpu.memory_space<vmem>>, vector<16xf32>,
        %broadcast_in_dim3A_42 = arith.constant true
        %broadcast_in_dim3A_43 = vector.broadcast %broadcast_in_dim3A_42 : i1 to vector<16xi1>
        %masked_cumsum3A = tpu.scan <sum>, %get3A_41 masked %broadcast_in_dim3A_43 : vector<16xf32>, vector<16xi1> -> vector<16xf32>
        %get3A_44 = arith.index_cast %mul3A_29 : i32 to index
        %get3A_45 = tpu.vector_load %arg9[%get3A_44] {strides = array<i32>} : memref<1024xf32, #tpu.memory_space<vmem>>, vector<16xf32>,
        %broadcast_in_dim3A_46 = arith.constant true
        %broadcast_in_dim3A_47 = vector.broadcast %broadcast_in_dim3A_46 : i1 to vector<16xi1>
        %masked_cumsum3A_48 = tpu.scan <sum>, %get3A_45 masked %broadcast_in_dim3A_47 : vector<16xf32>, vector<16xi1> -> vector<16xf32>
        tpu.vector_store_idx %arg13[%get3A_31], %masked_cumsum3A masked %or3A {add = true} : memref<1040xf32, #tpu.memory_space<vmem>>[vector<16xi32>], vector<16xf32>, vector<16xi1>
        %neg3A = arith.constant 0.000000e+00 : f32
        %neg3A_49 = vector.broadcast %neg3A : f32 to vector<16xf32>
        %neg3A_50 = arith.subf %neg3A_49, %masked_cumsum3A : vector<16xf32>
        tpu.vector_store_idx %arg13[%select_n3A], %neg3A_50 masked %or3A {add = true} : memref<1040xf32, #tpu.memory_space<vmem>>[vector<16xi32>], vector<16xf32>, vector<16xi1>
        tpu.vector_store_idx %arg14[%get3A_31], %masked_cumsum3A_48 masked %or3A {add = true} : memref<1040xf32, #tpu.memory_space<vmem>>[vector<16xi32>], vector<16xf32>, vector<16xi1>
        %neg3A_51 = arith.constant 0.000000e+00 : f32
        %neg3A_52 = vector.broadcast %neg3A_51 : f32 to vector<16xf32>
        %neg3A_53 = arith.subf %neg3A_52, %masked_cumsum3A_48 : vector<16xf32>
        tpu.vector_store_idx %arg14[%select_n3A], %neg3A_53 masked %or3A {add = true} : memref<1040xf32, #tpu.memory_space<vmem>>[vector<16xi32>], vector<16xf32>, vector<16xi1>
      }
      %scan3A_26 = arith.constant 64 : i32
    }
    %scan3A_13 = arith.constant 8 : i32
    %run_scoped3A = arith.constant 0 : i32
    "tpu.region"() ({
      %run_scoped3A_15 = tpu.sem_alloc : memref<!tpu.dma_semaphore, #tpu.memory_space<semaphore_mem>>
      %dma_start3A = arith.constant 0 : i32
      %dma_start3A_16 = tpu.memref_slice %arg7[%add3A, %run_scoped3A, %dma_start3A] : memref<32x2x1040xf32, #tpu.memory_space<hbm>> -> memref<1x1x1040xf32, #tpu.memory_space<hbm>>
      %dma_start3A_17 = tpu.memref_squeeze %dma_start3A_16 : memref<1x1x1040xf32, #tpu.memory_space<hbm>> -> memref<1040xf32, #tpu.memory_space<hbm>>
      %dma_start3A_18 = arith.constant 0 : i32
      %dma_start3A_19 = tpu.memref_slice %arg7[%add3A, %run_scoped3A, %dma_start3A_18] : memref<32x2x1040xf32, #tpu.memory_space<hbm>> -> memref<1x1x1040xf32, #tpu.memory_space<hbm>>
      %dma_start3A_20 = tpu.memref_squeeze %dma_start3A_19 : memref<1x1x1040xf32, #tpu.memory_space<hbm>> -> memref<1040xf32, #tpu.memory_space<hbm>>
      tpu.enqueue_dma source(%arg13 : memref<1040xf32, #tpu.memory_space<vmem>>) target(%dma_start3A_20 : memref<1040xf32, #tpu.memory_space<hbm>>) target_semaphore(%run_scoped3A_15 : memref<!tpu.dma_semaphore, #tpu.memory_space<semaphore_mem>>)
      %dma_wait3A = arith.constant 0 : i32
      %dma_wait3A_21 = tpu.memref_slice %arg7[%add3A, %run_scoped3A, %dma_wait3A] : memref<32x2x1040xf32, #tpu.memory_space<hbm>> -> memref<1x1x1040xf32, #tpu.memory_space<hbm>>
      %dma_wait3A_22 = tpu.memref_squeeze %dma_wait3A_21 : memref<1x1x1040xf32, #tpu.memory_space<hbm>> -> memref<1040xf32, #tpu.memory_space<hbm>>
      %dma_wait3A_23 = arith.constant 0 : i32
      %dma_wait3A_24 = tpu.memref_slice %arg7[%add3A, %run_scoped3A, %dma_wait3A_23] : memref<32x2x1040xf32, #tpu.memory_space<hbm>> -> memref<1x1x1040xf32, #tpu.memory_space<hbm>>
      %dma_wait3A_25 = tpu.memref_squeeze %dma_wait3A_24 : memref<1x1x1040xf32, #tpu.memory_space<hbm>> -> memref<1040xf32, #tpu.memory_space<hbm>>
      tpu.wait_dma2 semaphore(%run_scoped3A_15 : memref<!tpu.dma_semaphore, #tpu.memory_space<semaphore_mem>>) src(%arg13 : memref<1040xf32, #tpu.memory_space<vmem>>) dst(%dma_wait3A_25 : memref<1040xf32, #tpu.memory_space<hbm>>)
      tpu.yield
    }) : () -> ()
    %run_scoped3A_14 = arith.constant 1 : i32
    "tpu.region"() ({
      %run_scoped3A_15 = tpu.sem_alloc : memref<!tpu.dma_semaphore, #tpu.memory_space<semaphore_mem>>
      %dma_start3A = arith.constant 0 : i32
      %dma_start3A_16 = tpu.memref_slice %arg7[%add3A, %run_scoped3A_14, %dma_start3A] : memref<32x2x1040xf32, #tpu.memory_space<hbm>> -> memref<1x1x1040xf32, #tpu.memory_space<hbm>>
      %dma_start3A_17 = tpu.memref_squeeze %dma_start3A_16 : memref<1x1x1040xf32, #tpu.memory_space<hbm>> -> memref<1040xf32, #tpu.memory_space<hbm>>
      %dma_start3A_18 = arith.constant 0 : i32
      %dma_start3A_19 = tpu.memref_slice %arg7[%add3A, %run_scoped3A_14, %dma_start3A_18] : memref<32x2x1040xf32, #tpu.memory_space<hbm>> -> memref<1x1x1040xf32, #tpu.memory_space<hbm>>
      %dma_start3A_20 = tpu.memref_squeeze %dma_start3A_19 : memref<1x1x1040xf32, #tpu.memory_space<hbm>> -> memref<1040xf32, #tpu.memory_space<hbm>>
      tpu.enqueue_dma source(%arg14 : memref<1040xf32, #tpu.memory_space<vmem>>) target(%dma_start3A_20 : memref<1040xf32, #tpu.memory_space<hbm>>) target_semaphore(%run_scoped3A_15 : memref<!tpu.dma_semaphore, #tpu.memory_space<semaphore_mem>>)
      %dma_wait3A = arith.constant 0 : i32
      %dma_wait3A_21 = tpu.memref_slice %arg7[%add3A, %run_scoped3A_14, %dma_wait3A] : memref<32x2x1040xf32, #tpu.memory_space<hbm>> -> memref<1x1x1040xf32, #tpu.memory_space<hbm>>
      %dma_wait3A_22 = tpu.memref_squeeze %dma_wait3A_21 : memref<1x1x1040xf32, #tpu.memory_space<hbm>> -> memref<1040xf32, #tpu.memory_space<hbm>>
      %dma_wait3A_23 = arith.constant 0 : i32
      %dma_wait3A_24 = tpu.memref_slice %arg7[%add3A, %run_scoped3A_14, %dma_wait3A_23] : memref<32x2x1040xf32, #tpu.memory_space<hbm>> -> memref<1x1x1040xf32, #tpu.memory_space<hbm>>
      %dma_wait3A_25 = tpu.memref_squeeze %dma_wait3A_24 : memref<1x1x1040xf32, #tpu.memory_space<hbm>> -> memref<1040xf32, #tpu.memory_space<hbm>>
      tpu.wait_dma2 semaphore(%run_scoped3A_15 : memref<!tpu.dma_semaphore, #tpu.memory_space<semaphore_mem>>) src(%arg14 : memref<1040xf32, #tpu.memory_space<vmem>>) dst(%dma_wait3A_25 : memref<1040xf32, #tpu.memory_space<hbm>>)
      tpu.yield
    }) : () -> ()
    return
  }
}

#map = affine_map<(d0, d1) -> (0)>
#map1 = affine_map<(d0, d1) -> (0, 0)>
module attributes {stable_mosaic.version = 14 : i64} {
  func.func @_sc_gather_body(%arg0: i32, %arg1: i32, %arg2: memref<262144xi32, #tpu.memory_space<hbm>>, %arg3: memref<262144xi32, #tpu.memory_space<hbm>>, %arg4: memref<262144xi32, #tpu.memory_space<hbm>>, %arg5: memref<262144xi32, #tpu.memory_space<hbm>>, %arg6: memref<274625xi32, #tpu.memory_space<hbm>>, %arg7: memref<65536xf32, #tpu.memory_space<hbm>>, %arg8: memref<65536xf32, #tpu.memory_space<hbm>>, %arg9: memref<65536x32xf32, #tpu.memory_space<hbm>>, %arg10: memref<1024x16xf32, #tpu.memory_space<hbm>>, %arg11: memref<262144xf32, #tpu.memory_space<hbm>>, %arg12: memref<262144xf32, #tpu.memory_space<hbm>>, %arg13: memref<262144xf32, #tpu.memory_space<hbm>>, %arg14: memref<262144xf32, #tpu.memory_space<hbm>>, %arg15: memref<262144x16xf32, #tpu.memory_space<hbm>>, %arg16: memref<262144x32xf32, #tpu.memory_space<hbm>>, %arg17: memref<262144x32xf32, #tpu.memory_space<hbm>>, %arg18: memref<1024xi32, #tpu.memory_space<vmem>>, %arg19: memref<1024xi32, #tpu.memory_space<vmem>>, %arg20: memref<1024xi32, #tpu.memory_space<vmem>>, %arg21: memref<1024xi32, #tpu.memory_space<vmem>>, %arg22: memref<1024xi32, #tpu.memory_space<vmem>>, %arg23: memref<1024xi32, #tpu.memory_space<vmem>>, %arg24: memref<1024xi32, #tpu.memory_space<vmem>>, %arg25: memref<1024xi32, #tpu.memory_space<vmem>>, %arg26: memref<1024xf32, #tpu.memory_space<vmem>>, %arg27: memref<1024xf32, #tpu.memory_space<vmem>>, %arg28: memref<1024xf32, #tpu.memory_space<vmem>>, %arg29: memref<1024xf32, #tpu.memory_space<vmem>>, %arg30: memref<1024x16xf32, #tpu.memory_space<vmem>>, %arg31: memref<1024x32xf32, #tpu.memory_space<vmem>>, %arg32: memref<1024x32xf32, #tpu.memory_space<vmem>>, %arg33: memref<!tpu.dma_semaphore, #tpu.memory_space<semaphore_mem>>) attributes {dimension_semantics = [#tpu.dimension_semantics<core_parallel>, #tpu.dimension_semantics<subcore_parallel>], iteration_bounds = array<i64: 2, 16>, scalar_prefetch = 0 : i64, scratch_operands = 16 : i64, tpu.core_type = #tpu.core_type<sc_vector_subcore>, window_params = [{transform_indices = #map}, {transform_indices = #map}, {transform_indices = #map}, {transform_indices = #map}, {transform_indices = #map}, {transform_indices = #map}, {transform_indices = #map}, {transform_indices = #map1}, {transform_indices = #map1}, {transform_indices = #map}, {transform_indices = #map}, {transform_indices = #map}, {transform_indices = #map}, {transform_indices = #map1}, {transform_indices = #map1}, {transform_indices = #map1}]} {
    %mul3A = arith.constant 2 : i32
    %mul3A_0 = arith.muli %arg1, %mul3A : i32
    %add3A = arith.addi %mul3A_0, %arg0 : i32
    %scan3A = arith.constant 0 : i32
    %scan3A_1 = arith.constant 0 : i32
    %scan3A_2 = arith.constant 8 : i32
    %scan3A_3 = arith.addi %scan3A_1, %scan3A_2 : i32
    %scan3A_4 = arith.constant 1 : i32
    scf.for %scan3A_6 = %scan3A_1 to %scan3A_3 step %scan3A_4  : i32 {
      %mul3A_7 = arith.constant 8192 : i32
      %mul3A_8 = arith.muli %add3A, %mul3A_7 : i32
      %mul3A_9 = arith.constant 1024 : i32
      %mul3A_10 = arith.muli %scan3A_6, %mul3A_9 : i32
      %add3A_11 = arith.addi %mul3A_8, %mul3A_10 : i32
      "tpu.region"() ({
        %run_scoped3A = tpu.sem_alloc : memref<!tpu.dma_semaphore, #tpu.memory_space<semaphore_mem>>
        %dma_start3A_976 = tpu.memref_slice %arg2[%add3A_11] : memref<262144xi32, #tpu.memory_space<hbm>> -> memref<1024xi32, #tpu.memory_space<hbm>>
        %dma_start3A_977 = tpu.memref_slice %arg2[%add3A_11] : memref<262144xi32, #tpu.memory_space<hbm>> -> memref<1024xi32, #tpu.memory_space<hbm>>
        tpu.enqueue_dma source(%dma_start3A_977 : memref<1024xi32, #tpu.memory_space<hbm>>) target(%arg18 : memref<1024xi32, #tpu.memory_space<vmem>>) target_semaphore(%run_scoped3A : memref<!tpu.dma_semaphore, #tpu.memory_space<semaphore_mem>>)
        %dma_wait3A_978 = tpu.memref_slice %arg2[%add3A_11] : memref<262144xi32, #tpu.memory_space<hbm>> -> memref<1024xi32, #tpu.memory_space<hbm>>
        %dma_wait3A_979 = tpu.memref_slice %arg2[%add3A_11] : memref<262144xi32, #tpu.memory_space<hbm>> -> memref<1024xi32, #tpu.memory_space<hbm>>
        tpu.wait_dma2 semaphore(%run_scoped3A : memref<!tpu.dma_semaphore, #tpu.memory_space<semaphore_mem>>) src(%dma_wait3A_979 : memref<1024xi32, #tpu.memory_space<hbm>>) dst(%arg18 : memref<1024xi32, #tpu.memory_space<vmem>>)
        tpu.yield
      }) : () -> ()
      "tpu.region"() ({
        %run_scoped3A = tpu.sem_alloc : memref<!tpu.dma_semaphore, #tpu.memory_space<semaphore_mem>>
        %dma_start3A_976 = tpu.memref_slice %arg3[%add3A_11] : memref<262144xi32, #tpu.memory_space<hbm>> -> memref<1024xi32, #tpu.memory_space<hbm>>
        %dma_start3A_977 = tpu.memref_slice %arg3[%add3A_11] : memref<262144xi32, #tpu.memory_space<hbm>> -> memref<1024xi32, #tpu.memory_space<hbm>>
        tpu.enqueue_dma source(%dma_start3A_977 : memref<1024xi32, #tpu.memory_space<hbm>>) target(%arg19 : memref<1024xi32, #tpu.memory_space<vmem>>) target_semaphore(%run_scoped3A : memref<!tpu.dma_semaphore, #tpu.memory_space<semaphore_mem>>)
        %dma_wait3A_978 = tpu.memref_slice %arg3[%add3A_11] : memref<262144xi32, #tpu.memory_space<hbm>> -> memref<1024xi32, #tpu.memory_space<hbm>>
        %dma_wait3A_979 = tpu.memref_slice %arg3[%add3A_11] : memref<262144xi32, #tpu.memory_space<hbm>> -> memref<1024xi32, #tpu.memory_space<hbm>>
        tpu.wait_dma2 semaphore(%run_scoped3A : memref<!tpu.dma_semaphore, #tpu.memory_space<semaphore_mem>>) src(%dma_wait3A_979 : memref<1024xi32, #tpu.memory_space<hbm>>) dst(%arg19 : memref<1024xi32, #tpu.memory_space<vmem>>)
        tpu.yield
      }) : () -> ()
      "tpu.region"() ({
        %run_scoped3A = tpu.sem_alloc : memref<!tpu.dma_semaphore, #tpu.memory_space<semaphore_mem>>
        %dma_start3A_976 = tpu.memref_slice %arg4[%add3A_11] : memref<262144xi32, #tpu.memory_space<hbm>> -> memref<1024xi32, #tpu.memory_space<hbm>>
        %dma_start3A_977 = tpu.memref_slice %arg4[%add3A_11] : memref<262144xi32, #tpu.memory_space<hbm>> -> memref<1024xi32, #tpu.memory_space<hbm>>
        tpu.enqueue_dma source(%dma_start3A_977 : memref<1024xi32, #tpu.memory_space<hbm>>) target(%arg20 : memref<1024xi32, #tpu.memory_space<vmem>>) target_semaphore(%run_scoped3A : memref<!tpu.dma_semaphore, #tpu.memory_space<semaphore_mem>>)
        %dma_wait3A_978 = tpu.memref_slice %arg4[%add3A_11] : memref<262144xi32, #tpu.memory_space<hbm>> -> memref<1024xi32, #tpu.memory_space<hbm>>
        %dma_wait3A_979 = tpu.memref_slice %arg4[%add3A_11] : memref<262144xi32, #tpu.memory_space<hbm>> -> memref<1024xi32, #tpu.memory_space<hbm>>
        tpu.wait_dma2 semaphore(%run_scoped3A : memref<!tpu.dma_semaphore, #tpu.memory_space<semaphore_mem>>) src(%dma_wait3A_979 : memref<1024xi32, #tpu.memory_space<hbm>>) dst(%arg20 : memref<1024xi32, #tpu.memory_space<vmem>>)
        tpu.yield
      }) : () -> ()
      "tpu.region"() ({
        %run_scoped3A = tpu.sem_alloc : memref<!tpu.dma_semaphore, #tpu.memory_space<semaphore_mem>>
        %dma_start3A_976 = tpu.memref_slice %arg5[%add3A_11] : memref<262144xi32, #tpu.memory_space<hbm>> -> memref<1024xi32, #tpu.memory_space<hbm>>
        %dma_start3A_977 = tpu.memref_slice %arg5[%add3A_11] : memref<262144xi32, #tpu.memory_space<hbm>> -> memref<1024xi32, #tpu.memory_space<hbm>>
        tpu.enqueue_dma source(%dma_start3A_977 : memref<1024xi32, #tpu.memory_space<hbm>>) target(%arg21 : memref<1024xi32, #tpu.memory_space<vmem>>) target_semaphore(%run_scoped3A : memref<!tpu.dma_semaphore, #tpu.memory_space<semaphore_mem>>)
        %dma_wait3A_978 = tpu.memref_slice %arg5[%add3A_11] : memref<262144xi32, #tpu.memory_space<hbm>> -> memref<1024xi32, #tpu.memory_space<hbm>>
        %dma_wait3A_979 = tpu.memref_slice %arg5[%add3A_11] : memref<262144xi32, #tpu.memory_space<hbm>> -> memref<1024xi32, #tpu.memory_space<hbm>>
        tpu.wait_dma2 semaphore(%run_scoped3A : memref<!tpu.dma_semaphore, #tpu.memory_space<semaphore_mem>>) src(%dma_wait3A_979 : memref<1024xi32, #tpu.memory_space<hbm>>) dst(%arg21 : memref<1024xi32, #tpu.memory_space<vmem>>)
        tpu.yield
      }) : () -> ()
      %scan3A_12 = arith.constant 0 : i32
      %scan3A_13 = arith.constant 0 : i32
      %scan3A_14 = arith.constant 64 : i32
      %scan3A_15 = arith.addi %scan3A_13, %scan3A_14 : i32
      %scan3A_16 = arith.constant 1 : i32
      scf.for %scan3A_976 = %scan3A_13 to %scan3A_15 step %scan3A_16  : i32 {
        %mul3A_977 = arith.constant 16 : i32
        %mul3A_978 = arith.muli %scan3A_976, %mul3A_977 : i32
        %get3A = arith.index_cast %mul3A_978 : i32 to index
        %get3A_979 = tpu.vector_load %arg18[%get3A] {strides = array<i32>} : memref<1024xi32, #tpu.memory_space<vmem>>, vector<16xi32>,
        %get3A_980 = vector.shape_cast %get3A_979 : vector<16xi32> to vector<16xi32>
        %mul3A_981 = arith.constant 4225 : i32
        %mul3A_982 = vector.broadcast %mul3A_981 : i32 to vector<16xi32>
        %mul3A_983 = arith.muli %get3A_980, %mul3A_982 : vector<16xi32>
        %get3A_984 = arith.index_cast %mul3A_978 : i32 to index
        %get3A_985 = tpu.vector_load %arg19[%get3A_984] {strides = array<i32>} : memref<1024xi32, #tpu.memory_space<vmem>>, vector<16xi32>,
        %get3A_986 = vector.shape_cast %get3A_985 : vector<16xi32> to vector<16xi32>
        %mul3A_987 = arith.constant 65 : i32
        %mul3A_988 = vector.broadcast %mul3A_987 : i32 to vector<16xi32>
        %mul3A_989 = arith.muli %get3A_986, %mul3A_988 : vector<16xi32>
        %add3A_990 = arith.addi %mul3A_983, %mul3A_989 : vector<16xi32>
        %get3A_991 = arith.index_cast %mul3A_978 : i32 to index
        %get3A_992 = tpu.vector_load %arg20[%get3A_991] {strides = array<i32>} : memref<1024xi32, #tpu.memory_space<vmem>>, vector<16xi32>,
        %get3A_993 = vector.shape_cast %get3A_992 : vector<16xi32> to vector<16xi32>
        %add3A_994 = arith.addi %add3A_990, %get3A_993 : vector<16xi32>
        %swap3A = arith.index_cast %mul3A_978 : i32 to index
        %swap3A_995 = tpu.vector_load %arg22[%swap3A] {strides = array<i32>} : memref<1024xi32, #tpu.memory_space<vmem>>, vector<16xi32>,
        %swap3A_996 = vector.shape_cast %swap3A_995 : vector<16xi32> to vector<16xi32>
        %swap3A_997 = vector.shape_cast %add3A_994 : vector<16xi32> to vector<16xi32>
        tpu.vector_store %arg22[%swap3A], %swap3A_997 {strides = array<i32>} : memref<1024xi32, #tpu.memory_space<vmem>>, vector<16xi32>,
        %sub3A = arith.constant 274624 : i32
        %sub3A_998 = vector.broadcast %sub3A : i32 to vector<16xi32>
        %sub3A_999 = arith.subi %sub3A_998, %add3A_994 : vector<16xi32>
        %swap3A_1000 = arith.index_cast %mul3A_978 : i32 to index
        %swap3A_1001 = tpu.vector_load %arg23[%swap3A_1000] {strides = array<i32>} : memref<1024xi32, #tpu.memory_space<vmem>>, vector<16xi32>,
        %swap3A_1002 = vector.shape_cast %swap3A_1001 : vector<16xi32> to vector<16xi32>
        %swap3A_1003 = vector.shape_cast %sub3A_999 : vector<16xi32> to vector<16xi32>
        tpu.vector_store %arg23[%swap3A_1000], %swap3A_1003 {strides = array<i32>} : memref<1024xi32, #tpu.memory_space<vmem>>, vector<16xi32>,
      }
      %scan3A_17 = arith.constant 64 : i32
      %dma_start3A = arith.constant 0 : i32
      %dma_start3A_18 = tpu.memref_slice %arg24[%dma_start3A] : memref<1024xi32, #tpu.memory_space<vmem>> -> memref<128xi32, #tpu.memory_space<vmem>>
      %dma_start3A_19 = arith.constant 0 : i32
      %dma_start3A_20 = tpu.memref_slice %arg22[%dma_start3A_19] : memref<1024xi32, #tpu.memory_space<vmem>> -> memref<128xi32, #tpu.memory_space<vmem>>
      %dma_start3A_21 = arith.constant 0 : i32
      %dma_start3A_22 = tpu.memref_slice %arg6[%dma_start3A_21] : memref<274625xi32, #tpu.memory_space<hbm>> -> memref<274625xi32, #tpu.memory_space<hbm>>
      tpu.enqueue_indirect_dma source(%dma_start3A_22 : memref<274625xi32, #tpu.memory_space<hbm>>) target(%dma_start3A_18 : memref<128xi32, #tpu.memory_space<vmem>>) offsets(%dma_start3A_20 : memref<128xi32, #tpu.memory_space<vmem>>) semaphore(%arg33 : memref<!tpu.dma_semaphore, #tpu.memory_space<semaphore_mem>>)
      %dma_start3A_23 = arith.constant 0 : i32
      %dma_start3A_24 = tpu.memref_slice %arg25[%dma_start3A_23] : memref<1024xi32, #tpu.memory_space<vmem>> -> memref<128xi32, #tpu.memory_space<vmem>>
      %dma_start3A_25 = arith.constant 0 : i32
      %dma_start3A_26 = tpu.memref_slice %arg23[%dma_start3A_25] : memref<1024xi32, #tpu.memory_space<vmem>> -> memref<128xi32, #tpu.memory_space<vmem>>
      %dma_start3A_27 = arith.constant 0 : i32
      %dma_start3A_28 = tpu.memref_slice %arg6[%dma_start3A_27] : memref<274625xi32, #tpu.memory_space<hbm>> -> memref<274625xi32, #tpu.memory_space<hbm>>
      tpu.enqueue_indirect_dma source(%dma_start3A_28 : memref<274625xi32, #tpu.memory_space<hbm>>) target(%dma_start3A_24 : memref<128xi32, #tpu.memory_space<vmem>>) offsets(%dma_start3A_26 : memref<128xi32, #tpu.memory_space<vmem>>) semaphore(%arg33 : memref<!tpu.dma_semaphore, #tpu.memory_space<semaphore_mem>>)
      %dma_start3A_29 = arith.constant 128 : i32
      %dma_start3A_30 = tpu.memref_slice %arg24[%dma_start3A_29] : memref<1024xi32, #tpu.memory_space<vmem>> -> memref<128xi32, #tpu.memory_space<vmem>>
      %dma_start3A_31 = arith.constant 128 : i32
      %dma_start3A_32 = tpu.memref_slice %arg22[%dma_start3A_31] : memref<1024xi32, #tpu.memory_space<vmem>> -> memref<128xi32, #tpu.memory_space<vmem>>
      %dma_start3A_33 = arith.constant 0 : i32
      %dma_start3A_34 = tpu.memref_slice %arg6[%dma_start3A_33] : memref<274625xi32, #tpu.memory_space<hbm>> -> memref<274625xi32, #tpu.memory_space<hbm>>
      tpu.enqueue_indirect_dma source(%dma_start3A_34 : memref<274625xi32, #tpu.memory_space<hbm>>) target(%dma_start3A_30 : memref<128xi32, #tpu.memory_space<vmem>>) offsets(%dma_start3A_32 : memref<128xi32, #tpu.memory_space<vmem>>) semaphore(%arg33 : memref<!tpu.dma_semaphore, #tpu.memory_space<semaphore_mem>>)
      %dma_start3A_35 = arith.constant 128 : i32
      %dma_start3A_36 = tpu.memref_slice %arg25[%dma_start3A_35] : memref<1024xi32, #tpu.memory_space<vmem>> -> memref<128xi32, #tpu.memory_space<vmem>>
      %dma_start3A_37 = arith.constant 128 : i32
      %dma_start3A_38 = tpu.memref_slice %arg23[%dma_start3A_37] : memref<1024xi32, #tpu.memory_space<vmem>> -> memref<128xi32, #tpu.memory_space<vmem>>
      %dma_start3A_39 = arith.constant 0 : i32
      %dma_start3A_40 = tpu.memref_slice %arg6[%dma_start3A_39] : memref<274625xi32, #tpu.memory_space<hbm>> -> memref<274625xi32, #tpu.memory_space<hbm>>
      tpu.enqueue_indirect_dma source(%dma_start3A_40 : memref<274625xi32, #tpu.memory_space<hbm>>) target(%dma_start3A_36 : memref<128xi32, #tpu.memory_space<vmem>>) offsets(%dma_start3A_38 : memref<128xi32, #tpu.memory_space<vmem>>) semaphore(%arg33 : memref<!tpu.dma_semaphore, #tpu.memory_space<semaphore_mem>>)
      %dma_start3A_41 = arith.constant 256 : i32
      %dma_start3A_42 = tpu.memref_slice %arg24[%dma_start3A_41] : memref<1024xi32, #tpu.memory_space<vmem>> -> memref<128xi32, #tpu.memory_space<vmem>>
      %dma_start3A_43 = arith.constant 256 : i32
      %dma_start3A_44 = tpu.memref_slice %arg22[%dma_start3A_43] : memref<1024xi32, #tpu.memory_space<vmem>> -> memref<128xi32, #tpu.memory_space<vmem>>
      %dma_start3A_45 = arith.constant 0 : i32
      %dma_start3A_46 = tpu.memref_slice %arg6[%dma_start3A_45] : memref<274625xi32, #tpu.memory_space<hbm>> -> memref<274625xi32, #tpu.memory_space<hbm>>
      tpu.enqueue_indirect_dma source(%dma_start3A_46 : memref<274625xi32, #tpu.memory_space<hbm>>) target(%dma_start3A_42 : memref<128xi32, #tpu.memory_space<vmem>>) offsets(%dma_start3A_44 : memref<128xi32, #tpu.memory_space<vmem>>) semaphore(%arg33 : memref<!tpu.dma_semaphore, #tpu.memory_space<semaphore_mem>>)
      %dma_start3A_47 = arith.constant 256 : i32
      %dma_start3A_48 = tpu.memref_slice %arg25[%dma_start3A_47] : memref<1024xi32, #tpu.memory_space<vmem>> -> memref<128xi32, #tpu.memory_space<vmem>>
      %dma_start3A_49 = arith.constant 256 : i32
      %dma_start3A_50 = tpu.memref_slice %arg23[%dma_start3A_49] : memref<1024xi32, #tpu.memory_space<vmem>> -> memref<128xi32, #tpu.memory_space<vmem>>
      %dma_start3A_51 = arith.constant 0 : i32
      %dma_start3A_52 = tpu.memref_slice %arg6[%dma_start3A_51] : memref<274625xi32, #tpu.memory_space<hbm>> -> memref<274625xi32, #tpu.memory_space<hbm>>
      tpu.enqueue_indirect_dma source(%dma_start3A_52 : memref<274625xi32, #tpu.memory_space<hbm>>) target(%dma_start3A_48 : memref<128xi32, #tpu.memory_space<vmem>>) offsets(%dma_start3A_50 : memref<128xi32, #tpu.memory_space<vmem>>) semaphore(%arg33 : memref<!tpu.dma_semaphore, #tpu.memory_space<semaphore_mem>>)
      %dma_start3A_53 = arith.constant 384 : i32
      %dma_start3A_54 = tpu.memref_slice %arg24[%dma_start3A_53] : memref<1024xi32, #tpu.memory_space<vmem>> -> memref<128xi32, #tpu.memory_space<vmem>>
      %dma_start3A_55 = arith.constant 384 : i32
      %dma_start3A_56 = tpu.memref_slice %arg22[%dma_start3A_55] : memref<1024xi32, #tpu.memory_space<vmem>> -> memref<128xi32, #tpu.memory_space<vmem>>
      %dma_start3A_57 = arith.constant 0 : i32
      %dma_start3A_58 = tpu.memref_slice %arg6[%dma_start3A_57] : memref<274625xi32, #tpu.memory_space<hbm>> -> memref<274625xi32, #tpu.memory_space<hbm>>
      tpu.enqueue_indirect_dma source(%dma_start3A_58 : memref<274625xi32, #tpu.memory_space<hbm>>) target(%dma_start3A_54 : memref<128xi32, #tpu.memory_space<vmem>>) offsets(%dma_start3A_56 : memref<128xi32, #tpu.memory_space<vmem>>) semaphore(%arg33 : memref<!tpu.dma_semaphore, #tpu.memory_space<semaphore_mem>>)
      %dma_start3A_59 = arith.constant 384 : i32
      %dma_start3A_60 = tpu.memref_slice %arg25[%dma_start3A_59] : memref<1024xi32, #tpu.memory_space<vmem>> -> memref<128xi32, #tpu.memory_space<vmem>>
      %dma_start3A_61 = arith.constant 384 : i32
      %dma_start3A_62 = tpu.memref_slice %arg23[%dma_start3A_61] : memref<1024xi32, #tpu.memory_space<vmem>> -> memref<128xi32, #tpu.memory_space<vmem>>
      %dma_start3A_63 = arith.constant 0 : i32
      %dma_start3A_64 = tpu.memref_slice %arg6[%dma_start3A_63] : memref<274625xi32, #tpu.memory_space<hbm>> -> memref<274625xi32, #tpu.memory_space<hbm>>
      tpu.enqueue_indirect_dma source(%dma_start3A_64 : memref<274625xi32, #tpu.memory_space<hbm>>) target(%dma_start3A_60 : memref<128xi32, #tpu.memory_space<vmem>>) offsets(%dma_start3A_62 : memref<128xi32, #tpu.memory_space<vmem>>) semaphore(%arg33 : memref<!tpu.dma_semaphore, #tpu.memory_space<semaphore_mem>>)
      %dma_start3A_65 = arith.constant 512 : i32
      %dma_start3A_66 = tpu.memref_slice %arg24[%dma_start3A_65] : memref<1024xi32, #tpu.memory_space<vmem>> -> memref<128xi32, #tpu.memory_space<vmem>>
      %dma_start3A_67 = arith.constant 512 : i32
      %dma_start3A_68 = tpu.memref_slice %arg22[%dma_start3A_67] : memref<1024xi32, #tpu.memory_space<vmem>> -> memref<128xi32, #tpu.memory_space<vmem>>
      %dma_start3A_69 = arith.constant 0 : i32
      %dma_start3A_70 = tpu.memref_slice %arg6[%dma_start3A_69] : memref<274625xi32, #tpu.memory_space<hbm>> -> memref<274625xi32, #tpu.memory_space<hbm>>
      tpu.enqueue_indirect_dma source(%dma_start3A_70 : memref<274625xi32, #tpu.memory_space<hbm>>) target(%dma_start3A_66 : memref<128xi32, #tpu.memory_space<vmem>>) offsets(%dma_start3A_68 : memref<128xi32, #tpu.memory_space<vmem>>) semaphore(%arg33 : memref<!tpu.dma_semaphore, #tpu.memory_space<semaphore_mem>>)
      %dma_start3A_71 = arith.constant 512 : i32
      %dma_start3A_72 = tpu.memref_slice %arg25[%dma_start3A_71] : memref<1024xi32, #tpu.memory_space<vmem>> -> memref<128xi32, #tpu.memory_space<vmem>>
      %dma_start3A_73 = arith.constant 512 : i32
      %dma_start3A_74 = tpu.memref_slice %arg23[%dma_start3A_73] : memref<1024xi32, #tpu.memory_space<vmem>> -> memref<128xi32, #tpu.memory_space<vmem>>
      %dma_start3A_75 = arith.constant 0 : i32
      %dma_start3A_76 = tpu.memref_slice %arg6[%dma_start3A_75] : memref<274625xi32, #tpu.memory_space<hbm>> -> memref<274625xi32, #tpu.memory_space<hbm>>
      tpu.enqueue_indirect_dma source(%dma_start3A_76 : memref<274625xi32, #tpu.memory_space<hbm>>) target(%dma_start3A_72 : memref<128xi32, #tpu.memory_space<vmem>>) offsets(%dma_start3A_74 : memref<128xi32, #tpu.memory_space<vmem>>) semaphore(%arg33 : memref<!tpu.dma_semaphore, #tpu.memory_space<semaphore_mem>>)
      %dma_start3A_77 = arith.constant 640 : i32
      %dma_start3A_78 = tpu.memref_slice %arg24[%dma_start3A_77] : memref<1024xi32, #tpu.memory_space<vmem>> -> memref<128xi32, #tpu.memory_space<vmem>>
      %dma_start3A_79 = arith.constant 640 : i32
      %dma_start3A_80 = tpu.memref_slice %arg22[%dma_start3A_79] : memref<1024xi32, #tpu.memory_space<vmem>> -> memref<128xi32, #tpu.memory_space<vmem>>
      %dma_start3A_81 = arith.constant 0 : i32
      %dma_start3A_82 = tpu.memref_slice %arg6[%dma_start3A_81] : memref<274625xi32, #tpu.memory_space<hbm>> -> memref<274625xi32, #tpu.memory_space<hbm>>
      tpu.enqueue_indirect_dma source(%dma_start3A_82 : memref<274625xi32, #tpu.memory_space<hbm>>) target(%dma_start3A_78 : memref<128xi32, #tpu.memory_space<vmem>>) offsets(%dma_start3A_80 : memref<128xi32, #tpu.memory_space<vmem>>) semaphore(%arg33 : memref<!tpu.dma_semaphore, #tpu.memory_space<semaphore_mem>>)
      %dma_start3A_83 = arith.constant 640 : i32
      %dma_start3A_84 = tpu.memref_slice %arg25[%dma_start3A_83] : memref<1024xi32, #tpu.memory_space<vmem>> -> memref<128xi32, #tpu.memory_space<vmem>>
      %dma_start3A_85 = arith.constant 640 : i32
      %dma_start3A_86 = tpu.memref_slice %arg23[%dma_start3A_85] : memref<1024xi32, #tpu.memory_space<vmem>> -> memref<128xi32, #tpu.memory_space<vmem>>
      %dma_start3A_87 = arith.constant 0 : i32
      %dma_start3A_88 = tpu.memref_slice %arg6[%dma_start3A_87] : memref<274625xi32, #tpu.memory_space<hbm>> -> memref<274625xi32, #tpu.memory_space<hbm>>
      tpu.enqueue_indirect_dma source(%dma_start3A_88 : memref<274625xi32, #tpu.memory_space<hbm>>) target(%dma_start3A_84 : memref<128xi32, #tpu.memory_space<vmem>>) offsets(%dma_start3A_86 : memref<128xi32, #tpu.memory_space<vmem>>) semaphore(%arg33 : memref<!tpu.dma_semaphore, #tpu.memory_space<semaphore_mem>>)
      %dma_start3A_89 = arith.constant 768 : i32
      %dma_start3A_90 = tpu.memref_slice %arg24[%dma_start3A_89] : memref<1024xi32, #tpu.memory_space<vmem>> -> memref<128xi32, #tpu.memory_space<vmem>>
      %dma_start3A_91 = arith.constant 768 : i32
      %dma_start3A_92 = tpu.memref_slice %arg22[%dma_start3A_91] : memref<1024xi32, #tpu.memory_space<vmem>> -> memref<128xi32, #tpu.memory_space<vmem>>
      %dma_start3A_93 = arith.constant 0 : i32
      %dma_start3A_94 = tpu.memref_slice %arg6[%dma_start3A_93] : memref<274625xi32, #tpu.memory_space<hbm>> -> memref<274625xi32, #tpu.memory_space<hbm>>
      tpu.enqueue_indirect_dma source(%dma_start3A_94 : memref<274625xi32, #tpu.memory_space<hbm>>) target(%dma_start3A_90 : memref<128xi32, #tpu.memory_space<vmem>>) offsets(%dma_start3A_92 : memref<128xi32, #tpu.memory_space<vmem>>) semaphore(%arg33 : memref<!tpu.dma_semaphore, #tpu.memory_space<semaphore_mem>>)
      %dma_start3A_95 = arith.constant 768 : i32
      %dma_start3A_96 = tpu.memref_slice %arg25[%dma_start3A_95] : memref<1024xi32, #tpu.memory_space<vmem>> -> memref<128xi32, #tpu.memory_space<vmem>>
      %dma_start3A_97 = arith.constant 768 : i32
      %dma_start3A_98 = tpu.memref_slice %arg23[%dma_start3A_97] : memref<1024xi32, #tpu.memory_space<vmem>> -> memref<128xi32, #tpu.memory_space<vmem>>
      %dma_start3A_99 = arith.constant 0 : i32
      %dma_start3A_100 = tpu.memref_slice %arg6[%dma_start3A_99] : memref<274625xi32, #tpu.memory_space<hbm>> -> memref<274625xi32, #tpu.memory_space<hbm>>
      tpu.enqueue_indirect_dma source(%dma_start3A_100 : memref<274625xi32, #tpu.memory_space<hbm>>) target(%dma_start3A_96 : memref<128xi32, #tpu.memory_space<vmem>>) offsets(%dma_start3A_98 : memref<128xi32, #tpu.memory_space<vmem>>) semaphore(%arg33 : memref<!tpu.dma_semaphore, #tpu.memory_space<semaphore_mem>>)
      %dma_start3A_101 = arith.constant 896 : i32
      %dma_start3A_102 = tpu.memref_slice %arg24[%dma_start3A_101] : memref<1024xi32, #tpu.memory_space<vmem>> -> memref<128xi32, #tpu.memory_space<vmem>>
      %dma_start3A_103 = arith.constant 896 : i32
      %dma_start3A_104 = tpu.memref_slice %arg22[%dma_start3A_103] : memref<1024xi32, #tpu.memory_space<vmem>> -> memref<128xi32, #tpu.memory_space<vmem>>
      %dma_start3A_105 = arith.constant 0 : i32
      %dma_start3A_106 = tpu.memref_slice %arg6[%dma_start3A_105] : memref<274625xi32, #tpu.memory_space<hbm>> -> memref<274625xi32, #tpu.memory_space<hbm>>
      tpu.enqueue_indirect_dma source(%dma_start3A_106 : memref<274625xi32, #tpu.memory_space<hbm>>) target(%dma_start3A_102 : memref<128xi32, #tpu.memory_space<vmem>>) offsets(%dma_start3A_104 : memref<128xi32, #tpu.memory_space<vmem>>) semaphore(%arg33 : memref<!tpu.dma_semaphore, #tpu.memory_space<semaphore_mem>>)
      %dma_start3A_107 = arith.constant 896 : i32
      %dma_start3A_108 = tpu.memref_slice %arg25[%dma_start3A_107] : memref<1024xi32, #tpu.memory_space<vmem>> -> memref<128xi32, #tpu.memory_space<vmem>>
      %dma_start3A_109 = arith.constant 896 : i32
      %dma_start3A_110 = tpu.memref_slice %arg23[%dma_start3A_109] : memref<1024xi32, #tpu.memory_space<vmem>> -> memref<128xi32, #tpu.memory_space<vmem>>
      %dma_start3A_111 = arith.constant 0 : i32
      %dma_start3A_112 = tpu.memref_slice %arg6[%dma_start3A_111] : memref<274625xi32, #tpu.memory_space<hbm>> -> memref<274625xi32, #tpu.memory_space<hbm>>
      tpu.enqueue_indirect_dma source(%dma_start3A_112 : memref<274625xi32, #tpu.memory_space<hbm>>) target(%dma_start3A_108 : memref<128xi32, #tpu.memory_space<vmem>>) offsets(%dma_start3A_110 : memref<128xi32, #tpu.memory_space<vmem>>) semaphore(%arg33 : memref<!tpu.dma_semaphore, #tpu.memory_space<semaphore_mem>>)
      %dma_wait3A = arith.constant 0 : i32
      %dma_wait3A_113 = tpu.memref_slice %arg24[%dma_wait3A] : memref<1024xi32, #tpu.memory_space<vmem>> -> memref<128xi32, #tpu.memory_space<vmem>>
      %dma_wait3A_114 = arith.constant 0 : i32
      %dma_wait3A_115 = tpu.memref_slice %arg22[%dma_wait3A_114] : memref<1024xi32, #tpu.memory_space<vmem>> -> memref<128xi32, #tpu.memory_space<vmem>>
      %dma_wait3A_116 = arith.constant 0 : i32
      %dma_wait3A_117 = tpu.memref_slice %arg6[%dma_wait3A_116] : memref<274625xi32, #tpu.memory_space<hbm>> -> memref<274625xi32, #tpu.memory_space<hbm>>
      tpu.wait_indirect_dma semaphore(%arg33 : memref<!tpu.dma_semaphore, #tpu.memory_space<semaphore_mem>>) src(%dma_wait3A_117 : memref<274625xi32, #tpu.memory_space<hbm>>) dst(%dma_wait3A_113 : memref<128xi32, #tpu.memory_space<vmem>>)
      %dma_wait3A_118 = arith.constant 0 : i32
      %dma_wait3A_119 = tpu.memref_slice %arg25[%dma_wait3A_118] : memref<1024xi32, #tpu.memory_space<vmem>> -> memref<128xi32, #tpu.memory_space<vmem>>
      %dma_wait3A_120 = arith.constant 0 : i32
      %dma_wait3A_121 = tpu.memref_slice %arg23[%dma_wait3A_120] : memref<1024xi32, #tpu.memory_space<vmem>> -> memref<128xi32, #tpu.memory_space<vmem>>
      %dma_wait3A_122 = arith.constant 0 : i32
      %dma_wait3A_123 = tpu.memref_slice %arg6[%dma_wait3A_122] : memref<274625xi32, #tpu.memory_space<hbm>> -> memref<274625xi32, #tpu.memory_space<hbm>>
      tpu.wait_indirect_dma semaphore(%arg33 : memref<!tpu.dma_semaphore, #tpu.memory_space<semaphore_mem>>) src(%dma_wait3A_123 : memref<274625xi32, #tpu.memory_space<hbm>>) dst(%dma_wait3A_119 : memref<128xi32, #tpu.memory_space<vmem>>)
      %dma_wait3A_124 = arith.constant 128 : i32
      %dma_wait3A_125 = tpu.memref_slice %arg24[%dma_wait3A_124] : memref<1024xi32, #tpu.memory_space<vmem>> -> memref<128xi32, #tpu.memory_space<vmem>>
      %dma_wait3A_126 = arith.constant 128 : i32
      %dma_wait3A_127 = tpu.memref_slice %arg22[%dma_wait3A_126] : memref<1024xi32, #tpu.memory_space<vmem>> -> memref<128xi32, #tpu.memory_space<vmem>>
      %dma_wait3A_128 = arith.constant 0 : i32
      %dma_wait3A_129 = tpu.memref_slice %arg6[%dma_wait3A_128] : memref<274625xi32, #tpu.memory_space<hbm>> -> memref<274625xi32, #tpu.memory_space<hbm>>
      tpu.wait_indirect_dma semaphore(%arg33 : memref<!tpu.dma_semaphore, #tpu.memory_space<semaphore_mem>>) src(%dma_wait3A_129 : memref<274625xi32, #tpu.memory_space<hbm>>) dst(%dma_wait3A_125 : memref<128xi32, #tpu.memory_space<vmem>>)
      %dma_wait3A_130 = arith.constant 128 : i32
      %dma_wait3A_131 = tpu.memref_slice %arg25[%dma_wait3A_130] : memref<1024xi32, #tpu.memory_space<vmem>> -> memref<128xi32, #tpu.memory_space<vmem>>
      %dma_wait3A_132 = arith.constant 128 : i32
      %dma_wait3A_133 = tpu.memref_slice %arg23[%dma_wait3A_132] : memref<1024xi32, #tpu.memory_space<vmem>> -> memref<128xi32, #tpu.memory_space<vmem>>
      %dma_wait3A_134 = arith.constant 0 : i32
      %dma_wait3A_135 = tpu.memref_slice %arg6[%dma_wait3A_134] : memref<274625xi32, #tpu.memory_space<hbm>> -> memref<274625xi32, #tpu.memory_space<hbm>>
      tpu.wait_indirect_dma semaphore(%arg33 : memref<!tpu.dma_semaphore, #tpu.memory_space<semaphore_mem>>) src(%dma_wait3A_135 : memref<274625xi32, #tpu.memory_space<hbm>>) dst(%dma_wait3A_131 : memref<128xi32, #tpu.memory_space<vmem>>)
      %dma_wait3A_136 = arith.constant 256 : i32
      %dma_wait3A_137 = tpu.memref_slice %arg24[%dma_wait3A_136] : memref<1024xi32, #tpu.memory_space<vmem>> -> memref<128xi32, #tpu.memory_space<vmem>>
      %dma_wait3A_138 = arith.constant 256 : i32
      %dma_wait3A_139 = tpu.memref_slice %arg22[%dma_wait3A_138] : memref<1024xi32, #tpu.memory_space<vmem>> -> memref<128xi32, #tpu.memory_space<vmem>>
      %dma_wait3A_140 = arith.constant 0 : i32
      %dma_wait3A_141 = tpu.memref_slice %arg6[%dma_wait3A_140] : memref<274625xi32, #tpu.memory_space<hbm>> -> memref<274625xi32, #tpu.memory_space<hbm>>
      tpu.wait_indirect_dma semaphore(%arg33 : memref<!tpu.dma_semaphore, #tpu.memory_space<semaphore_mem>>) src(%dma_wait3A_141 : memref<274625xi32, #tpu.memory_space<hbm>>) dst(%dma_wait3A_137 : memref<128xi32, #tpu.memory_space<vmem>>)
      %dma_wait3A_142 = arith.constant 256 : i32
      %dma_wait3A_143 = tpu.memref_slice %arg25[%dma_wait3A_142] : memref<1024xi32, #tpu.memory_space<vmem>> -> memref<128xi32, #tpu.memory_space<vmem>>
      %dma_wait3A_144 = arith.constant 256 : i32
      %dma_wait3A_145 = tpu.memref_slice %arg23[%dma_wait3A_144] : memref<1024xi32, #tpu.memory_space<vmem>> -> memref<128xi32, #tpu.memory_space<vmem>>
      %dma_wait3A_146 = arith.constant 0 : i32
      %dma_wait3A_147 = tpu.memref_slice %arg6[%dma_wait3A_146] : memref<274625xi32, #tpu.memory_space<hbm>> -> memref<274625xi32, #tpu.memory_space<hbm>>
      tpu.wait_indirect_dma semaphore(%arg33 : memref<!tpu.dma_semaphore, #tpu.memory_space<semaphore_mem>>) src(%dma_wait3A_147 : memref<274625xi32, #tpu.memory_space<hbm>>) dst(%dma_wait3A_143 : memref<128xi32, #tpu.memory_space<vmem>>)
      %dma_wait3A_148 = arith.constant 384 : i32
      %dma_wait3A_149 = tpu.memref_slice %arg24[%dma_wait3A_148] : memref<1024xi32, #tpu.memory_space<vmem>> -> memref<128xi32, #tpu.memory_space<vmem>>
      %dma_wait3A_150 = arith.constant 384 : i32
      %dma_wait3A_151 = tpu.memref_slice %arg22[%dma_wait3A_150] : memref<1024xi32, #tpu.memory_space<vmem>> -> memref<128xi32, #tpu.memory_space<vmem>>
      %dma_wait3A_152 = arith.constant 0 : i32
      %dma_wait3A_153 = tpu.memref_slice %arg6[%dma_wait3A_152] : memref<274625xi32, #tpu.memory_space<hbm>> -> memref<274625xi32, #tpu.memory_space<hbm>>
      tpu.wait_indirect_dma semaphore(%arg33 : memref<!tpu.dma_semaphore, #tpu.memory_space<semaphore_mem>>) src(%dma_wait3A_153 : memref<274625xi32, #tpu.memory_space<hbm>>) dst(%dma_wait3A_149 : memref<128xi32, #tpu.memory_space<vmem>>)
      %dma_wait3A_154 = arith.constant 384 : i32
      %dma_wait3A_155 = tpu.memref_slice %arg25[%dma_wait3A_154] : memref<1024xi32, #tpu.memory_space<vmem>> -> memref<128xi32, #tpu.memory_space<vmem>>
      %dma_wait3A_156 = arith.constant 384 : i32
      %dma_wait3A_157 = tpu.memref_slice %arg23[%dma_wait3A_156] : memref<1024xi32, #tpu.memory_space<vmem>> -> memref<128xi32, #tpu.memory_space<vmem>>
      %dma_wait3A_158 = arith.constant 0 : i32
      %dma_wait3A_159 = tpu.memref_slice %arg6[%dma_wait3A_158] : memref<274625xi32, #tpu.memory_space<hbm>> -> memref<274625xi32, #tpu.memory_space<hbm>>
      tpu.wait_indirect_dma semaphore(%arg33 : memref<!tpu.dma_semaphore, #tpu.memory_space<semaphore_mem>>) src(%dma_wait3A_159 : memref<274625xi32, #tpu.memory_space<hbm>>) dst(%dma_wait3A_155 : memref<128xi32, #tpu.memory_space<vmem>>)
      %dma_wait3A_160 = arith.constant 512 : i32
      %dma_wait3A_161 = tpu.memref_slice %arg24[%dma_wait3A_160] : memref<1024xi32, #tpu.memory_space<vmem>> -> memref<128xi32, #tpu.memory_space<vmem>>
      %dma_wait3A_162 = arith.constant 512 : i32
      %dma_wait3A_163 = tpu.memref_slice %arg22[%dma_wait3A_162] : memref<1024xi32, #tpu.memory_space<vmem>> -> memref<128xi32, #tpu.memory_space<vmem>>
      %dma_wait3A_164 = arith.constant 0 : i32
      %dma_wait3A_165 = tpu.memref_slice %arg6[%dma_wait3A_164] : memref<274625xi32, #tpu.memory_space<hbm>> -> memref<274625xi32, #tpu.memory_space<hbm>>
      tpu.wait_indirect_dma semaphore(%arg33 : memref<!tpu.dma_semaphore, #tpu.memory_space<semaphore_mem>>) src(%dma_wait3A_165 : memref<274625xi32, #tpu.memory_space<hbm>>) dst(%dma_wait3A_161 : memref<128xi32, #tpu.memory_space<vmem>>)
      %dma_wait3A_166 = arith.constant 512 : i32
      %dma_wait3A_167 = tpu.memref_slice %arg25[%dma_wait3A_166] : memref<1024xi32, #tpu.memory_space<vmem>> -> memref<128xi32, #tpu.memory_space<vmem>>
      %dma_wait3A_168 = arith.constant 512 : i32
      %dma_wait3A_169 = tpu.memref_slice %arg23[%dma_wait3A_168] : memref<1024xi32, #tpu.memory_space<vmem>> -> memref<128xi32, #tpu.memory_space<vmem>>
      %dma_wait3A_170 = arith.constant 0 : i32
      %dma_wait3A_171 = tpu.memref_slice %arg6[%dma_wait3A_170] : memref<274625xi32, #tpu.memory_space<hbm>> -> memref<274625xi32, #tpu.memory_space<hbm>>
      tpu.wait_indirect_dma semaphore(%arg33 : memref<!tpu.dma_semaphore, #tpu.memory_space<semaphore_mem>>) src(%dma_wait3A_171 : memref<274625xi32, #tpu.memory_space<hbm>>) dst(%dma_wait3A_167 : memref<128xi32, #tpu.memory_space<vmem>>)
      %dma_wait3A_172 = arith.constant 640 : i32
      %dma_wait3A_173 = tpu.memref_slice %arg24[%dma_wait3A_172] : memref<1024xi32, #tpu.memory_space<vmem>> -> memref<128xi32, #tpu.memory_space<vmem>>
      %dma_wait3A_174 = arith.constant 640 : i32
      %dma_wait3A_175 = tpu.memref_slice %arg22[%dma_wait3A_174] : memref<1024xi32, #tpu.memory_space<vmem>> -> memref<128xi32, #tpu.memory_space<vmem>>
      %dma_wait3A_176 = arith.constant 0 : i32
      %dma_wait3A_177 = tpu.memref_slice %arg6[%dma_wait3A_176] : memref<274625xi32, #tpu.memory_space<hbm>> -> memref<274625xi32, #tpu.memory_space<hbm>>
      tpu.wait_indirect_dma semaphore(%arg33 : memref<!tpu.dma_semaphore, #tpu.memory_space<semaphore_mem>>) src(%dma_wait3A_177 : memref<274625xi32, #tpu.memory_space<hbm>>) dst(%dma_wait3A_173 : memref<128xi32, #tpu.memory_space<vmem>>)
      %dma_wait3A_178 = arith.constant 640 : i32
      %dma_wait3A_179 = tpu.memref_slice %arg25[%dma_wait3A_178] : memref<1024xi32, #tpu.memory_space<vmem>> -> memref<128xi32, #tpu.memory_space<vmem>>
      %dma_wait3A_180 = arith.constant 640 : i32
      %dma_wait3A_181 = tpu.memref_slice %arg23[%dma_wait3A_180] : memref<1024xi32, #tpu.memory_space<vmem>> -> memref<128xi32, #tpu.memory_space<vmem>>
      %dma_wait3A_182 = arith.constant 0 : i32
      %dma_wait3A_183 = tpu.memref_slice %arg6[%dma_wait3A_182] : memref<274625xi32, #tpu.memory_space<hbm>> -> memref<274625xi32, #tpu.memory_space<hbm>>
      tpu.wait_indirect_dma semaphore(%arg33 : memref<!tpu.dma_semaphore, #tpu.memory_space<semaphore_mem>>) src(%dma_wait3A_183 : memref<274625xi32, #tpu.memory_space<hbm>>) dst(%dma_wait3A_179 : memref<128xi32, #tpu.memory_space<vmem>>)
      %dma_wait3A_184 = arith.constant 768 : i32
      %dma_wait3A_185 = tpu.memref_slice %arg24[%dma_wait3A_184] : memref<1024xi32, #tpu.memory_space<vmem>> -> memref<128xi32, #tpu.memory_space<vmem>>
      %dma_wait3A_186 = arith.constant 768 : i32
      %dma_wait3A_187 = tpu.memref_slice %arg22[%dma_wait3A_186] : memref<1024xi32, #tpu.memory_space<vmem>> -> memref<128xi32, #tpu.memory_space<vmem>>
      %dma_wait3A_188 = arith.constant 0 : i32
      %dma_wait3A_189 = tpu.memref_slice %arg6[%dma_wait3A_188] : memref<274625xi32, #tpu.memory_space<hbm>> -> memref<274625xi32, #tpu.memory_space<hbm>>
      tpu.wait_indirect_dma semaphore(%arg33 : memref<!tpu.dma_semaphore, #tpu.memory_space<semaphore_mem>>) src(%dma_wait3A_189 : memref<274625xi32, #tpu.memory_space<hbm>>) dst(%dma_wait3A_185 : memref<128xi32, #tpu.memory_space<vmem>>)
      %dma_wait3A_190 = arith.constant 768 : i32
      %dma_wait3A_191 = tpu.memref_slice %arg25[%dma_wait3A_190] : memref<1024xi32, #tpu.memory_space<vmem>> -> memref<128xi32, #tpu.memory_space<vmem>>
      %dma_wait3A_192 = arith.constant 768 : i32
      %dma_wait3A_193 = tpu.memref_slice %arg23[%dma_wait3A_192] : memref<1024xi32, #tpu.memory_space<vmem>> -> memref<128xi32, #tpu.memory_space<vmem>>
      %dma_wait3A_194 = arith.constant 0 : i32
      %dma_wait3A_195 = tpu.memref_slice %arg6[%dma_wait3A_194] : memref<274625xi32, #tpu.memory_space<hbm>> -> memref<274625xi32, #tpu.memory_space<hbm>>
      tpu.wait_indirect_dma semaphore(%arg33 : memref<!tpu.dma_semaphore, #tpu.memory_space<semaphore_mem>>) src(%dma_wait3A_195 : memref<274625xi32, #tpu.memory_space<hbm>>) dst(%dma_wait3A_191 : memref<128xi32, #tpu.memory_space<vmem>>)
      %dma_wait3A_196 = arith.constant 896 : i32
      %dma_wait3A_197 = tpu.memref_slice %arg24[%dma_wait3A_196] : memref<1024xi32, #tpu.memory_space<vmem>> -> memref<128xi32, #tpu.memory_space<vmem>>
      %dma_wait3A_198 = arith.constant 896 : i32
      %dma_wait3A_199 = tpu.memref_slice %arg22[%dma_wait3A_198] : memref<1024xi32, #tpu.memory_space<vmem>> -> memref<128xi32, #tpu.memory_space<vmem>>
      %dma_wait3A_200 = arith.constant 0 : i32
      %dma_wait3A_201 = tpu.memref_slice %arg6[%dma_wait3A_200] : memref<274625xi32, #tpu.memory_space<hbm>> -> memref<274625xi32, #tpu.memory_space<hbm>>
      tpu.wait_indirect_dma semaphore(%arg33 : memref<!tpu.dma_semaphore, #tpu.memory_space<semaphore_mem>>) src(%dma_wait3A_201 : memref<274625xi32, #tpu.memory_space<hbm>>) dst(%dma_wait3A_197 : memref<128xi32, #tpu.memory_space<vmem>>)
      %dma_wait3A_202 = arith.constant 896 : i32
      %dma_wait3A_203 = tpu.memref_slice %arg25[%dma_wait3A_202] : memref<1024xi32, #tpu.memory_space<vmem>> -> memref<128xi32, #tpu.memory_space<vmem>>
      %dma_wait3A_204 = arith.constant 896 : i32
      %dma_wait3A_205 = tpu.memref_slice %arg23[%dma_wait3A_204] : memref<1024xi32, #tpu.memory_space<vmem>> -> memref<128xi32, #tpu.memory_space<vmem>>
      %dma_wait3A_206 = arith.constant 0 : i32
      %dma_wait3A_207 = tpu.memref_slice %arg6[%dma_wait3A_206] : memref<274625xi32, #tpu.memory_space<hbm>> -> memref<274625xi32, #tpu.memory_space<hbm>>
      tpu.wait_indirect_dma semaphore(%arg33 : memref<!tpu.dma_semaphore, #tpu.memory_space<semaphore_mem>>) src(%dma_wait3A_207 : memref<274625xi32, #tpu.memory_space<hbm>>) dst(%dma_wait3A_203 : memref<128xi32, #tpu.memory_space<vmem>>)
      %dma_start3A_208 = arith.constant 0 : i32
      %dma_start3A_209 = tpu.memref_slice %arg26[%dma_start3A_208] : memref<1024xf32, #tpu.memory_space<vmem>> -> memref<128xf32, #tpu.memory_space<vmem>>
      %dma_start3A_210 = arith.constant 0 : i32
      %dma_start3A_211 = tpu.memref_slice %arg24[%dma_start3A_210] : memref<1024xi32, #tpu.memory_space<vmem>> -> memref<128xi32, #tpu.memory_space<vmem>>
      %dma_start3A_212 = arith.constant 0 : i32
      %dma_start3A_213 = tpu.memref_slice %arg7[%dma_start3A_212] : memref<65536xf32, #tpu.memory_space<hbm>> -> memref<65536xf32, #tpu.memory_space<hbm>>
      tpu.enqueue_indirect_dma source(%dma_start3A_213 : memref<65536xf32, #tpu.memory_space<hbm>>) target(%dma_start3A_209 : memref<128xf32, #tpu.memory_space<vmem>>) offsets(%dma_start3A_211 : memref<128xi32, #tpu.memory_space<vmem>>) semaphore(%arg33 : memref<!tpu.dma_semaphore, #tpu.memory_space<semaphore_mem>>)
      %dma_start3A_214 = arith.constant 0 : i32
      %dma_start3A_215 = tpu.memref_slice %arg27[%dma_start3A_214] : memref<1024xf32, #tpu.memory_space<vmem>> -> memref<128xf32, #tpu.memory_space<vmem>>
      %dma_start3A_216 = arith.constant 0 : i32
      %dma_start3A_217 = tpu.memref_slice %arg24[%dma_start3A_216] : memref<1024xi32, #tpu.memory_space<vmem>> -> memref<128xi32, #tpu.memory_space<vmem>>
      %dma_start3A_218 = arith.constant 0 : i32
      %dma_start3A_219 = tpu.memref_slice %arg8[%dma_start3A_218] : memref<65536xf32, #tpu.memory_space<hbm>> -> memref<65536xf32, #tpu.memory_space<hbm>>
      tpu.enqueue_indirect_dma source(%dma_start3A_219 : memref<65536xf32, #tpu.memory_space<hbm>>) target(%dma_start3A_215 : memref<128xf32, #tpu.memory_space<vmem>>) offsets(%dma_start3A_217 : memref<128xi32, #tpu.memory_space<vmem>>) semaphore(%arg33 : memref<!tpu.dma_semaphore, #tpu.memory_space<semaphore_mem>>)
      %dma_start3A_220 = arith.constant 0 : i32
      %dma_start3A_221 = tpu.memref_slice %arg28[%dma_start3A_220] : memref<1024xf32, #tpu.memory_space<vmem>> -> memref<128xf32, #tpu.memory_space<vmem>>
      %dma_start3A_222 = arith.constant 0 : i32
      %dma_start3A_223 = tpu.memref_slice %arg25[%dma_start3A_222] : memref<1024xi32, #tpu.memory_space<vmem>> -> memref<128xi32, #tpu.memory_space<vmem>>
      %dma_start3A_224 = arith.constant 0 : i32
      %dma_start3A_225 = tpu.memref_slice %arg7[%dma_start3A_224] : memref<65536xf32, #tpu.memory_space<hbm>> -> memref<65536xf32, #tpu.memory_space<hbm>>
      tpu.enqueue_indirect_dma source(%dma_start3A_225 : memref<65536xf32, #tpu.memory_space<hbm>>) target(%dma_start3A_221 : memref<128xf32, #tpu.memory_space<vmem>>) offsets(%dma_start3A_223 : memref<128xi32, #tpu.memory_space<vmem>>) semaphore(%arg33 : memref<!tpu.dma_semaphore, #tpu.memory_space<semaphore_mem>>)
      %dma_start3A_226 = arith.constant 0 : i32
      %dma_start3A_227 = tpu.memref_slice %arg29[%dma_start3A_226] : memref<1024xf32, #tpu.memory_space<vmem>> -> memref<128xf32, #tpu.memory_space<vmem>>
      %dma_start3A_228 = arith.constant 0 : i32
      %dma_start3A_229 = tpu.memref_slice %arg25[%dma_start3A_228] : memref<1024xi32, #tpu.memory_space<vmem>> -> memref<128xi32, #tpu.memory_space<vmem>>
      %dma_start3A_230 = arith.constant 0 : i32
      %dma_start3A_231 = tpu.memref_slice %arg8[%dma_start3A_230] : memref<65536xf32, #tpu.memory_space<hbm>> -> memref<65536xf32, #tpu.memory_space<hbm>>
      tpu.enqueue_indirect_dma source(%dma_start3A_231 : memref<65536xf32, #tpu.memory_space<hbm>>) target(%dma_start3A_227 : memref<128xf32, #tpu.memory_space<vmem>>) offsets(%dma_start3A_229 : memref<128xi32, #tpu.memory_space<vmem>>) semaphore(%arg33 : memref<!tpu.dma_semaphore, #tpu.memory_space<semaphore_mem>>)
      %dma_start3A_232 = arith.constant 0 : i32
      %dma_start3A_233 = arith.constant 0 : i32
      %dma_start3A_234 = tpu.memref_slice %arg31[%dma_start3A_232, %dma_start3A_233] : memref<1024x32xf32, #tpu.memory_space<vmem>> -> memref<128x32xf32, #tpu.memory_space<vmem>>
      %dma_start3A_235 = arith.constant 0 : i32
      %dma_start3A_236 = tpu.memref_slice %arg24[%dma_start3A_235] : memref<1024xi32, #tpu.memory_space<vmem>> -> memref<128xi32, #tpu.memory_space<vmem>>
      %dma_start3A_237 = arith.constant 0 : i32
      %dma_start3A_238 = arith.constant 0 : i32
      %dma_start3A_239 = tpu.memref_slice %arg9[%dma_start3A_237, %dma_start3A_238] : memref<65536x32xf32, #tpu.memory_space<hbm>> -> memref<65536x32xf32, #tpu.memory_space<hbm>>
      tpu.enqueue_indirect_dma source(%dma_start3A_239 : memref<65536x32xf32, #tpu.memory_space<hbm>>) target(%dma_start3A_234 : memref<128x32xf32, #tpu.memory_space<vmem>>) offsets(%dma_start3A_236 : memref<128xi32, #tpu.memory_space<vmem>>) semaphore(%arg33 : memref<!tpu.dma_semaphore, #tpu.memory_space<semaphore_mem>>)
      %dma_start3A_240 = arith.constant 0 : i32
      %dma_start3A_241 = arith.constant 0 : i32
      %dma_start3A_242 = tpu.memref_slice %arg32[%dma_start3A_240, %dma_start3A_241] : memref<1024x32xf32, #tpu.memory_space<vmem>> -> memref<128x32xf32, #tpu.memory_space<vmem>>
      %dma_start3A_243 = arith.constant 0 : i32
      %dma_start3A_244 = tpu.memref_slice %arg25[%dma_start3A_243] : memref<1024xi32, #tpu.memory_space<vmem>> -> memref<128xi32, #tpu.memory_space<vmem>>
      %dma_start3A_245 = arith.constant 0 : i32
      %dma_start3A_246 = arith.constant 0 : i32
      %dma_start3A_247 = tpu.memref_slice %arg9[%dma_start3A_245, %dma_start3A_246] : memref<65536x32xf32, #tpu.memory_space<hbm>> -> memref<65536x32xf32, #tpu.memory_space<hbm>>
      tpu.enqueue_indirect_dma source(%dma_start3A_247 : memref<65536x32xf32, #tpu.memory_space<hbm>>) target(%dma_start3A_242 : memref<128x32xf32, #tpu.memory_space<vmem>>) offsets(%dma_start3A_244 : memref<128xi32, #tpu.memory_space<vmem>>) semaphore(%arg33 : memref<!tpu.dma_semaphore, #tpu.memory_space<semaphore_mem>>)
      %dma_start3A_248 = arith.constant 0 : i32
      %dma_start3A_249 = arith.constant 0 : i32
      %dma_start3A_250 = tpu.memref_slice %arg30[%dma_start3A_248, %dma_start3A_249] : memref<1024x16xf32, #tpu.memory_space<vmem>> -> memref<128x16xf32, #tpu.memory_space<vmem>>
      %dma_start3A_251 = arith.constant 0 : i32
      %dma_start3A_252 = tpu.memref_slice %arg21[%dma_start3A_251] : memref<1024xi32, #tpu.memory_space<vmem>> -> memref<128xi32, #tpu.memory_space<vmem>>
      %dma_start3A_253 = arith.constant 0 : i32
      %dma_start3A_254 = arith.constant 0 : i32
      %dma_start3A_255 = tpu.memref_slice %arg10[%dma_start3A_253, %dma_start3A_254] : memref<1024x16xf32, #tpu.memory_space<hbm>> -> memref<1024x16xf32, #tpu.memory_space<hbm>>
      tpu.enqueue_indirect_dma source(%dma_start3A_255 : memref<1024x16xf32, #tpu.memory_space<hbm>>) target(%dma_start3A_250 : memref<128x16xf32, #tpu.memory_space<vmem>>) offsets(%dma_start3A_252 : memref<128xi32, #tpu.memory_space<vmem>>) semaphore(%arg33 : memref<!tpu.dma_semaphore, #tpu.memory_space<semaphore_mem>>)
      %dma_start3A_256 = arith.constant 128 : i32
      %dma_start3A_257 = tpu.memref_slice %arg26[%dma_start3A_256] : memref<1024xf32, #tpu.memory_space<vmem>> -> memref<128xf32, #tpu.memory_space<vmem>>
      %dma_start3A_258 = arith.constant 128 : i32
      %dma_start3A_259 = tpu.memref_slice %arg24[%dma_start3A_258] : memref<1024xi32, #tpu.memory_space<vmem>> -> memref<128xi32, #tpu.memory_space<vmem>>
      %dma_start3A_260 = arith.constant 0 : i32
      %dma_start3A_261 = tpu.memref_slice %arg7[%dma_start3A_260] : memref<65536xf32, #tpu.memory_space<hbm>> -> memref<65536xf32, #tpu.memory_space<hbm>>
      tpu.enqueue_indirect_dma source(%dma_start3A_261 : memref<65536xf32, #tpu.memory_space<hbm>>) target(%dma_start3A_257 : memref<128xf32, #tpu.memory_space<vmem>>) offsets(%dma_start3A_259 : memref<128xi32, #tpu.memory_space<vmem>>) semaphore(%arg33 : memref<!tpu.dma_semaphore, #tpu.memory_space<semaphore_mem>>)
      %dma_start3A_262 = arith.constant 128 : i32
      %dma_start3A_263 = tpu.memref_slice %arg27[%dma_start3A_262] : memref<1024xf32, #tpu.memory_space<vmem>> -> memref<128xf32, #tpu.memory_space<vmem>>
      %dma_start3A_264 = arith.constant 128 : i32
      %dma_start3A_265 = tpu.memref_slice %arg24[%dma_start3A_264] : memref<1024xi32, #tpu.memory_space<vmem>> -> memref<128xi32, #tpu.memory_space<vmem>>
      %dma_start3A_266 = arith.constant 0 : i32
      %dma_start3A_267 = tpu.memref_slice %arg8[%dma_start3A_266] : memref<65536xf32, #tpu.memory_space<hbm>> -> memref<65536xf32, #tpu.memory_space<hbm>>
      tpu.enqueue_indirect_dma source(%dma_start3A_267 : memref<65536xf32, #tpu.memory_space<hbm>>) target(%dma_start3A_263 : memref<128xf32, #tpu.memory_space<vmem>>) offsets(%dma_start3A_265 : memref<128xi32, #tpu.memory_space<vmem>>) semaphore(%arg33 : memref<!tpu.dma_semaphore, #tpu.memory_space<semaphore_mem>>)
      %dma_start3A_268 = arith.constant 128 : i32
      %dma_start3A_269 = tpu.memref_slice %arg28[%dma_start3A_268] : memref<1024xf32, #tpu.memory_space<vmem>> -> memref<128xf32, #tpu.memory_space<vmem>>
      %dma_start3A_270 = arith.constant 128 : i32
      %dma_start3A_271 = tpu.memref_slice %arg25[%dma_start3A_270] : memref<1024xi32, #tpu.memory_space<vmem>> -> memref<128xi32, #tpu.memory_space<vmem>>
      %dma_start3A_272 = arith.constant 0 : i32
      %dma_start3A_273 = tpu.memref_slice %arg7[%dma_start3A_272] : memref<65536xf32, #tpu.memory_space<hbm>> -> memref<65536xf32, #tpu.memory_space<hbm>>
      tpu.enqueue_indirect_dma source(%dma_start3A_273 : memref<65536xf32, #tpu.memory_space<hbm>>) target(%dma_start3A_269 : memref<128xf32, #tpu.memory_space<vmem>>) offsets(%dma_start3A_271 : memref<128xi32, #tpu.memory_space<vmem>>) semaphore(%arg33 : memref<!tpu.dma_semaphore, #tpu.memory_space<semaphore_mem>>)
      %dma_start3A_274 = arith.constant 128 : i32
      %dma_start3A_275 = tpu.memref_slice %arg29[%dma_start3A_274] : memref<1024xf32, #tpu.memory_space<vmem>> -> memref<128xf32, #tpu.memory_space<vmem>>
      %dma_start3A_276 = arith.constant 128 : i32
      %dma_start3A_277 = tpu.memref_slice %arg25[%dma_start3A_276] : memref<1024xi32, #tpu.memory_space<vmem>> -> memref<128xi32, #tpu.memory_space<vmem>>
      %dma_start3A_278 = arith.constant 0 : i32
      %dma_start3A_279 = tpu.memref_slice %arg8[%dma_start3A_278] : memref<65536xf32, #tpu.memory_space<hbm>> -> memref<65536xf32, #tpu.memory_space<hbm>>
      tpu.enqueue_indirect_dma source(%dma_start3A_279 : memref<65536xf32, #tpu.memory_space<hbm>>) target(%dma_start3A_275 : memref<128xf32, #tpu.memory_space<vmem>>) offsets(%dma_start3A_277 : memref<128xi32, #tpu.memory_space<vmem>>) semaphore(%arg33 : memref<!tpu.dma_semaphore, #tpu.memory_space<semaphore_mem>>)
      %dma_start3A_280 = arith.constant 128 : i32
      %dma_start3A_281 = arith.constant 0 : i32
      %dma_start3A_282 = tpu.memref_slice %arg31[%dma_start3A_280, %dma_start3A_281] : memref<1024x32xf32, #tpu.memory_space<vmem>> -> memref<128x32xf32, #tpu.memory_space<vmem>>
      %dma_start3A_283 = arith.constant 128 : i32
      %dma_start3A_284 = tpu.memref_slice %arg24[%dma_start3A_283] : memref<1024xi32, #tpu.memory_space<vmem>> -> memref<128xi32, #tpu.memory_space<vmem>>
      %dma_start3A_285 = arith.constant 0 : i32
      %dma_start3A_286 = arith.constant 0 : i32
      %dma_start3A_287 = tpu.memref_slice %arg9[%dma_start3A_285, %dma_start3A_286] : memref<65536x32xf32, #tpu.memory_space<hbm>> -> memref<65536x32xf32, #tpu.memory_space<hbm>>
      tpu.enqueue_indirect_dma source(%dma_start3A_287 : memref<65536x32xf32, #tpu.memory_space<hbm>>) target(%dma_start3A_282 : memref<128x32xf32, #tpu.memory_space<vmem>>) offsets(%dma_start3A_284 : memref<128xi32, #tpu.memory_space<vmem>>) semaphore(%arg33 : memref<!tpu.dma_semaphore, #tpu.memory_space<semaphore_mem>>)
      %dma_start3A_288 = arith.constant 128 : i32
      %dma_start3A_289 = arith.constant 0 : i32
      %dma_start3A_290 = tpu.memref_slice %arg32[%dma_start3A_288, %dma_start3A_289] : memref<1024x32xf32, #tpu.memory_space<vmem>> -> memref<128x32xf32, #tpu.memory_space<vmem>>
      %dma_start3A_291 = arith.constant 128 : i32
      %dma_start3A_292 = tpu.memref_slice %arg25[%dma_start3A_291] : memref<1024xi32, #tpu.memory_space<vmem>> -> memref<128xi32, #tpu.memory_space<vmem>>
      %dma_start3A_293 = arith.constant 0 : i32
      %dma_start3A_294 = arith.constant 0 : i32
      %dma_start3A_295 = tpu.memref_slice %arg9[%dma_start3A_293, %dma_start3A_294] : memref<65536x32xf32, #tpu.memory_space<hbm>> -> memref<65536x32xf32, #tpu.memory_space<hbm>>
      tpu.enqueue_indirect_dma source(%dma_start3A_295 : memref<65536x32xf32, #tpu.memory_space<hbm>>) target(%dma_start3A_290 : memref<128x32xf32, #tpu.memory_space<vmem>>) offsets(%dma_start3A_292 : memref<128xi32, #tpu.memory_space<vmem>>) semaphore(%arg33 : memref<!tpu.dma_semaphore, #tpu.memory_space<semaphore_mem>>)
      %dma_start3A_296 = arith.constant 128 : i32
      %dma_start3A_297 = arith.constant 0 : i32
      %dma_start3A_298 = tpu.memref_slice %arg30[%dma_start3A_296, %dma_start3A_297] : memref<1024x16xf32, #tpu.memory_space<vmem>> -> memref<128x16xf32, #tpu.memory_space<vmem>>
      %dma_start3A_299 = arith.constant 128 : i32
      %dma_start3A_300 = tpu.memref_slice %arg21[%dma_start3A_299] : memref<1024xi32, #tpu.memory_space<vmem>> -> memref<128xi32, #tpu.memory_space<vmem>>
      %dma_start3A_301 = arith.constant 0 : i32
      %dma_start3A_302 = arith.constant 0 : i32
      %dma_start3A_303 = tpu.memref_slice %arg10[%dma_start3A_301, %dma_start3A_302] : memref<1024x16xf32, #tpu.memory_space<hbm>> -> memref<1024x16xf32, #tpu.memory_space<hbm>>
      tpu.enqueue_indirect_dma source(%dma_start3A_303 : memref<1024x16xf32, #tpu.memory_space<hbm>>) target(%dma_start3A_298 : memref<128x16xf32, #tpu.memory_space<vmem>>) offsets(%dma_start3A_300 : memref<128xi32, #tpu.memory_space<vmem>>) semaphore(%arg33 : memref<!tpu.dma_semaphore, #tpu.memory_space<semaphore_mem>>)
      %dma_start3A_304 = arith.constant 256 : i32
      %dma_start3A_305 = tpu.memref_slice %arg26[%dma_start3A_304] : memref<1024xf32, #tpu.memory_space<vmem>> -> memref<128xf32, #tpu.memory_space<vmem>>
      %dma_start3A_306 = arith.constant 256 : i32
      %dma_start3A_307 = tpu.memref_slice %arg24[%dma_start3A_306] : memref<1024xi32, #tpu.memory_space<vmem>> -> memref<128xi32, #tpu.memory_space<vmem>>
      %dma_start3A_308 = arith.constant 0 : i32
      %dma_start3A_309 = tpu.memref_slice %arg7[%dma_start3A_308] : memref<65536xf32, #tpu.memory_space<hbm>> -> memref<65536xf32, #tpu.memory_space<hbm>>
      tpu.enqueue_indirect_dma source(%dma_start3A_309 : memref<65536xf32, #tpu.memory_space<hbm>>) target(%dma_start3A_305 : memref<128xf32, #tpu.memory_space<vmem>>) offsets(%dma_start3A_307 : memref<128xi32, #tpu.memory_space<vmem>>) semaphore(%arg33 : memref<!tpu.dma_semaphore, #tpu.memory_space<semaphore_mem>>)
      %dma_start3A_310 = arith.constant 256 : i32
      %dma_start3A_311 = tpu.memref_slice %arg27[%dma_start3A_310] : memref<1024xf32, #tpu.memory_space<vmem>> -> memref<128xf32, #tpu.memory_space<vmem>>
      %dma_start3A_312 = arith.constant 256 : i32
      %dma_start3A_313 = tpu.memref_slice %arg24[%dma_start3A_312] : memref<1024xi32, #tpu.memory_space<vmem>> -> memref<128xi32, #tpu.memory_space<vmem>>
      %dma_start3A_314 = arith.constant 0 : i32
      %dma_start3A_315 = tpu.memref_slice %arg8[%dma_start3A_314] : memref<65536xf32, #tpu.memory_space<hbm>> -> memref<65536xf32, #tpu.memory_space<hbm>>
      tpu.enqueue_indirect_dma source(%dma_start3A_315 : memref<65536xf32, #tpu.memory_space<hbm>>) target(%dma_start3A_311 : memref<128xf32, #tpu.memory_space<vmem>>) offsets(%dma_start3A_313 : memref<128xi32, #tpu.memory_space<vmem>>) semaphore(%arg33 : memref<!tpu.dma_semaphore, #tpu.memory_space<semaphore_mem>>)
      %dma_start3A_316 = arith.constant 256 : i32
      %dma_start3A_317 = tpu.memref_slice %arg28[%dma_start3A_316] : memref<1024xf32, #tpu.memory_space<vmem>> -> memref<128xf32, #tpu.memory_space<vmem>>
      %dma_start3A_318 = arith.constant 256 : i32
      %dma_start3A_319 = tpu.memref_slice %arg25[%dma_start3A_318] : memref<1024xi32, #tpu.memory_space<vmem>> -> memref<128xi32, #tpu.memory_space<vmem>>
      %dma_start3A_320 = arith.constant 0 : i32
      %dma_start3A_321 = tpu.memref_slice %arg7[%dma_start3A_320] : memref<65536xf32, #tpu.memory_space<hbm>> -> memref<65536xf32, #tpu.memory_space<hbm>>
      tpu.enqueue_indirect_dma source(%dma_start3A_321 : memref<65536xf32, #tpu.memory_space<hbm>>) target(%dma_start3A_317 : memref<128xf32, #tpu.memory_space<vmem>>) offsets(%dma_start3A_319 : memref<128xi32, #tpu.memory_space<vmem>>) semaphore(%arg33 : memref<!tpu.dma_semaphore, #tpu.memory_space<semaphore_mem>>)
      %dma_start3A_322 = arith.constant 256 : i32
      %dma_start3A_323 = tpu.memref_slice %arg29[%dma_start3A_322] : memref<1024xf32, #tpu.memory_space<vmem>> -> memref<128xf32, #tpu.memory_space<vmem>>
      %dma_start3A_324 = arith.constant 256 : i32
      %dma_start3A_325 = tpu.memref_slice %arg25[%dma_start3A_324] : memref<1024xi32, #tpu.memory_space<vmem>> -> memref<128xi32, #tpu.memory_space<vmem>>
      %dma_start3A_326 = arith.constant 0 : i32
      %dma_start3A_327 = tpu.memref_slice %arg8[%dma_start3A_326] : memref<65536xf32, #tpu.memory_space<hbm>> -> memref<65536xf32, #tpu.memory_space<hbm>>
      tpu.enqueue_indirect_dma source(%dma_start3A_327 : memref<65536xf32, #tpu.memory_space<hbm>>) target(%dma_start3A_323 : memref<128xf32, #tpu.memory_space<vmem>>) offsets(%dma_start3A_325 : memref<128xi32, #tpu.memory_space<vmem>>) semaphore(%arg33 : memref<!tpu.dma_semaphore, #tpu.memory_space<semaphore_mem>>)
      %dma_start3A_328 = arith.constant 256 : i32
      %dma_start3A_329 = arith.constant 0 : i32
      %dma_start3A_330 = tpu.memref_slice %arg31[%dma_start3A_328, %dma_start3A_329] : memref<1024x32xf32, #tpu.memory_space<vmem>> -> memref<128x32xf32, #tpu.memory_space<vmem>>
      %dma_start3A_331 = arith.constant 256 : i32
      %dma_start3A_332 = tpu.memref_slice %arg24[%dma_start3A_331] : memref<1024xi32, #tpu.memory_space<vmem>> -> memref<128xi32, #tpu.memory_space<vmem>>
      %dma_start3A_333 = arith.constant 0 : i32
      %dma_start3A_334 = arith.constant 0 : i32
      %dma_start3A_335 = tpu.memref_slice %arg9[%dma_start3A_333, %dma_start3A_334] : memref<65536x32xf32, #tpu.memory_space<hbm>> -> memref<65536x32xf32, #tpu.memory_space<hbm>>
      tpu.enqueue_indirect_dma source(%dma_start3A_335 : memref<65536x32xf32, #tpu.memory_space<hbm>>) target(%dma_start3A_330 : memref<128x32xf32, #tpu.memory_space<vmem>>) offsets(%dma_start3A_332 : memref<128xi32, #tpu.memory_space<vmem>>) semaphore(%arg33 : memref<!tpu.dma_semaphore, #tpu.memory_space<semaphore_mem>>)
      %dma_start3A_336 = arith.constant 256 : i32
      %dma_start3A_337 = arith.constant 0 : i32
      %dma_start3A_338 = tpu.memref_slice %arg32[%dma_start3A_336, %dma_start3A_337] : memref<1024x32xf32, #tpu.memory_space<vmem>> -> memref<128x32xf32, #tpu.memory_space<vmem>>
      %dma_start3A_339 = arith.constant 256 : i32
      %dma_start3A_340 = tpu.memref_slice %arg25[%dma_start3A_339] : memref<1024xi32, #tpu.memory_space<vmem>> -> memref<128xi32, #tpu.memory_space<vmem>>
      %dma_start3A_341 = arith.constant 0 : i32
      %dma_start3A_342 = arith.constant 0 : i32
      %dma_start3A_343 = tpu.memref_slice %arg9[%dma_start3A_341, %dma_start3A_342] : memref<65536x32xf32, #tpu.memory_space<hbm>> -> memref<65536x32xf32, #tpu.memory_space<hbm>>
      tpu.enqueue_indirect_dma source(%dma_start3A_343 : memref<65536x32xf32, #tpu.memory_space<hbm>>) target(%dma_start3A_338 : memref<128x32xf32, #tpu.memory_space<vmem>>) offsets(%dma_start3A_340 : memref<128xi32, #tpu.memory_space<vmem>>) semaphore(%arg33 : memref<!tpu.dma_semaphore, #tpu.memory_space<semaphore_mem>>)
      %dma_start3A_344 = arith.constant 256 : i32
      %dma_start3A_345 = arith.constant 0 : i32
      %dma_start3A_346 = tpu.memref_slice %arg30[%dma_start3A_344, %dma_start3A_345] : memref<1024x16xf32, #tpu.memory_space<vmem>> -> memref<128x16xf32, #tpu.memory_space<vmem>>
      %dma_start3A_347 = arith.constant 256 : i32
      %dma_start3A_348 = tpu.memref_slice %arg21[%dma_start3A_347] : memref<1024xi32, #tpu.memory_space<vmem>> -> memref<128xi32, #tpu.memory_space<vmem>>
      %dma_start3A_349 = arith.constant 0 : i32
      %dma_start3A_350 = arith.constant 0 : i32
      %dma_start3A_351 = tpu.memref_slice %arg10[%dma_start3A_349, %dma_start3A_350] : memref<1024x16xf32, #tpu.memory_space<hbm>> -> memref<1024x16xf32, #tpu.memory_space<hbm>>
      tpu.enqueue_indirect_dma source(%dma_start3A_351 : memref<1024x16xf32, #tpu.memory_space<hbm>>) target(%dma_start3A_346 : memref<128x16xf32, #tpu.memory_space<vmem>>) offsets(%dma_start3A_348 : memref<128xi32, #tpu.memory_space<vmem>>) semaphore(%arg33 : memref<!tpu.dma_semaphore, #tpu.memory_space<semaphore_mem>>)
      %dma_start3A_352 = arith.constant 384 : i32
      %dma_start3A_353 = tpu.memref_slice %arg26[%dma_start3A_352] : memref<1024xf32, #tpu.memory_space<vmem>> -> memref<128xf32, #tpu.memory_space<vmem>>
      %dma_start3A_354 = arith.constant 384 : i32
      %dma_start3A_355 = tpu.memref_slice %arg24[%dma_start3A_354] : memref<1024xi32, #tpu.memory_space<vmem>> -> memref<128xi32, #tpu.memory_space<vmem>>
      %dma_start3A_356 = arith.constant 0 : i32
      %dma_start3A_357 = tpu.memref_slice %arg7[%dma_start3A_356] : memref<65536xf32, #tpu.memory_space<hbm>> -> memref<65536xf32, #tpu.memory_space<hbm>>
      tpu.enqueue_indirect_dma source(%dma_start3A_357 : memref<65536xf32, #tpu.memory_space<hbm>>) target(%dma_start3A_353 : memref<128xf32, #tpu.memory_space<vmem>>) offsets(%dma_start3A_355 : memref<128xi32, #tpu.memory_space<vmem>>) semaphore(%arg33 : memref<!tpu.dma_semaphore, #tpu.memory_space<semaphore_mem>>)
      %dma_start3A_358 = arith.constant 384 : i32
      %dma_start3A_359 = tpu.memref_slice %arg27[%dma_start3A_358] : memref<1024xf32, #tpu.memory_space<vmem>> -> memref<128xf32, #tpu.memory_space<vmem>>
      %dma_start3A_360 = arith.constant 384 : i32
      %dma_start3A_361 = tpu.memref_slice %arg24[%dma_start3A_360] : memref<1024xi32, #tpu.memory_space<vmem>> -> memref<128xi32, #tpu.memory_space<vmem>>
      %dma_start3A_362 = arith.constant 0 : i32
      %dma_start3A_363 = tpu.memref_slice %arg8[%dma_start3A_362] : memref<65536xf32, #tpu.memory_space<hbm>> -> memref<65536xf32, #tpu.memory_space<hbm>>
      tpu.enqueue_indirect_dma source(%dma_start3A_363 : memref<65536xf32, #tpu.memory_space<hbm>>) target(%dma_start3A_359 : memref<128xf32, #tpu.memory_space<vmem>>) offsets(%dma_start3A_361 : memref<128xi32, #tpu.memory_space<vmem>>) semaphore(%arg33 : memref<!tpu.dma_semaphore, #tpu.memory_space<semaphore_mem>>)
      %dma_start3A_364 = arith.constant 384 : i32
      %dma_start3A_365 = tpu.memref_slice %arg28[%dma_start3A_364] : memref<1024xf32, #tpu.memory_space<vmem>> -> memref<128xf32, #tpu.memory_space<vmem>>
      %dma_start3A_366 = arith.constant 384 : i32
      %dma_start3A_367 = tpu.memref_slice %arg25[%dma_start3A_366] : memref<1024xi32, #tpu.memory_space<vmem>> -> memref<128xi32, #tpu.memory_space<vmem>>
      %dma_start3A_368 = arith.constant 0 : i32
      %dma_start3A_369 = tpu.memref_slice %arg7[%dma_start3A_368] : memref<65536xf32, #tpu.memory_space<hbm>> -> memref<65536xf32, #tpu.memory_space<hbm>>
      tpu.enqueue_indirect_dma source(%dma_start3A_369 : memref<65536xf32, #tpu.memory_space<hbm>>) target(%dma_start3A_365 : memref<128xf32, #tpu.memory_space<vmem>>) offsets(%dma_start3A_367 : memref<128xi32, #tpu.memory_space<vmem>>) semaphore(%arg33 : memref<!tpu.dma_semaphore, #tpu.memory_space<semaphore_mem>>)
      %dma_start3A_370 = arith.constant 384 : i32
      %dma_start3A_371 = tpu.memref_slice %arg29[%dma_start3A_370] : memref<1024xf32, #tpu.memory_space<vmem>> -> memref<128xf32, #tpu.memory_space<vmem>>
      %dma_start3A_372 = arith.constant 384 : i32
      %dma_start3A_373 = tpu.memref_slice %arg25[%dma_start3A_372] : memref<1024xi32, #tpu.memory_space<vmem>> -> memref<128xi32, #tpu.memory_space<vmem>>
      %dma_start3A_374 = arith.constant 0 : i32
      %dma_start3A_375 = tpu.memref_slice %arg8[%dma_start3A_374] : memref<65536xf32, #tpu.memory_space<hbm>> -> memref<65536xf32, #tpu.memory_space<hbm>>
      tpu.enqueue_indirect_dma source(%dma_start3A_375 : memref<65536xf32, #tpu.memory_space<hbm>>) target(%dma_start3A_371 : memref<128xf32, #tpu.memory_space<vmem>>) offsets(%dma_start3A_373 : memref<128xi32, #tpu.memory_space<vmem>>) semaphore(%arg33 : memref<!tpu.dma_semaphore, #tpu.memory_space<semaphore_mem>>)
      %dma_start3A_376 = arith.constant 384 : i32
      %dma_start3A_377 = arith.constant 0 : i32
      %dma_start3A_378 = tpu.memref_slice %arg31[%dma_start3A_376, %dma_start3A_377] : memref<1024x32xf32, #tpu.memory_space<vmem>> -> memref<128x32xf32, #tpu.memory_space<vmem>>
      %dma_start3A_379 = arith.constant 384 : i32
      %dma_start3A_380 = tpu.memref_slice %arg24[%dma_start3A_379] : memref<1024xi32, #tpu.memory_space<vmem>> -> memref<128xi32, #tpu.memory_space<vmem>>
      %dma_start3A_381 = arith.constant 0 : i32
      %dma_start3A_382 = arith.constant 0 : i32
      %dma_start3A_383 = tpu.memref_slice %arg9[%dma_start3A_381, %dma_start3A_382] : memref<65536x32xf32, #tpu.memory_space<hbm>> -> memref<65536x32xf32, #tpu.memory_space<hbm>>
      tpu.enqueue_indirect_dma source(%dma_start3A_383 : memref<65536x32xf32, #tpu.memory_space<hbm>>) target(%dma_start3A_378 : memref<128x32xf32, #tpu.memory_space<vmem>>) offsets(%dma_start3A_380 : memref<128xi32, #tpu.memory_space<vmem>>) semaphore(%arg33 : memref<!tpu.dma_semaphore, #tpu.memory_space<semaphore_mem>>)
      %dma_start3A_384 = arith.constant 384 : i32
      %dma_start3A_385 = arith.constant 0 : i32
      %dma_start3A_386 = tpu.memref_slice %arg32[%dma_start3A_384, %dma_start3A_385] : memref<1024x32xf32, #tpu.memory_space<vmem>> -> memref<128x32xf32, #tpu.memory_space<vmem>>
      %dma_start3A_387 = arith.constant 384 : i32
      %dma_start3A_388 = tpu.memref_slice %arg25[%dma_start3A_387] : memref<1024xi32, #tpu.memory_space<vmem>> -> memref<128xi32, #tpu.memory_space<vmem>>
      %dma_start3A_389 = arith.constant 0 : i32
      %dma_start3A_390 = arith.constant 0 : i32
      %dma_start3A_391 = tpu.memref_slice %arg9[%dma_start3A_389, %dma_start3A_390] : memref<65536x32xf32, #tpu.memory_space<hbm>> -> memref<65536x32xf32, #tpu.memory_space<hbm>>
      tpu.enqueue_indirect_dma source(%dma_start3A_391 : memref<65536x32xf32, #tpu.memory_space<hbm>>) target(%dma_start3A_386 : memref<128x32xf32, #tpu.memory_space<vmem>>) offsets(%dma_start3A_388 : memref<128xi32, #tpu.memory_space<vmem>>) semaphore(%arg33 : memref<!tpu.dma_semaphore, #tpu.memory_space<semaphore_mem>>)
      %dma_start3A_392 = arith.constant 384 : i32
      %dma_start3A_393 = arith.constant 0 : i32
      %dma_start3A_394 = tpu.memref_slice %arg30[%dma_start3A_392, %dma_start3A_393] : memref<1024x16xf32, #tpu.memory_space<vmem>> -> memref<128x16xf32, #tpu.memory_space<vmem>>
      %dma_start3A_395 = arith.constant 384 : i32
      %dma_start3A_396 = tpu.memref_slice %arg21[%dma_start3A_395] : memref<1024xi32, #tpu.memory_space<vmem>> -> memref<128xi32, #tpu.memory_space<vmem>>
      %dma_start3A_397 = arith.constant 0 : i32
      %dma_start3A_398 = arith.constant 0 : i32
      %dma_start3A_399 = tpu.memref_slice %arg10[%dma_start3A_397, %dma_start3A_398] : memref<1024x16xf32, #tpu.memory_space<hbm>> -> memref<1024x16xf32, #tpu.memory_space<hbm>>
      tpu.enqueue_indirect_dma source(%dma_start3A_399 : memref<1024x16xf32, #tpu.memory_space<hbm>>) target(%dma_start3A_394 : memref<128x16xf32, #tpu.memory_space<vmem>>) offsets(%dma_start3A_396 : memref<128xi32, #tpu.memory_space<vmem>>) semaphore(%arg33 : memref<!tpu.dma_semaphore, #tpu.memory_space<semaphore_mem>>)
      %dma_start3A_400 = arith.constant 512 : i32
      %dma_start3A_401 = tpu.memref_slice %arg26[%dma_start3A_400] : memref<1024xf32, #tpu.memory_space<vmem>> -> memref<128xf32, #tpu.memory_space<vmem>>
      %dma_start3A_402 = arith.constant 512 : i32
      %dma_start3A_403 = tpu.memref_slice %arg24[%dma_start3A_402] : memref<1024xi32, #tpu.memory_space<vmem>> -> memref<128xi32, #tpu.memory_space<vmem>>
      %dma_start3A_404 = arith.constant 0 : i32
      %dma_start3A_405 = tpu.memref_slice %arg7[%dma_start3A_404] : memref<65536xf32, #tpu.memory_space<hbm>> -> memref<65536xf32, #tpu.memory_space<hbm>>
      tpu.enqueue_indirect_dma source(%dma_start3A_405 : memref<65536xf32, #tpu.memory_space<hbm>>) target(%dma_start3A_401 : memref<128xf32, #tpu.memory_space<vmem>>) offsets(%dma_start3A_403 : memref<128xi32, #tpu.memory_space<vmem>>) semaphore(%arg33 : memref<!tpu.dma_semaphore, #tpu.memory_space<semaphore_mem>>)
      %dma_start3A_406 = arith.constant 512 : i32
      %dma_start3A_407 = tpu.memref_slice %arg27[%dma_start3A_406] : memref<1024xf32, #tpu.memory_space<vmem>> -> memref<128xf32, #tpu.memory_space<vmem>>
      %dma_start3A_408 = arith.constant 512 : i32
      %dma_start3A_409 = tpu.memref_slice %arg24[%dma_start3A_408] : memref<1024xi32, #tpu.memory_space<vmem>> -> memref<128xi32, #tpu.memory_space<vmem>>
      %dma_start3A_410 = arith.constant 0 : i32
      %dma_start3A_411 = tpu.memref_slice %arg8[%dma_start3A_410] : memref<65536xf32, #tpu.memory_space<hbm>> -> memref<65536xf32, #tpu.memory_space<hbm>>
      tpu.enqueue_indirect_dma source(%dma_start3A_411 : memref<65536xf32, #tpu.memory_space<hbm>>) target(%dma_start3A_407 : memref<128xf32, #tpu.memory_space<vmem>>) offsets(%dma_start3A_409 : memref<128xi32, #tpu.memory_space<vmem>>) semaphore(%arg33 : memref<!tpu.dma_semaphore, #tpu.memory_space<semaphore_mem>>)
      %dma_start3A_412 = arith.constant 512 : i32
      %dma_start3A_413 = tpu.memref_slice %arg28[%dma_start3A_412] : memref<1024xf32, #tpu.memory_space<vmem>> -> memref<128xf32, #tpu.memory_space<vmem>>
      %dma_start3A_414 = arith.constant 512 : i32
      %dma_start3A_415 = tpu.memref_slice %arg25[%dma_start3A_414] : memref<1024xi32, #tpu.memory_space<vmem>> -> memref<128xi32, #tpu.memory_space<vmem>>
      %dma_start3A_416 = arith.constant 0 : i32
      %dma_start3A_417 = tpu.memref_slice %arg7[%dma_start3A_416] : memref<65536xf32, #tpu.memory_space<hbm>> -> memref<65536xf32, #tpu.memory_space<hbm>>
      tpu.enqueue_indirect_dma source(%dma_start3A_417 : memref<65536xf32, #tpu.memory_space<hbm>>) target(%dma_start3A_413 : memref<128xf32, #tpu.memory_space<vmem>>) offsets(%dma_start3A_415 : memref<128xi32, #tpu.memory_space<vmem>>) semaphore(%arg33 : memref<!tpu.dma_semaphore, #tpu.memory_space<semaphore_mem>>)
      %dma_start3A_418 = arith.constant 512 : i32
      %dma_start3A_419 = tpu.memref_slice %arg29[%dma_start3A_418] : memref<1024xf32, #tpu.memory_space<vmem>> -> memref<128xf32, #tpu.memory_space<vmem>>
      %dma_start3A_420 = arith.constant 512 : i32
      %dma_start3A_421 = tpu.memref_slice %arg25[%dma_start3A_420] : memref<1024xi32, #tpu.memory_space<vmem>> -> memref<128xi32, #tpu.memory_space<vmem>>
      %dma_start3A_422 = arith.constant 0 : i32
      %dma_start3A_423 = tpu.memref_slice %arg8[%dma_start3A_422] : memref<65536xf32, #tpu.memory_space<hbm>> -> memref<65536xf32, #tpu.memory_space<hbm>>
      tpu.enqueue_indirect_dma source(%dma_start3A_423 : memref<65536xf32, #tpu.memory_space<hbm>>) target(%dma_start3A_419 : memref<128xf32, #tpu.memory_space<vmem>>) offsets(%dma_start3A_421 : memref<128xi32, #tpu.memory_space<vmem>>) semaphore(%arg33 : memref<!tpu.dma_semaphore, #tpu.memory_space<semaphore_mem>>)
      %dma_start3A_424 = arith.constant 512 : i32
      %dma_start3A_425 = arith.constant 0 : i32
      %dma_start3A_426 = tpu.memref_slice %arg31[%dma_start3A_424, %dma_start3A_425] : memref<1024x32xf32, #tpu.memory_space<vmem>> -> memref<128x32xf32, #tpu.memory_space<vmem>>
      %dma_start3A_427 = arith.constant 512 : i32
      %dma_start3A_428 = tpu.memref_slice %arg24[%dma_start3A_427] : memref<1024xi32, #tpu.memory_space<vmem>> -> memref<128xi32, #tpu.memory_space<vmem>>
      %dma_start3A_429 = arith.constant 0 : i32
      %dma_start3A_430 = arith.constant 0 : i32
      %dma_start3A_431 = tpu.memref_slice %arg9[%dma_start3A_429, %dma_start3A_430] : memref<65536x32xf32, #tpu.memory_space<hbm>> -> memref<65536x32xf32, #tpu.memory_space<hbm>>
      tpu.enqueue_indirect_dma source(%dma_start3A_431 : memref<65536x32xf32, #tpu.memory_space<hbm>>) target(%dma_start3A_426 : memref<128x32xf32, #tpu.memory_space<vmem>>) offsets(%dma_start3A_428 : memref<128xi32, #tpu.memory_space<vmem>>) semaphore(%arg33 : memref<!tpu.dma_semaphore, #tpu.memory_space<semaphore_mem>>)
      %dma_start3A_432 = arith.constant 512 : i32
      %dma_start3A_433 = arith.constant 0 : i32
      %dma_start3A_434 = tpu.memref_slice %arg32[%dma_start3A_432, %dma_start3A_433] : memref<1024x32xf32, #tpu.memory_space<vmem>> -> memref<128x32xf32, #tpu.memory_space<vmem>>
      %dma_start3A_435 = arith.constant 512 : i32
      %dma_start3A_436 = tpu.memref_slice %arg25[%dma_start3A_435] : memref<1024xi32, #tpu.memory_space<vmem>> -> memref<128xi32, #tpu.memory_space<vmem>>
      %dma_start3A_437 = arith.constant 0 : i32
      %dma_start3A_438 = arith.constant 0 : i32
      %dma_start3A_439 = tpu.memref_slice %arg9[%dma_start3A_437, %dma_start3A_438] : memref<65536x32xf32, #tpu.memory_space<hbm>> -> memref<65536x32xf32, #tpu.memory_space<hbm>>
      tpu.enqueue_indirect_dma source(%dma_start3A_439 : memref<65536x32xf32, #tpu.memory_space<hbm>>) target(%dma_start3A_434 : memref<128x32xf32, #tpu.memory_space<vmem>>) offsets(%dma_start3A_436 : memref<128xi32, #tpu.memory_space<vmem>>) semaphore(%arg33 : memref<!tpu.dma_semaphore, #tpu.memory_space<semaphore_mem>>)
      %dma_start3A_440 = arith.constant 512 : i32
      %dma_start3A_441 = arith.constant 0 : i32
      %dma_start3A_442 = tpu.memref_slice %arg30[%dma_start3A_440, %dma_start3A_441] : memref<1024x16xf32, #tpu.memory_space<vmem>> -> memref<128x16xf32, #tpu.memory_space<vmem>>
      %dma_start3A_443 = arith.constant 512 : i32
      %dma_start3A_444 = tpu.memref_slice %arg21[%dma_start3A_443] : memref<1024xi32, #tpu.memory_space<vmem>> -> memref<128xi32, #tpu.memory_space<vmem>>
      %dma_start3A_445 = arith.constant 0 : i32
      %dma_start3A_446 = arith.constant 0 : i32
      %dma_start3A_447 = tpu.memref_slice %arg10[%dma_start3A_445, %dma_start3A_446] : memref<1024x16xf32, #tpu.memory_space<hbm>> -> memref<1024x16xf32, #tpu.memory_space<hbm>>
      tpu.enqueue_indirect_dma source(%dma_start3A_447 : memref<1024x16xf32, #tpu.memory_space<hbm>>) target(%dma_start3A_442 : memref<128x16xf32, #tpu.memory_space<vmem>>) offsets(%dma_start3A_444 : memref<128xi32, #tpu.memory_space<vmem>>) semaphore(%arg33 : memref<!tpu.dma_semaphore, #tpu.memory_space<semaphore_mem>>)
      %dma_start3A_448 = arith.constant 640 : i32
      %dma_start3A_449 = tpu.memref_slice %arg26[%dma_start3A_448] : memref<1024xf32, #tpu.memory_space<vmem>> -> memref<128xf32, #tpu.memory_space<vmem>>
      %dma_start3A_450 = arith.constant 640 : i32
      %dma_start3A_451 = tpu.memref_slice %arg24[%dma_start3A_450] : memref<1024xi32, #tpu.memory_space<vmem>> -> memref<128xi32, #tpu.memory_space<vmem>>
      %dma_start3A_452 = arith.constant 0 : i32
      %dma_start3A_453 = tpu.memref_slice %arg7[%dma_start3A_452] : memref<65536xf32, #tpu.memory_space<hbm>> -> memref<65536xf32, #tpu.memory_space<hbm>>
      tpu.enqueue_indirect_dma source(%dma_start3A_453 : memref<65536xf32, #tpu.memory_space<hbm>>) target(%dma_start3A_449 : memref<128xf32, #tpu.memory_space<vmem>>) offsets(%dma_start3A_451 : memref<128xi32, #tpu.memory_space<vmem>>) semaphore(%arg33 : memref<!tpu.dma_semaphore, #tpu.memory_space<semaphore_mem>>)
      %dma_start3A_454 = arith.constant 640 : i32
      %dma_start3A_455 = tpu.memref_slice %arg27[%dma_start3A_454] : memref<1024xf32, #tpu.memory_space<vmem>> -> memref<128xf32, #tpu.memory_space<vmem>>
      %dma_start3A_456 = arith.constant 640 : i32
      %dma_start3A_457 = tpu.memref_slice %arg24[%dma_start3A_456] : memref<1024xi32, #tpu.memory_space<vmem>> -> memref<128xi32, #tpu.memory_space<vmem>>
      %dma_start3A_458 = arith.constant 0 : i32
      %dma_start3A_459 = tpu.memref_slice %arg8[%dma_start3A_458] : memref<65536xf32, #tpu.memory_space<hbm>> -> memref<65536xf32, #tpu.memory_space<hbm>>
      tpu.enqueue_indirect_dma source(%dma_start3A_459 : memref<65536xf32, #tpu.memory_space<hbm>>) target(%dma_start3A_455 : memref<128xf32, #tpu.memory_space<vmem>>) offsets(%dma_start3A_457 : memref<128xi32, #tpu.memory_space<vmem>>) semaphore(%arg33 : memref<!tpu.dma_semaphore, #tpu.memory_space<semaphore_mem>>)
      %dma_start3A_460 = arith.constant 640 : i32
      %dma_start3A_461 = tpu.memref_slice %arg28[%dma_start3A_460] : memref<1024xf32, #tpu.memory_space<vmem>> -> memref<128xf32, #tpu.memory_space<vmem>>
      %dma_start3A_462 = arith.constant 640 : i32
      %dma_start3A_463 = tpu.memref_slice %arg25[%dma_start3A_462] : memref<1024xi32, #tpu.memory_space<vmem>> -> memref<128xi32, #tpu.memory_space<vmem>>
      %dma_start3A_464 = arith.constant 0 : i32
      %dma_start3A_465 = tpu.memref_slice %arg7[%dma_start3A_464] : memref<65536xf32, #tpu.memory_space<hbm>> -> memref<65536xf32, #tpu.memory_space<hbm>>
      tpu.enqueue_indirect_dma source(%dma_start3A_465 : memref<65536xf32, #tpu.memory_space<hbm>>) target(%dma_start3A_461 : memref<128xf32, #tpu.memory_space<vmem>>) offsets(%dma_start3A_463 : memref<128xi32, #tpu.memory_space<vmem>>) semaphore(%arg33 : memref<!tpu.dma_semaphore, #tpu.memory_space<semaphore_mem>>)
      %dma_start3A_466 = arith.constant 640 : i32
      %dma_start3A_467 = tpu.memref_slice %arg29[%dma_start3A_466] : memref<1024xf32, #tpu.memory_space<vmem>> -> memref<128xf32, #tpu.memory_space<vmem>>
      %dma_start3A_468 = arith.constant 640 : i32
      %dma_start3A_469 = tpu.memref_slice %arg25[%dma_start3A_468] : memref<1024xi32, #tpu.memory_space<vmem>> -> memref<128xi32, #tpu.memory_space<vmem>>
      %dma_start3A_470 = arith.constant 0 : i32
      %dma_start3A_471 = tpu.memref_slice %arg8[%dma_start3A_470] : memref<65536xf32, #tpu.memory_space<hbm>> -> memref<65536xf32, #tpu.memory_space<hbm>>
      tpu.enqueue_indirect_dma source(%dma_start3A_471 : memref<65536xf32, #tpu.memory_space<hbm>>) target(%dma_start3A_467 : memref<128xf32, #tpu.memory_space<vmem>>) offsets(%dma_start3A_469 : memref<128xi32, #tpu.memory_space<vmem>>) semaphore(%arg33 : memref<!tpu.dma_semaphore, #tpu.memory_space<semaphore_mem>>)
      %dma_start3A_472 = arith.constant 640 : i32
      %dma_start3A_473 = arith.constant 0 : i32
      %dma_start3A_474 = tpu.memref_slice %arg31[%dma_start3A_472, %dma_start3A_473] : memref<1024x32xf32, #tpu.memory_space<vmem>> -> memref<128x32xf32, #tpu.memory_space<vmem>>
      %dma_start3A_475 = arith.constant 640 : i32
      %dma_start3A_476 = tpu.memref_slice %arg24[%dma_start3A_475] : memref<1024xi32, #tpu.memory_space<vmem>> -> memref<128xi32, #tpu.memory_space<vmem>>
      %dma_start3A_477 = arith.constant 0 : i32
      %dma_start3A_478 = arith.constant 0 : i32
      %dma_start3A_479 = tpu.memref_slice %arg9[%dma_start3A_477, %dma_start3A_478] : memref<65536x32xf32, #tpu.memory_space<hbm>> -> memref<65536x32xf32, #tpu.memory_space<hbm>>
      tpu.enqueue_indirect_dma source(%dma_start3A_479 : memref<65536x32xf32, #tpu.memory_space<hbm>>) target(%dma_start3A_474 : memref<128x32xf32, #tpu.memory_space<vmem>>) offsets(%dma_start3A_476 : memref<128xi32, #tpu.memory_space<vmem>>) semaphore(%arg33 : memref<!tpu.dma_semaphore, #tpu.memory_space<semaphore_mem>>)
      %dma_start3A_480 = arith.constant 640 : i32
      %dma_start3A_481 = arith.constant 0 : i32
      %dma_start3A_482 = tpu.memref_slice %arg32[%dma_start3A_480, %dma_start3A_481] : memref<1024x32xf32, #tpu.memory_space<vmem>> -> memref<128x32xf32, #tpu.memory_space<vmem>>
      %dma_start3A_483 = arith.constant 640 : i32
      %dma_start3A_484 = tpu.memref_slice %arg25[%dma_start3A_483] : memref<1024xi32, #tpu.memory_space<vmem>> -> memref<128xi32, #tpu.memory_space<vmem>>
      %dma_start3A_485 = arith.constant 0 : i32
      %dma_start3A_486 = arith.constant 0 : i32
      %dma_start3A_487 = tpu.memref_slice %arg9[%dma_start3A_485, %dma_start3A_486] : memref<65536x32xf32, #tpu.memory_space<hbm>> -> memref<65536x32xf32, #tpu.memory_space<hbm>>
      tpu.enqueue_indirect_dma source(%dma_start3A_487 : memref<65536x32xf32, #tpu.memory_space<hbm>>) target(%dma_start3A_482 : memref<128x32xf32, #tpu.memory_space<vmem>>) offsets(%dma_start3A_484 : memref<128xi32, #tpu.memory_space<vmem>>) semaphore(%arg33 : memref<!tpu.dma_semaphore, #tpu.memory_space<semaphore_mem>>)
      %dma_start3A_488 = arith.constant 640 : i32
      %dma_start3A_489 = arith.constant 0 : i32
      %dma_start3A_490 = tpu.memref_slice %arg30[%dma_start3A_488, %dma_start3A_489] : memref<1024x16xf32, #tpu.memory_space<vmem>> -> memref<128x16xf32, #tpu.memory_space<vmem>>
      %dma_start3A_491 = arith.constant 640 : i32
      %dma_start3A_492 = tpu.memref_slice %arg21[%dma_start3A_491] : memref<1024xi32, #tpu.memory_space<vmem>> -> memref<128xi32, #tpu.memory_space<vmem>>
      %dma_start3A_493 = arith.constant 0 : i32
      %dma_start3A_494 = arith.constant 0 : i32
      %dma_start3A_495 = tpu.memref_slice %arg10[%dma_start3A_493, %dma_start3A_494] : memref<1024x16xf32, #tpu.memory_space<hbm>> -> memref<1024x16xf32, #tpu.memory_space<hbm>>
      tpu.enqueue_indirect_dma source(%dma_start3A_495 : memref<1024x16xf32, #tpu.memory_space<hbm>>) target(%dma_start3A_490 : memref<128x16xf32, #tpu.memory_space<vmem>>) offsets(%dma_start3A_492 : memref<128xi32, #tpu.memory_space<vmem>>) semaphore(%arg33 : memref<!tpu.dma_semaphore, #tpu.memory_space<semaphore_mem>>)
      %dma_start3A_496 = arith.constant 768 : i32
      %dma_start3A_497 = tpu.memref_slice %arg26[%dma_start3A_496] : memref<1024xf32, #tpu.memory_space<vmem>> -> memref<128xf32, #tpu.memory_space<vmem>>
      %dma_start3A_498 = arith.constant 768 : i32
      %dma_start3A_499 = tpu.memref_slice %arg24[%dma_start3A_498] : memref<1024xi32, #tpu.memory_space<vmem>> -> memref<128xi32, #tpu.memory_space<vmem>>
      %dma_start3A_500 = arith.constant 0 : i32
      %dma_start3A_501 = tpu.memref_slice %arg7[%dma_start3A_500] : memref<65536xf32, #tpu.memory_space<hbm>> -> memref<65536xf32, #tpu.memory_space<hbm>>
      tpu.enqueue_indirect_dma source(%dma_start3A_501 : memref<65536xf32, #tpu.memory_space<hbm>>) target(%dma_start3A_497 : memref<128xf32, #tpu.memory_space<vmem>>) offsets(%dma_start3A_499 : memref<128xi32, #tpu.memory_space<vmem>>) semaphore(%arg33 : memref<!tpu.dma_semaphore, #tpu.memory_space<semaphore_mem>>)
      %dma_start3A_502 = arith.constant 768 : i32
      %dma_start3A_503 = tpu.memref_slice %arg27[%dma_start3A_502] : memref<1024xf32, #tpu.memory_space<vmem>> -> memref<128xf32, #tpu.memory_space<vmem>>
      %dma_start3A_504 = arith.constant 768 : i32
      %dma_start3A_505 = tpu.memref_slice %arg24[%dma_start3A_504] : memref<1024xi32, #tpu.memory_space<vmem>> -> memref<128xi32, #tpu.memory_space<vmem>>
      %dma_start3A_506 = arith.constant 0 : i32
      %dma_start3A_507 = tpu.memref_slice %arg8[%dma_start3A_506] : memref<65536xf32, #tpu.memory_space<hbm>> -> memref<65536xf32, #tpu.memory_space<hbm>>
      tpu.enqueue_indirect_dma source(%dma_start3A_507 : memref<65536xf32, #tpu.memory_space<hbm>>) target(%dma_start3A_503 : memref<128xf32, #tpu.memory_space<vmem>>) offsets(%dma_start3A_505 : memref<128xi32, #tpu.memory_space<vmem>>) semaphore(%arg33 : memref<!tpu.dma_semaphore, #tpu.memory_space<semaphore_mem>>)
      %dma_start3A_508 = arith.constant 768 : i32
      %dma_start3A_509 = tpu.memref_slice %arg28[%dma_start3A_508] : memref<1024xf32, #tpu.memory_space<vmem>> -> memref<128xf32, #tpu.memory_space<vmem>>
      %dma_start3A_510 = arith.constant 768 : i32
      %dma_start3A_511 = tpu.memref_slice %arg25[%dma_start3A_510] : memref<1024xi32, #tpu.memory_space<vmem>> -> memref<128xi32, #tpu.memory_space<vmem>>
      %dma_start3A_512 = arith.constant 0 : i32
      %dma_start3A_513 = tpu.memref_slice %arg7[%dma_start3A_512] : memref<65536xf32, #tpu.memory_space<hbm>> -> memref<65536xf32, #tpu.memory_space<hbm>>
      tpu.enqueue_indirect_dma source(%dma_start3A_513 : memref<65536xf32, #tpu.memory_space<hbm>>) target(%dma_start3A_509 : memref<128xf32, #tpu.memory_space<vmem>>) offsets(%dma_start3A_511 : memref<128xi32, #tpu.memory_space<vmem>>) semaphore(%arg33 : memref<!tpu.dma_semaphore, #tpu.memory_space<semaphore_mem>>)
      %dma_start3A_514 = arith.constant 768 : i32
      %dma_start3A_515 = tpu.memref_slice %arg29[%dma_start3A_514] : memref<1024xf32, #tpu.memory_space<vmem>> -> memref<128xf32, #tpu.memory_space<vmem>>
      %dma_start3A_516 = arith.constant 768 : i32
      %dma_start3A_517 = tpu.memref_slice %arg25[%dma_start3A_516] : memref<1024xi32, #tpu.memory_space<vmem>> -> memref<128xi32, #tpu.memory_space<vmem>>
      %dma_start3A_518 = arith.constant 0 : i32
      %dma_start3A_519 = tpu.memref_slice %arg8[%dma_start3A_518] : memref<65536xf32, #tpu.memory_space<hbm>> -> memref<65536xf32, #tpu.memory_space<hbm>>
      tpu.enqueue_indirect_dma source(%dma_start3A_519 : memref<65536xf32, #tpu.memory_space<hbm>>) target(%dma_start3A_515 : memref<128xf32, #tpu.memory_space<vmem>>) offsets(%dma_start3A_517 : memref<128xi32, #tpu.memory_space<vmem>>) semaphore(%arg33 : memref<!tpu.dma_semaphore, #tpu.memory_space<semaphore_mem>>)
      %dma_start3A_520 = arith.constant 768 : i32
      %dma_start3A_521 = arith.constant 0 : i32
      %dma_start3A_522 = tpu.memref_slice %arg31[%dma_start3A_520, %dma_start3A_521] : memref<1024x32xf32, #tpu.memory_space<vmem>> -> memref<128x32xf32, #tpu.memory_space<vmem>>
      %dma_start3A_523 = arith.constant 768 : i32
      %dma_start3A_524 = tpu.memref_slice %arg24[%dma_start3A_523] : memref<1024xi32, #tpu.memory_space<vmem>> -> memref<128xi32, #tpu.memory_space<vmem>>
      %dma_start3A_525 = arith.constant 0 : i32
      %dma_start3A_526 = arith.constant 0 : i32
      %dma_start3A_527 = tpu.memref_slice %arg9[%dma_start3A_525, %dma_start3A_526] : memref<65536x32xf32, #tpu.memory_space<hbm>> -> memref<65536x32xf32, #tpu.memory_space<hbm>>
      tpu.enqueue_indirect_dma source(%dma_start3A_527 : memref<65536x32xf32, #tpu.memory_space<hbm>>) target(%dma_start3A_522 : memref<128x32xf32, #tpu.memory_space<vmem>>) offsets(%dma_start3A_524 : memref<128xi32, #tpu.memory_space<vmem>>) semaphore(%arg33 : memref<!tpu.dma_semaphore, #tpu.memory_space<semaphore_mem>>)
      %dma_start3A_528 = arith.constant 768 : i32
      %dma_start3A_529 = arith.constant 0 : i32
      %dma_start3A_530 = tpu.memref_slice %arg32[%dma_start3A_528, %dma_start3A_529] : memref<1024x32xf32, #tpu.memory_space<vmem>> -> memref<128x32xf32, #tpu.memory_space<vmem>>
      %dma_start3A_531 = arith.constant 768 : i32
      %dma_start3A_532 = tpu.memref_slice %arg25[%dma_start3A_531] : memref<1024xi32, #tpu.memory_space<vmem>> -> memref<128xi32, #tpu.memory_space<vmem>>
      %dma_start3A_533 = arith.constant 0 : i32
      %dma_start3A_534 = arith.constant 0 : i32
      %dma_start3A_535 = tpu.memref_slice %arg9[%dma_start3A_533, %dma_start3A_534] : memref<65536x32xf32, #tpu.memory_space<hbm>> -> memref<65536x32xf32, #tpu.memory_space<hbm>>
      tpu.enqueue_indirect_dma source(%dma_start3A_535 : memref<65536x32xf32, #tpu.memory_space<hbm>>) target(%dma_start3A_530 : memref<128x32xf32, #tpu.memory_space<vmem>>) offsets(%dma_start3A_532 : memref<128xi32, #tpu.memory_space<vmem>>) semaphore(%arg33 : memref<!tpu.dma_semaphore, #tpu.memory_space<semaphore_mem>>)
      %dma_start3A_536 = arith.constant 768 : i32
      %dma_start3A_537 = arith.constant 0 : i32
      %dma_start3A_538 = tpu.memref_slice %arg30[%dma_start3A_536, %dma_start3A_537] : memref<1024x16xf32, #tpu.memory_space<vmem>> -> memref<128x16xf32, #tpu.memory_space<vmem>>
      %dma_start3A_539 = arith.constant 768 : i32
      %dma_start3A_540 = tpu.memref_slice %arg21[%dma_start3A_539] : memref<1024xi32, #tpu.memory_space<vmem>> -> memref<128xi32, #tpu.memory_space<vmem>>
      %dma_start3A_541 = arith.constant 0 : i32
      %dma_start3A_542 = arith.constant 0 : i32
      %dma_start3A_543 = tpu.memref_slice %arg10[%dma_start3A_541, %dma_start3A_542] : memref<1024x16xf32, #tpu.memory_space<hbm>> -> memref<1024x16xf32, #tpu.memory_space<hbm>>
      tpu.enqueue_indirect_dma source(%dma_start3A_543 : memref<1024x16xf32, #tpu.memory_space<hbm>>) target(%dma_start3A_538 : memref<128x16xf32, #tpu.memory_space<vmem>>) offsets(%dma_start3A_540 : memref<128xi32, #tpu.memory_space<vmem>>) semaphore(%arg33 : memref<!tpu.dma_semaphore, #tpu.memory_space<semaphore_mem>>)
      %dma_start3A_544 = arith.constant 896 : i32
      %dma_start3A_545 = tpu.memref_slice %arg26[%dma_start3A_544] : memref<1024xf32, #tpu.memory_space<vmem>> -> memref<128xf32, #tpu.memory_space<vmem>>
      %dma_start3A_546 = arith.constant 896 : i32
      %dma_start3A_547 = tpu.memref_slice %arg24[%dma_start3A_546] : memref<1024xi32, #tpu.memory_space<vmem>> -> memref<128xi32, #tpu.memory_space<vmem>>
      %dma_start3A_548 = arith.constant 0 : i32
      %dma_start3A_549 = tpu.memref_slice %arg7[%dma_start3A_548] : memref<65536xf32, #tpu.memory_space<hbm>> -> memref<65536xf32, #tpu.memory_space<hbm>>
      tpu.enqueue_indirect_dma source(%dma_start3A_549 : memref<65536xf32, #tpu.memory_space<hbm>>) target(%dma_start3A_545 : memref<128xf32, #tpu.memory_space<vmem>>) offsets(%dma_start3A_547 : memref<128xi32, #tpu.memory_space<vmem>>) semaphore(%arg33 : memref<!tpu.dma_semaphore, #tpu.memory_space<semaphore_mem>>)
      %dma_start3A_550 = arith.constant 896 : i32
      %dma_start3A_551 = tpu.memref_slice %arg27[%dma_start3A_550] : memref<1024xf32, #tpu.memory_space<vmem>> -> memref<128xf32, #tpu.memory_space<vmem>>
      %dma_start3A_552 = arith.constant 896 : i32
      %dma_start3A_553 = tpu.memref_slice %arg24[%dma_start3A_552] : memref<1024xi32, #tpu.memory_space<vmem>> -> memref<128xi32, #tpu.memory_space<vmem>>
      %dma_start3A_554 = arith.constant 0 : i32
      %dma_start3A_555 = tpu.memref_slice %arg8[%dma_start3A_554] : memref<65536xf32, #tpu.memory_space<hbm>> -> memref<65536xf32, #tpu.memory_space<hbm>>
      tpu.enqueue_indirect_dma source(%dma_start3A_555 : memref<65536xf32, #tpu.memory_space<hbm>>) target(%dma_start3A_551 : memref<128xf32, #tpu.memory_space<vmem>>) offsets(%dma_start3A_553 : memref<128xi32, #tpu.memory_space<vmem>>) semaphore(%arg33 : memref<!tpu.dma_semaphore, #tpu.memory_space<semaphore_mem>>)
      %dma_start3A_556 = arith.constant 896 : i32
      %dma_start3A_557 = tpu.memref_slice %arg28[%dma_start3A_556] : memref<1024xf32, #tpu.memory_space<vmem>> -> memref<128xf32, #tpu.memory_space<vmem>>
      %dma_start3A_558 = arith.constant 896 : i32
      %dma_start3A_559 = tpu.memref_slice %arg25[%dma_start3A_558] : memref<1024xi32, #tpu.memory_space<vmem>> -> memref<128xi32, #tpu.memory_space<vmem>>
      %dma_start3A_560 = arith.constant 0 : i32
      %dma_start3A_561 = tpu.memref_slice %arg7[%dma_start3A_560] : memref<65536xf32, #tpu.memory_space<hbm>> -> memref<65536xf32, #tpu.memory_space<hbm>>
      tpu.enqueue_indirect_dma source(%dma_start3A_561 : memref<65536xf32, #tpu.memory_space<hbm>>) target(%dma_start3A_557 : memref<128xf32, #tpu.memory_space<vmem>>) offsets(%dma_start3A_559 : memref<128xi32, #tpu.memory_space<vmem>>) semaphore(%arg33 : memref<!tpu.dma_semaphore, #tpu.memory_space<semaphore_mem>>)
      %dma_start3A_562 = arith.constant 896 : i32
      %dma_start3A_563 = tpu.memref_slice %arg29[%dma_start3A_562] : memref<1024xf32, #tpu.memory_space<vmem>> -> memref<128xf32, #tpu.memory_space<vmem>>
      %dma_start3A_564 = arith.constant 896 : i32
      %dma_start3A_565 = tpu.memref_slice %arg25[%dma_start3A_564] : memref<1024xi32, #tpu.memory_space<vmem>> -> memref<128xi32, #tpu.memory_space<vmem>>
      %dma_start3A_566 = arith.constant 0 : i32
      %dma_start3A_567 = tpu.memref_slice %arg8[%dma_start3A_566] : memref<65536xf32, #tpu.memory_space<hbm>> -> memref<65536xf32, #tpu.memory_space<hbm>>
      tpu.enqueue_indirect_dma source(%dma_start3A_567 : memref<65536xf32, #tpu.memory_space<hbm>>) target(%dma_start3A_563 : memref<128xf32, #tpu.memory_space<vmem>>) offsets(%dma_start3A_565 : memref<128xi32, #tpu.memory_space<vmem>>) semaphore(%arg33 : memref<!tpu.dma_semaphore, #tpu.memory_space<semaphore_mem>>)
      %dma_start3A_568 = arith.constant 896 : i32
      %dma_start3A_569 = arith.constant 0 : i32
      %dma_start3A_570 = tpu.memref_slice %arg31[%dma_start3A_568, %dma_start3A_569] : memref<1024x32xf32, #tpu.memory_space<vmem>> -> memref<128x32xf32, #tpu.memory_space<vmem>>
      %dma_start3A_571 = arith.constant 896 : i32
      %dma_start3A_572 = tpu.memref_slice %arg24[%dma_start3A_571] : memref<1024xi32, #tpu.memory_space<vmem>> -> memref<128xi32, #tpu.memory_space<vmem>>
      %dma_start3A_573 = arith.constant 0 : i32
      %dma_start3A_574 = arith.constant 0 : i32
      %dma_start3A_575 = tpu.memref_slice %arg9[%dma_start3A_573, %dma_start3A_574] : memref<65536x32xf32, #tpu.memory_space<hbm>> -> memref<65536x32xf32, #tpu.memory_space<hbm>>
      tpu.enqueue_indirect_dma source(%dma_start3A_575 : memref<65536x32xf32, #tpu.memory_space<hbm>>) target(%dma_start3A_570 : memref<128x32xf32, #tpu.memory_space<vmem>>) offsets(%dma_start3A_572 : memref<128xi32, #tpu.memory_space<vmem>>) semaphore(%arg33 : memref<!tpu.dma_semaphore, #tpu.memory_space<semaphore_mem>>)
      %dma_start3A_576 = arith.constant 896 : i32
      %dma_start3A_577 = arith.constant 0 : i32
      %dma_start3A_578 = tpu.memref_slice %arg32[%dma_start3A_576, %dma_start3A_577] : memref<1024x32xf32, #tpu.memory_space<vmem>> -> memref<128x32xf32, #tpu.memory_space<vmem>>
      %dma_start3A_579 = arith.constant 896 : i32
      %dma_start3A_580 = tpu.memref_slice %arg25[%dma_start3A_579] : memref<1024xi32, #tpu.memory_space<vmem>> -> memref<128xi32, #tpu.memory_space<vmem>>
      %dma_start3A_581 = arith.constant 0 : i32
      %dma_start3A_582 = arith.constant 0 : i32
      %dma_start3A_583 = tpu.memref_slice %arg9[%dma_start3A_581, %dma_start3A_582] : memref<65536x32xf32, #tpu.memory_space<hbm>> -> memref<65536x32xf32, #tpu.memory_space<hbm>>
      tpu.enqueue_indirect_dma source(%dma_start3A_583 : memref<65536x32xf32, #tpu.memory_space<hbm>>) target(%dma_start3A_578 : memref<128x32xf32, #tpu.memory_space<vmem>>) offsets(%dma_start3A_580 : memref<128xi32, #tpu.memory_space<vmem>>) semaphore(%arg33 : memref<!tpu.dma_semaphore, #tpu.memory_space<semaphore_mem>>)
      %dma_start3A_584 = arith.constant 896 : i32
      %dma_start3A_585 = arith.constant 0 : i32
      %dma_start3A_586 = tpu.memref_slice %arg30[%dma_start3A_584, %dma_start3A_585] : memref<1024x16xf32, #tpu.memory_space<vmem>> -> memref<128x16xf32, #tpu.memory_space<vmem>>
      %dma_start3A_587 = arith.constant 896 : i32
      %dma_start3A_588 = tpu.memref_slice %arg21[%dma_start3A_587] : memref<1024xi32, #tpu.memory_space<vmem>> -> memref<128xi32, #tpu.memory_space<vmem>>
      %dma_start3A_589 = arith.constant 0 : i32
      %dma_start3A_590 = arith.constant 0 : i32
      %dma_start3A_591 = tpu.memref_slice %arg10[%dma_start3A_589, %dma_start3A_590] : memref<1024x16xf32, #tpu.memory_space<hbm>> -> memref<1024x16xf32, #tpu.memory_space<hbm>>
      tpu.enqueue_indirect_dma source(%dma_start3A_591 : memref<1024x16xf32, #tpu.memory_space<hbm>>) target(%dma_start3A_586 : memref<128x16xf32, #tpu.memory_space<vmem>>) offsets(%dma_start3A_588 : memref<128xi32, #tpu.memory_space<vmem>>) semaphore(%arg33 : memref<!tpu.dma_semaphore, #tpu.memory_space<semaphore_mem>>)
      %dma_wait3A_592 = arith.constant 0 : i32
      %dma_wait3A_593 = tpu.memref_slice %arg26[%dma_wait3A_592] : memref<1024xf32, #tpu.memory_space<vmem>> -> memref<128xf32, #tpu.memory_space<vmem>>
      %dma_wait3A_594 = arith.constant 0 : i32
      %dma_wait3A_595 = tpu.memref_slice %arg24[%dma_wait3A_594] : memref<1024xi32, #tpu.memory_space<vmem>> -> memref<128xi32, #tpu.memory_space<vmem>>
      %dma_wait3A_596 = arith.constant 0 : i32
      %dma_wait3A_597 = tpu.memref_slice %arg7[%dma_wait3A_596] : memref<65536xf32, #tpu.memory_space<hbm>> -> memref<65536xf32, #tpu.memory_space<hbm>>
      tpu.wait_indirect_dma semaphore(%arg33 : memref<!tpu.dma_semaphore, #tpu.memory_space<semaphore_mem>>) src(%dma_wait3A_597 : memref<65536xf32, #tpu.memory_space<hbm>>) dst(%dma_wait3A_593 : memref<128xf32, #tpu.memory_space<vmem>>)
      %dma_wait3A_598 = arith.constant 0 : i32
      %dma_wait3A_599 = tpu.memref_slice %arg27[%dma_wait3A_598] : memref<1024xf32, #tpu.memory_space<vmem>> -> memref<128xf32, #tpu.memory_space<vmem>>
      %dma_wait3A_600 = arith.constant 0 : i32
      %dma_wait3A_601 = tpu.memref_slice %arg24[%dma_wait3A_600] : memref<1024xi32, #tpu.memory_space<vmem>> -> memref<128xi32, #tpu.memory_space<vmem>>
      %dma_wait3A_602 = arith.constant 0 : i32
      %dma_wait3A_603 = tpu.memref_slice %arg8[%dma_wait3A_602] : memref<65536xf32, #tpu.memory_space<hbm>> -> memref<65536xf32, #tpu.memory_space<hbm>>
      tpu.wait_indirect_dma semaphore(%arg33 : memref<!tpu.dma_semaphore, #tpu.memory_space<semaphore_mem>>) src(%dma_wait3A_603 : memref<65536xf32, #tpu.memory_space<hbm>>) dst(%dma_wait3A_599 : memref<128xf32, #tpu.memory_space<vmem>>)
      %dma_wait3A_604 = arith.constant 0 : i32
      %dma_wait3A_605 = tpu.memref_slice %arg28[%dma_wait3A_604] : memref<1024xf32, #tpu.memory_space<vmem>> -> memref<128xf32, #tpu.memory_space<vmem>>
      %dma_wait3A_606 = arith.constant 0 : i32
      %dma_wait3A_607 = tpu.memref_slice %arg25[%dma_wait3A_606] : memref<1024xi32, #tpu.memory_space<vmem>> -> memref<128xi32, #tpu.memory_space<vmem>>
      %dma_wait3A_608 = arith.constant 0 : i32
      %dma_wait3A_609 = tpu.memref_slice %arg7[%dma_wait3A_608] : memref<65536xf32, #tpu.memory_space<hbm>> -> memref<65536xf32, #tpu.memory_space<hbm>>
      tpu.wait_indirect_dma semaphore(%arg33 : memref<!tpu.dma_semaphore, #tpu.memory_space<semaphore_mem>>) src(%dma_wait3A_609 : memref<65536xf32, #tpu.memory_space<hbm>>) dst(%dma_wait3A_605 : memref<128xf32, #tpu.memory_space<vmem>>)
      %dma_wait3A_610 = arith.constant 0 : i32
      %dma_wait3A_611 = tpu.memref_slice %arg29[%dma_wait3A_610] : memref<1024xf32, #tpu.memory_space<vmem>> -> memref<128xf32, #tpu.memory_space<vmem>>
      %dma_wait3A_612 = arith.constant 0 : i32
      %dma_wait3A_613 = tpu.memref_slice %arg25[%dma_wait3A_612] : memref<1024xi32, #tpu.memory_space<vmem>> -> memref<128xi32, #tpu.memory_space<vmem>>
      %dma_wait3A_614 = arith.constant 0 : i32
      %dma_wait3A_615 = tpu.memref_slice %arg8[%dma_wait3A_614] : memref<65536xf32, #tpu.memory_space<hbm>> -> memref<65536xf32, #tpu.memory_space<hbm>>
      tpu.wait_indirect_dma semaphore(%arg33 : memref<!tpu.dma_semaphore, #tpu.memory_space<semaphore_mem>>) src(%dma_wait3A_615 : memref<65536xf32, #tpu.memory_space<hbm>>) dst(%dma_wait3A_611 : memref<128xf32, #tpu.memory_space<vmem>>)
      %dma_wait3A_616 = arith.constant 0 : i32
      %dma_wait3A_617 = arith.constant 0 : i32
      %dma_wait3A_618 = tpu.memref_slice %arg31[%dma_wait3A_616, %dma_wait3A_617] : memref<1024x32xf32, #tpu.memory_space<vmem>> -> memref<128x32xf32, #tpu.memory_space<vmem>>
      %dma_wait3A_619 = arith.constant 0 : i32
      %dma_wait3A_620 = tpu.memref_slice %arg24[%dma_wait3A_619] : memref<1024xi32, #tpu.memory_space<vmem>> -> memref<128xi32, #tpu.memory_space<vmem>>
      %dma_wait3A_621 = arith.constant 0 : i32
      %dma_wait3A_622 = arith.constant 0 : i32
      %dma_wait3A_623 = tpu.memref_slice %arg9[%dma_wait3A_621, %dma_wait3A_622] : memref<65536x32xf32, #tpu.memory_space<hbm>> -> memref<65536x32xf32, #tpu.memory_space<hbm>>
      tpu.wait_indirect_dma semaphore(%arg33 : memref<!tpu.dma_semaphore, #tpu.memory_space<semaphore_mem>>) src(%dma_wait3A_623 : memref<65536x32xf32, #tpu.memory_space<hbm>>) dst(%dma_wait3A_618 : memref<128x32xf32, #tpu.memory_space<vmem>>)
      %dma_wait3A_624 = arith.constant 0 : i32
      %dma_wait3A_625 = arith.constant 0 : i32
      %dma_wait3A_626 = tpu.memref_slice %arg32[%dma_wait3A_624, %dma_wait3A_625] : memref<1024x32xf32, #tpu.memory_space<vmem>> -> memref<128x32xf32, #tpu.memory_space<vmem>>
      %dma_wait3A_627 = arith.constant 0 : i32
      %dma_wait3A_628 = tpu.memref_slice %arg25[%dma_wait3A_627] : memref<1024xi32, #tpu.memory_space<vmem>> -> memref<128xi32, #tpu.memory_space<vmem>>
      %dma_wait3A_629 = arith.constant 0 : i32
      %dma_wait3A_630 = arith.constant 0 : i32
      %dma_wait3A_631 = tpu.memref_slice %arg9[%dma_wait3A_629, %dma_wait3A_630] : memref<65536x32xf32, #tpu.memory_space<hbm>> -> memref<65536x32xf32, #tpu.memory_space<hbm>>
      tpu.wait_indirect_dma semaphore(%arg33 : memref<!tpu.dma_semaphore, #tpu.memory_space<semaphore_mem>>) src(%dma_wait3A_631 : memref<65536x32xf32, #tpu.memory_space<hbm>>) dst(%dma_wait3A_626 : memref<128x32xf32, #tpu.memory_space<vmem>>)
      %dma_wait3A_632 = arith.constant 0 : i32
      %dma_wait3A_633 = arith.constant 0 : i32
      %dma_wait3A_634 = tpu.memref_slice %arg30[%dma_wait3A_632, %dma_wait3A_633] : memref<1024x16xf32, #tpu.memory_space<vmem>> -> memref<128x16xf32, #tpu.memory_space<vmem>>
      %dma_wait3A_635 = arith.constant 0 : i32
      %dma_wait3A_636 = tpu.memref_slice %arg21[%dma_wait3A_635] : memref<1024xi32, #tpu.memory_space<vmem>> -> memref<128xi32, #tpu.memory_space<vmem>>
      %dma_wait3A_637 = arith.constant 0 : i32
      %dma_wait3A_638 = arith.constant 0 : i32
      %dma_wait3A_639 = tpu.memref_slice %arg10[%dma_wait3A_637, %dma_wait3A_638] : memref<1024x16xf32, #tpu.memory_space<hbm>> -> memref<1024x16xf32, #tpu.memory_space<hbm>>
      tpu.wait_indirect_dma semaphore(%arg33 : memref<!tpu.dma_semaphore, #tpu.memory_space<semaphore_mem>>) src(%dma_wait3A_639 : memref<1024x16xf32, #tpu.memory_space<hbm>>) dst(%dma_wait3A_634 : memref<128x16xf32, #tpu.memory_space<vmem>>)
      %dma_wait3A_640 = arith.constant 128 : i32
      %dma_wait3A_641 = tpu.memref_slice %arg26[%dma_wait3A_640] : memref<1024xf32, #tpu.memory_space<vmem>> -> memref<128xf32, #tpu.memory_space<vmem>>
      %dma_wait3A_642 = arith.constant 128 : i32
      %dma_wait3A_643 = tpu.memref_slice %arg24[%dma_wait3A_642] : memref<1024xi32, #tpu.memory_space<vmem>> -> memref<128xi32, #tpu.memory_space<vmem>>
      %dma_wait3A_644 = arith.constant 0 : i32
      %dma_wait3A_645 = tpu.memref_slice %arg7[%dma_wait3A_644] : memref<65536xf32, #tpu.memory_space<hbm>> -> memref<65536xf32, #tpu.memory_space<hbm>>
      tpu.wait_indirect_dma semaphore(%arg33 : memref<!tpu.dma_semaphore, #tpu.memory_space<semaphore_mem>>) src(%dma_wait3A_645 : memref<65536xf32, #tpu.memory_space<hbm>>) dst(%dma_wait3A_641 : memref<128xf32, #tpu.memory_space<vmem>>)
      %dma_wait3A_646 = arith.constant 128 : i32
      %dma_wait3A_647 = tpu.memref_slice %arg27[%dma_wait3A_646] : memref<1024xf32, #tpu.memory_space<vmem>> -> memref<128xf32, #tpu.memory_space<vmem>>
      %dma_wait3A_648 = arith.constant 128 : i32
      %dma_wait3A_649 = tpu.memref_slice %arg24[%dma_wait3A_648] : memref<1024xi32, #tpu.memory_space<vmem>> -> memref<128xi32, #tpu.memory_space<vmem>>
      %dma_wait3A_650 = arith.constant 0 : i32
      %dma_wait3A_651 = tpu.memref_slice %arg8[%dma_wait3A_650] : memref<65536xf32, #tpu.memory_space<hbm>> -> memref<65536xf32, #tpu.memory_space<hbm>>
      tpu.wait_indirect_dma semaphore(%arg33 : memref<!tpu.dma_semaphore, #tpu.memory_space<semaphore_mem>>) src(%dma_wait3A_651 : memref<65536xf32, #tpu.memory_space<hbm>>) dst(%dma_wait3A_647 : memref<128xf32, #tpu.memory_space<vmem>>)
      %dma_wait3A_652 = arith.constant 128 : i32
      %dma_wait3A_653 = tpu.memref_slice %arg28[%dma_wait3A_652] : memref<1024xf32, #tpu.memory_space<vmem>> -> memref<128xf32, #tpu.memory_space<vmem>>
      %dma_wait3A_654 = arith.constant 128 : i32
      %dma_wait3A_655 = tpu.memref_slice %arg25[%dma_wait3A_654] : memref<1024xi32, #tpu.memory_space<vmem>> -> memref<128xi32, #tpu.memory_space<vmem>>
      %dma_wait3A_656 = arith.constant 0 : i32
      %dma_wait3A_657 = tpu.memref_slice %arg7[%dma_wait3A_656] : memref<65536xf32, #tpu.memory_space<hbm>> -> memref<65536xf32, #tpu.memory_space<hbm>>
      tpu.wait_indirect_dma semaphore(%arg33 : memref<!tpu.dma_semaphore, #tpu.memory_space<semaphore_mem>>) src(%dma_wait3A_657 : memref<65536xf32, #tpu.memory_space<hbm>>) dst(%dma_wait3A_653 : memref<128xf32, #tpu.memory_space<vmem>>)
      %dma_wait3A_658 = arith.constant 128 : i32
      %dma_wait3A_659 = tpu.memref_slice %arg29[%dma_wait3A_658] : memref<1024xf32, #tpu.memory_space<vmem>> -> memref<128xf32, #tpu.memory_space<vmem>>
      %dma_wait3A_660 = arith.constant 128 : i32
      %dma_wait3A_661 = tpu.memref_slice %arg25[%dma_wait3A_660] : memref<1024xi32, #tpu.memory_space<vmem>> -> memref<128xi32, #tpu.memory_space<vmem>>
      %dma_wait3A_662 = arith.constant 0 : i32
      %dma_wait3A_663 = tpu.memref_slice %arg8[%dma_wait3A_662] : memref<65536xf32, #tpu.memory_space<hbm>> -> memref<65536xf32, #tpu.memory_space<hbm>>
      tpu.wait_indirect_dma semaphore(%arg33 : memref<!tpu.dma_semaphore, #tpu.memory_space<semaphore_mem>>) src(%dma_wait3A_663 : memref<65536xf32, #tpu.memory_space<hbm>>) dst(%dma_wait3A_659 : memref<128xf32, #tpu.memory_space<vmem>>)
      %dma_wait3A_664 = arith.constant 128 : i32
      %dma_wait3A_665 = arith.constant 0 : i32
      %dma_wait3A_666 = tpu.memref_slice %arg31[%dma_wait3A_664, %dma_wait3A_665] : memref<1024x32xf32, #tpu.memory_space<vmem>> -> memref<128x32xf32, #tpu.memory_space<vmem>>
      %dma_wait3A_667 = arith.constant 128 : i32
      %dma_wait3A_668 = tpu.memref_slice %arg24[%dma_wait3A_667] : memref<1024xi32, #tpu.memory_space<vmem>> -> memref<128xi32, #tpu.memory_space<vmem>>
      %dma_wait3A_669 = arith.constant 0 : i32
      %dma_wait3A_670 = arith.constant 0 : i32
      %dma_wait3A_671 = tpu.memref_slice %arg9[%dma_wait3A_669, %dma_wait3A_670] : memref<65536x32xf32, #tpu.memory_space<hbm>> -> memref<65536x32xf32, #tpu.memory_space<hbm>>
      tpu.wait_indirect_dma semaphore(%arg33 : memref<!tpu.dma_semaphore, #tpu.memory_space<semaphore_mem>>) src(%dma_wait3A_671 : memref<65536x32xf32, #tpu.memory_space<hbm>>) dst(%dma_wait3A_666 : memref<128x32xf32, #tpu.memory_space<vmem>>)
      %dma_wait3A_672 = arith.constant 128 : i32
      %dma_wait3A_673 = arith.constant 0 : i32
      %dma_wait3A_674 = tpu.memref_slice %arg32[%dma_wait3A_672, %dma_wait3A_673] : memref<1024x32xf32, #tpu.memory_space<vmem>> -> memref<128x32xf32, #tpu.memory_space<vmem>>
      %dma_wait3A_675 = arith.constant 128 : i32
      %dma_wait3A_676 = tpu.memref_slice %arg25[%dma_wait3A_675] : memref<1024xi32, #tpu.memory_space<vmem>> -> memref<128xi32, #tpu.memory_space<vmem>>
      %dma_wait3A_677 = arith.constant 0 : i32
      %dma_wait3A_678 = arith.constant 0 : i32
      %dma_wait3A_679 = tpu.memref_slice %arg9[%dma_wait3A_677, %dma_wait3A_678] : memref<65536x32xf32, #tpu.memory_space<hbm>> -> memref<65536x32xf32, #tpu.memory_space<hbm>>
      tpu.wait_indirect_dma semaphore(%arg33 : memref<!tpu.dma_semaphore, #tpu.memory_space<semaphore_mem>>) src(%dma_wait3A_679 : memref<65536x32xf32, #tpu.memory_space<hbm>>) dst(%dma_wait3A_674 : memref<128x32xf32, #tpu.memory_space<vmem>>)
      %dma_wait3A_680 = arith.constant 128 : i32
      %dma_wait3A_681 = arith.constant 0 : i32
      %dma_wait3A_682 = tpu.memref_slice %arg30[%dma_wait3A_680, %dma_wait3A_681] : memref<1024x16xf32, #tpu.memory_space<vmem>> -> memref<128x16xf32, #tpu.memory_space<vmem>>
      %dma_wait3A_683 = arith.constant 128 : i32
      %dma_wait3A_684 = tpu.memref_slice %arg21[%dma_wait3A_683] : memref<1024xi32, #tpu.memory_space<vmem>> -> memref<128xi32, #tpu.memory_space<vmem>>
      %dma_wait3A_685 = arith.constant 0 : i32
      %dma_wait3A_686 = arith.constant 0 : i32
      %dma_wait3A_687 = tpu.memref_slice %arg10[%dma_wait3A_685, %dma_wait3A_686] : memref<1024x16xf32, #tpu.memory_space<hbm>> -> memref<1024x16xf32, #tpu.memory_space<hbm>>
      tpu.wait_indirect_dma semaphore(%arg33 : memref<!tpu.dma_semaphore, #tpu.memory_space<semaphore_mem>>) src(%dma_wait3A_687 : memref<1024x16xf32, #tpu.memory_space<hbm>>) dst(%dma_wait3A_682 : memref<128x16xf32, #tpu.memory_space<vmem>>)
      %dma_wait3A_688 = arith.constant 256 : i32
      %dma_wait3A_689 = tpu.memref_slice %arg26[%dma_wait3A_688] : memref<1024xf32, #tpu.memory_space<vmem>> -> memref<128xf32, #tpu.memory_space<vmem>>
      %dma_wait3A_690 = arith.constant 256 : i32
      %dma_wait3A_691 = tpu.memref_slice %arg24[%dma_wait3A_690] : memref<1024xi32, #tpu.memory_space<vmem>> -> memref<128xi32, #tpu.memory_space<vmem>>
      %dma_wait3A_692 = arith.constant 0 : i32
      %dma_wait3A_693 = tpu.memref_slice %arg7[%dma_wait3A_692] : memref<65536xf32, #tpu.memory_space<hbm>> -> memref<65536xf32, #tpu.memory_space<hbm>>
      tpu.wait_indirect_dma semaphore(%arg33 : memref<!tpu.dma_semaphore, #tpu.memory_space<semaphore_mem>>) src(%dma_wait3A_693 : memref<65536xf32, #tpu.memory_space<hbm>>) dst(%dma_wait3A_689 : memref<128xf32, #tpu.memory_space<vmem>>)
      %dma_wait3A_694 = arith.constant 256 : i32
      %dma_wait3A_695 = tpu.memref_slice %arg27[%dma_wait3A_694] : memref<1024xf32, #tpu.memory_space<vmem>> -> memref<128xf32, #tpu.memory_space<vmem>>
      %dma_wait3A_696 = arith.constant 256 : i32
      %dma_wait3A_697 = tpu.memref_slice %arg24[%dma_wait3A_696] : memref<1024xi32, #tpu.memory_space<vmem>> -> memref<128xi32, #tpu.memory_space<vmem>>
      %dma_wait3A_698 = arith.constant 0 : i32
      %dma_wait3A_699 = tpu.memref_slice %arg8[%dma_wait3A_698] : memref<65536xf32, #tpu.memory_space<hbm>> -> memref<65536xf32, #tpu.memory_space<hbm>>
      tpu.wait_indirect_dma semaphore(%arg33 : memref<!tpu.dma_semaphore, #tpu.memory_space<semaphore_mem>>) src(%dma_wait3A_699 : memref<65536xf32, #tpu.memory_space<hbm>>) dst(%dma_wait3A_695 : memref<128xf32, #tpu.memory_space<vmem>>)
      %dma_wait3A_700 = arith.constant 256 : i32
      %dma_wait3A_701 = tpu.memref_slice %arg28[%dma_wait3A_700] : memref<1024xf32, #tpu.memory_space<vmem>> -> memref<128xf32, #tpu.memory_space<vmem>>
      %dma_wait3A_702 = arith.constant 256 : i32
      %dma_wait3A_703 = tpu.memref_slice %arg25[%dma_wait3A_702] : memref<1024xi32, #tpu.memory_space<vmem>> -> memref<128xi32, #tpu.memory_space<vmem>>
      %dma_wait3A_704 = arith.constant 0 : i32
      %dma_wait3A_705 = tpu.memref_slice %arg7[%dma_wait3A_704] : memref<65536xf32, #tpu.memory_space<hbm>> -> memref<65536xf32, #tpu.memory_space<hbm>>
      tpu.wait_indirect_dma semaphore(%arg33 : memref<!tpu.dma_semaphore, #tpu.memory_space<semaphore_mem>>) src(%dma_wait3A_705 : memref<65536xf32, #tpu.memory_space<hbm>>) dst(%dma_wait3A_701 : memref<128xf32, #tpu.memory_space<vmem>>)
      %dma_wait3A_706 = arith.constant 256 : i32
      %dma_wait3A_707 = tpu.memref_slice %arg29[%dma_wait3A_706] : memref<1024xf32, #tpu.memory_space<vmem>> -> memref<128xf32, #tpu.memory_space<vmem>>
      %dma_wait3A_708 = arith.constant 256 : i32
      %dma_wait3A_709 = tpu.memref_slice %arg25[%dma_wait3A_708] : memref<1024xi32, #tpu.memory_space<vmem>> -> memref<128xi32, #tpu.memory_space<vmem>>
      %dma_wait3A_710 = arith.constant 0 : i32
      %dma_wait3A_711 = tpu.memref_slice %arg8[%dma_wait3A_710] : memref<65536xf32, #tpu.memory_space<hbm>> -> memref<65536xf32, #tpu.memory_space<hbm>>
      tpu.wait_indirect_dma semaphore(%arg33 : memref<!tpu.dma_semaphore, #tpu.memory_space<semaphore_mem>>) src(%dma_wait3A_711 : memref<65536xf32, #tpu.memory_space<hbm>>) dst(%dma_wait3A_707 : memref<128xf32, #tpu.memory_space<vmem>>)
      %dma_wait3A_712 = arith.constant 256 : i32
      %dma_wait3A_713 = arith.constant 0 : i32
      %dma_wait3A_714 = tpu.memref_slice %arg31[%dma_wait3A_712, %dma_wait3A_713] : memref<1024x32xf32, #tpu.memory_space<vmem>> -> memref<128x32xf32, #tpu.memory_space<vmem>>
      %dma_wait3A_715 = arith.constant 256 : i32
      %dma_wait3A_716 = tpu.memref_slice %arg24[%dma_wait3A_715] : memref<1024xi32, #tpu.memory_space<vmem>> -> memref<128xi32, #tpu.memory_space<vmem>>
      %dma_wait3A_717 = arith.constant 0 : i32
      %dma_wait3A_718 = arith.constant 0 : i32
      %dma_wait3A_719 = tpu.memref_slice %arg9[%dma_wait3A_717, %dma_wait3A_718] : memref<65536x32xf32, #tpu.memory_space<hbm>> -> memref<65536x32xf32, #tpu.memory_space<hbm>>
      tpu.wait_indirect_dma semaphore(%arg33 : memref<!tpu.dma_semaphore, #tpu.memory_space<semaphore_mem>>) src(%dma_wait3A_719 : memref<65536x32xf32, #tpu.memory_space<hbm>>) dst(%dma_wait3A_714 : memref<128x32xf32, #tpu.memory_space<vmem>>)
      %dma_wait3A_720 = arith.constant 256 : i32
      %dma_wait3A_721 = arith.constant 0 : i32
      %dma_wait3A_722 = tpu.memref_slice %arg32[%dma_wait3A_720, %dma_wait3A_721] : memref<1024x32xf32, #tpu.memory_space<vmem>> -> memref<128x32xf32, #tpu.memory_space<vmem>>
      %dma_wait3A_723 = arith.constant 256 : i32
      %dma_wait3A_724 = tpu.memref_slice %arg25[%dma_wait3A_723] : memref<1024xi32, #tpu.memory_space<vmem>> -> memref<128xi32, #tpu.memory_space<vmem>>
      %dma_wait3A_725 = arith.constant 0 : i32
      %dma_wait3A_726 = arith.constant 0 : i32
      %dma_wait3A_727 = tpu.memref_slice %arg9[%dma_wait3A_725, %dma_wait3A_726] : memref<65536x32xf32, #tpu.memory_space<hbm>> -> memref<65536x32xf32, #tpu.memory_space<hbm>>
      tpu.wait_indirect_dma semaphore(%arg33 : memref<!tpu.dma_semaphore, #tpu.memory_space<semaphore_mem>>) src(%dma_wait3A_727 : memref<65536x32xf32, #tpu.memory_space<hbm>>) dst(%dma_wait3A_722 : memref<128x32xf32, #tpu.memory_space<vmem>>)
      %dma_wait3A_728 = arith.constant 256 : i32
      %dma_wait3A_729 = arith.constant 0 : i32
      %dma_wait3A_730 = tpu.memref_slice %arg30[%dma_wait3A_728, %dma_wait3A_729] : memref<1024x16xf32, #tpu.memory_space<vmem>> -> memref<128x16xf32, #tpu.memory_space<vmem>>
      %dma_wait3A_731 = arith.constant 256 : i32
      %dma_wait3A_732 = tpu.memref_slice %arg21[%dma_wait3A_731] : memref<1024xi32, #tpu.memory_space<vmem>> -> memref<128xi32, #tpu.memory_space<vmem>>
      %dma_wait3A_733 = arith.constant 0 : i32
      %dma_wait3A_734 = arith.constant 0 : i32
      %dma_wait3A_735 = tpu.memref_slice %arg10[%dma_wait3A_733, %dma_wait3A_734] : memref<1024x16xf32, #tpu.memory_space<hbm>> -> memref<1024x16xf32, #tpu.memory_space<hbm>>
      tpu.wait_indirect_dma semaphore(%arg33 : memref<!tpu.dma_semaphore, #tpu.memory_space<semaphore_mem>>) src(%dma_wait3A_735 : memref<1024x16xf32, #tpu.memory_space<hbm>>) dst(%dma_wait3A_730 : memref<128x16xf32, #tpu.memory_space<vmem>>)
      %dma_wait3A_736 = arith.constant 384 : i32
      %dma_wait3A_737 = tpu.memref_slice %arg26[%dma_wait3A_736] : memref<1024xf32, #tpu.memory_space<vmem>> -> memref<128xf32, #tpu.memory_space<vmem>>
      %dma_wait3A_738 = arith.constant 384 : i32
      %dma_wait3A_739 = tpu.memref_slice %arg24[%dma_wait3A_738] : memref<1024xi32, #tpu.memory_space<vmem>> -> memref<128xi32, #tpu.memory_space<vmem>>
      %dma_wait3A_740 = arith.constant 0 : i32
      %dma_wait3A_741 = tpu.memref_slice %arg7[%dma_wait3A_740] : memref<65536xf32, #tpu.memory_space<hbm>> -> memref<65536xf32, #tpu.memory_space<hbm>>
      tpu.wait_indirect_dma semaphore(%arg33 : memref<!tpu.dma_semaphore, #tpu.memory_space<semaphore_mem>>) src(%dma_wait3A_741 : memref<65536xf32, #tpu.memory_space<hbm>>) dst(%dma_wait3A_737 : memref<128xf32, #tpu.memory_space<vmem>>)
      %dma_wait3A_742 = arith.constant 384 : i32
      %dma_wait3A_743 = tpu.memref_slice %arg27[%dma_wait3A_742] : memref<1024xf32, #tpu.memory_space<vmem>> -> memref<128xf32, #tpu.memory_space<vmem>>
      %dma_wait3A_744 = arith.constant 384 : i32
      %dma_wait3A_745 = tpu.memref_slice %arg24[%dma_wait3A_744] : memref<1024xi32, #tpu.memory_space<vmem>> -> memref<128xi32, #tpu.memory_space<vmem>>
      %dma_wait3A_746 = arith.constant 0 : i32
      %dma_wait3A_747 = tpu.memref_slice %arg8[%dma_wait3A_746] : memref<65536xf32, #tpu.memory_space<hbm>> -> memref<65536xf32, #tpu.memory_space<hbm>>
      tpu.wait_indirect_dma semaphore(%arg33 : memref<!tpu.dma_semaphore, #tpu.memory_space<semaphore_mem>>) src(%dma_wait3A_747 : memref<65536xf32, #tpu.memory_space<hbm>>) dst(%dma_wait3A_743 : memref<128xf32, #tpu.memory_space<vmem>>)
      %dma_wait3A_748 = arith.constant 384 : i32
      %dma_wait3A_749 = tpu.memref_slice %arg28[%dma_wait3A_748] : memref<1024xf32, #tpu.memory_space<vmem>> -> memref<128xf32, #tpu.memory_space<vmem>>
      %dma_wait3A_750 = arith.constant 384 : i32
      %dma_wait3A_751 = tpu.memref_slice %arg25[%dma_wait3A_750] : memref<1024xi32, #tpu.memory_space<vmem>> -> memref<128xi32, #tpu.memory_space<vmem>>
      %dma_wait3A_752 = arith.constant 0 : i32
      %dma_wait3A_753 = tpu.memref_slice %arg7[%dma_wait3A_752] : memref<65536xf32, #tpu.memory_space<hbm>> -> memref<65536xf32, #tpu.memory_space<hbm>>
      tpu.wait_indirect_dma semaphore(%arg33 : memref<!tpu.dma_semaphore, #tpu.memory_space<semaphore_mem>>) src(%dma_wait3A_753 : memref<65536xf32, #tpu.memory_space<hbm>>) dst(%dma_wait3A_749 : memref<128xf32, #tpu.memory_space<vmem>>)
      %dma_wait3A_754 = arith.constant 384 : i32
      %dma_wait3A_755 = tpu.memref_slice %arg29[%dma_wait3A_754] : memref<1024xf32, #tpu.memory_space<vmem>> -> memref<128xf32, #tpu.memory_space<vmem>>
      %dma_wait3A_756 = arith.constant 384 : i32
      %dma_wait3A_757 = tpu.memref_slice %arg25[%dma_wait3A_756] : memref<1024xi32, #tpu.memory_space<vmem>> -> memref<128xi32, #tpu.memory_space<vmem>>
      %dma_wait3A_758 = arith.constant 0 : i32
      %dma_wait3A_759 = tpu.memref_slice %arg8[%dma_wait3A_758] : memref<65536xf32, #tpu.memory_space<hbm>> -> memref<65536xf32, #tpu.memory_space<hbm>>
      tpu.wait_indirect_dma semaphore(%arg33 : memref<!tpu.dma_semaphore, #tpu.memory_space<semaphore_mem>>) src(%dma_wait3A_759 : memref<65536xf32, #tpu.memory_space<hbm>>) dst(%dma_wait3A_755 : memref<128xf32, #tpu.memory_space<vmem>>)
      %dma_wait3A_760 = arith.constant 384 : i32
      %dma_wait3A_761 = arith.constant 0 : i32
      %dma_wait3A_762 = tpu.memref_slice %arg31[%dma_wait3A_760, %dma_wait3A_761] : memref<1024x32xf32, #tpu.memory_space<vmem>> -> memref<128x32xf32, #tpu.memory_space<vmem>>
      %dma_wait3A_763 = arith.constant 384 : i32
      %dma_wait3A_764 = tpu.memref_slice %arg24[%dma_wait3A_763] : memref<1024xi32, #tpu.memory_space<vmem>> -> memref<128xi32, #tpu.memory_space<vmem>>
      %dma_wait3A_765 = arith.constant 0 : i32
      %dma_wait3A_766 = arith.constant 0 : i32
      %dma_wait3A_767 = tpu.memref_slice %arg9[%dma_wait3A_765, %dma_wait3A_766] : memref<65536x32xf32, #tpu.memory_space<hbm>> -> memref<65536x32xf32, #tpu.memory_space<hbm>>
      tpu.wait_indirect_dma semaphore(%arg33 : memref<!tpu.dma_semaphore, #tpu.memory_space<semaphore_mem>>) src(%dma_wait3A_767 : memref<65536x32xf32, #tpu.memory_space<hbm>>) dst(%dma_wait3A_762 : memref<128x32xf32, #tpu.memory_space<vmem>>)
      %dma_wait3A_768 = arith.constant 384 : i32
      %dma_wait3A_769 = arith.constant 0 : i32
      %dma_wait3A_770 = tpu.memref_slice %arg32[%dma_wait3A_768, %dma_wait3A_769] : memref<1024x32xf32, #tpu.memory_space<vmem>> -> memref<128x32xf32, #tpu.memory_space<vmem>>
      %dma_wait3A_771 = arith.constant 384 : i32
      %dma_wait3A_772 = tpu.memref_slice %arg25[%dma_wait3A_771] : memref<1024xi32, #tpu.memory_space<vmem>> -> memref<128xi32, #tpu.memory_space<vmem>>
      %dma_wait3A_773 = arith.constant 0 : i32
      %dma_wait3A_774 = arith.constant 0 : i32
      %dma_wait3A_775 = tpu.memref_slice %arg9[%dma_wait3A_773, %dma_wait3A_774] : memref<65536x32xf32, #tpu.memory_space<hbm>> -> memref<65536x32xf32, #tpu.memory_space<hbm>>
      tpu.wait_indirect_dma semaphore(%arg33 : memref<!tpu.dma_semaphore, #tpu.memory_space<semaphore_mem>>) src(%dma_wait3A_775 : memref<65536x32xf32, #tpu.memory_space<hbm>>) dst(%dma_wait3A_770 : memref<128x32xf32, #tpu.memory_space<vmem>>)
      %dma_wait3A_776 = arith.constant 384 : i32
      %dma_wait3A_777 = arith.constant 0 : i32
      %dma_wait3A_778 = tpu.memref_slice %arg30[%dma_wait3A_776, %dma_wait3A_777] : memref<1024x16xf32, #tpu.memory_space<vmem>> -> memref<128x16xf32, #tpu.memory_space<vmem>>
      %dma_wait3A_779 = arith.constant 384 : i32
      %dma_wait3A_780 = tpu.memref_slice %arg21[%dma_wait3A_779] : memref<1024xi32, #tpu.memory_space<vmem>> -> memref<128xi32, #tpu.memory_space<vmem>>
      %dma_wait3A_781 = arith.constant 0 : i32
      %dma_wait3A_782 = arith.constant 0 : i32
      %dma_wait3A_783 = tpu.memref_slice %arg10[%dma_wait3A_781, %dma_wait3A_782] : memref<1024x16xf32, #tpu.memory_space<hbm>> -> memref<1024x16xf32, #tpu.memory_space<hbm>>
      tpu.wait_indirect_dma semaphore(%arg33 : memref<!tpu.dma_semaphore, #tpu.memory_space<semaphore_mem>>) src(%dma_wait3A_783 : memref<1024x16xf32, #tpu.memory_space<hbm>>) dst(%dma_wait3A_778 : memref<128x16xf32, #tpu.memory_space<vmem>>)
      %dma_wait3A_784 = arith.constant 512 : i32
      %dma_wait3A_785 = tpu.memref_slice %arg26[%dma_wait3A_784] : memref<1024xf32, #tpu.memory_space<vmem>> -> memref<128xf32, #tpu.memory_space<vmem>>
      %dma_wait3A_786 = arith.constant 512 : i32
      %dma_wait3A_787 = tpu.memref_slice %arg24[%dma_wait3A_786] : memref<1024xi32, #tpu.memory_space<vmem>> -> memref<128xi32, #tpu.memory_space<vmem>>
      %dma_wait3A_788 = arith.constant 0 : i32
      %dma_wait3A_789 = tpu.memref_slice %arg7[%dma_wait3A_788] : memref<65536xf32, #tpu.memory_space<hbm>> -> memref<65536xf32, #tpu.memory_space<hbm>>
      tpu.wait_indirect_dma semaphore(%arg33 : memref<!tpu.dma_semaphore, #tpu.memory_space<semaphore_mem>>) src(%dma_wait3A_789 : memref<65536xf32, #tpu.memory_space<hbm>>) dst(%dma_wait3A_785 : memref<128xf32, #tpu.memory_space<vmem>>)
      %dma_wait3A_790 = arith.constant 512 : i32
      %dma_wait3A_791 = tpu.memref_slice %arg27[%dma_wait3A_790] : memref<1024xf32, #tpu.memory_space<vmem>> -> memref<128xf32, #tpu.memory_space<vmem>>
      %dma_wait3A_792 = arith.constant 512 : i32
      %dma_wait3A_793 = tpu.memref_slice %arg24[%dma_wait3A_792] : memref<1024xi32, #tpu.memory_space<vmem>> -> memref<128xi32, #tpu.memory_space<vmem>>
      %dma_wait3A_794 = arith.constant 0 : i32
      %dma_wait3A_795 = tpu.memref_slice %arg8[%dma_wait3A_794] : memref<65536xf32, #tpu.memory_space<hbm>> -> memref<65536xf32, #tpu.memory_space<hbm>>
      tpu.wait_indirect_dma semaphore(%arg33 : memref<!tpu.dma_semaphore, #tpu.memory_space<semaphore_mem>>) src(%dma_wait3A_795 : memref<65536xf32, #tpu.memory_space<hbm>>) dst(%dma_wait3A_791 : memref<128xf32, #tpu.memory_space<vmem>>)
      %dma_wait3A_796 = arith.constant 512 : i32
      %dma_wait3A_797 = tpu.memref_slice %arg28[%dma_wait3A_796] : memref<1024xf32, #tpu.memory_space<vmem>> -> memref<128xf32, #tpu.memory_space<vmem>>
      %dma_wait3A_798 = arith.constant 512 : i32
      %dma_wait3A_799 = tpu.memref_slice %arg25[%dma_wait3A_798] : memref<1024xi32, #tpu.memory_space<vmem>> -> memref<128xi32, #tpu.memory_space<vmem>>
      %dma_wait3A_800 = arith.constant 0 : i32
      %dma_wait3A_801 = tpu.memref_slice %arg7[%dma_wait3A_800] : memref<65536xf32, #tpu.memory_space<hbm>> -> memref<65536xf32, #tpu.memory_space<hbm>>
      tpu.wait_indirect_dma semaphore(%arg33 : memref<!tpu.dma_semaphore, #tpu.memory_space<semaphore_mem>>) src(%dma_wait3A_801 : memref<65536xf32, #tpu.memory_space<hbm>>) dst(%dma_wait3A_797 : memref<128xf32, #tpu.memory_space<vmem>>)
      %dma_wait3A_802 = arith.constant 512 : i32
      %dma_wait3A_803 = tpu.memref_slice %arg29[%dma_wait3A_802] : memref<1024xf32, #tpu.memory_space<vmem>> -> memref<128xf32, #tpu.memory_space<vmem>>
      %dma_wait3A_804 = arith.constant 512 : i32
      %dma_wait3A_805 = tpu.memref_slice %arg25[%dma_wait3A_804] : memref<1024xi32, #tpu.memory_space<vmem>> -> memref<128xi32, #tpu.memory_space<vmem>>
      %dma_wait3A_806 = arith.constant 0 : i32
      %dma_wait3A_807 = tpu.memref_slice %arg8[%dma_wait3A_806] : memref<65536xf32, #tpu.memory_space<hbm>> -> memref<65536xf32, #tpu.memory_space<hbm>>
      tpu.wait_indirect_dma semaphore(%arg33 : memref<!tpu.dma_semaphore, #tpu.memory_space<semaphore_mem>>) src(%dma_wait3A_807 : memref<65536xf32, #tpu.memory_space<hbm>>) dst(%dma_wait3A_803 : memref<128xf32, #tpu.memory_space<vmem>>)
      %dma_wait3A_808 = arith.constant 512 : i32
      %dma_wait3A_809 = arith.constant 0 : i32
      %dma_wait3A_810 = tpu.memref_slice %arg31[%dma_wait3A_808, %dma_wait3A_809] : memref<1024x32xf32, #tpu.memory_space<vmem>> -> memref<128x32xf32, #tpu.memory_space<vmem>>
      %dma_wait3A_811 = arith.constant 512 : i32
      %dma_wait3A_812 = tpu.memref_slice %arg24[%dma_wait3A_811] : memref<1024xi32, #tpu.memory_space<vmem>> -> memref<128xi32, #tpu.memory_space<vmem>>
      %dma_wait3A_813 = arith.constant 0 : i32
      %dma_wait3A_814 = arith.constant 0 : i32
      %dma_wait3A_815 = tpu.memref_slice %arg9[%dma_wait3A_813, %dma_wait3A_814] : memref<65536x32xf32, #tpu.memory_space<hbm>> -> memref<65536x32xf32, #tpu.memory_space<hbm>>
      tpu.wait_indirect_dma semaphore(%arg33 : memref<!tpu.dma_semaphore, #tpu.memory_space<semaphore_mem>>) src(%dma_wait3A_815 : memref<65536x32xf32, #tpu.memory_space<hbm>>) dst(%dma_wait3A_810 : memref<128x32xf32, #tpu.memory_space<vmem>>)
      %dma_wait3A_816 = arith.constant 512 : i32
      %dma_wait3A_817 = arith.constant 0 : i32
      %dma_wait3A_818 = tpu.memref_slice %arg32[%dma_wait3A_816, %dma_wait3A_817] : memref<1024x32xf32, #tpu.memory_space<vmem>> -> memref<128x32xf32, #tpu.memory_space<vmem>>
      %dma_wait3A_819 = arith.constant 512 : i32
      %dma_wait3A_820 = tpu.memref_slice %arg25[%dma_wait3A_819] : memref<1024xi32, #tpu.memory_space<vmem>> -> memref<128xi32, #tpu.memory_space<vmem>>
      %dma_wait3A_821 = arith.constant 0 : i32
      %dma_wait3A_822 = arith.constant 0 : i32
      %dma_wait3A_823 = tpu.memref_slice %arg9[%dma_wait3A_821, %dma_wait3A_822] : memref<65536x32xf32, #tpu.memory_space<hbm>> -> memref<65536x32xf32, #tpu.memory_space<hbm>>
      tpu.wait_indirect_dma semaphore(%arg33 : memref<!tpu.dma_semaphore, #tpu.memory_space<semaphore_mem>>) src(%dma_wait3A_823 : memref<65536x32xf32, #tpu.memory_space<hbm>>) dst(%dma_wait3A_818 : memref<128x32xf32, #tpu.memory_space<vmem>>)
      %dma_wait3A_824 = arith.constant 512 : i32
      %dma_wait3A_825 = arith.constant 0 : i32
      %dma_wait3A_826 = tpu.memref_slice %arg30[%dma_wait3A_824, %dma_wait3A_825] : memref<1024x16xf32, #tpu.memory_space<vmem>> -> memref<128x16xf32, #tpu.memory_space<vmem>>
      %dma_wait3A_827 = arith.constant 512 : i32
      %dma_wait3A_828 = tpu.memref_slice %arg21[%dma_wait3A_827] : memref<1024xi32, #tpu.memory_space<vmem>> -> memref<128xi32, #tpu.memory_space<vmem>>
      %dma_wait3A_829 = arith.constant 0 : i32
      %dma_wait3A_830 = arith.constant 0 : i32
      %dma_wait3A_831 = tpu.memref_slice %arg10[%dma_wait3A_829, %dma_wait3A_830] : memref<1024x16xf32, #tpu.memory_space<hbm>> -> memref<1024x16xf32, #tpu.memory_space<hbm>>
      tpu.wait_indirect_dma semaphore(%arg33 : memref<!tpu.dma_semaphore, #tpu.memory_space<semaphore_mem>>) src(%dma_wait3A_831 : memref<1024x16xf32, #tpu.memory_space<hbm>>) dst(%dma_wait3A_826 : memref<128x16xf32, #tpu.memory_space<vmem>>)
      %dma_wait3A_832 = arith.constant 640 : i32
      %dma_wait3A_833 = tpu.memref_slice %arg26[%dma_wait3A_832] : memref<1024xf32, #tpu.memory_space<vmem>> -> memref<128xf32, #tpu.memory_space<vmem>>
      %dma_wait3A_834 = arith.constant 640 : i32
      %dma_wait3A_835 = tpu.memref_slice %arg24[%dma_wait3A_834] : memref<1024xi32, #tpu.memory_space<vmem>> -> memref<128xi32, #tpu.memory_space<vmem>>
      %dma_wait3A_836 = arith.constant 0 : i32
      %dma_wait3A_837 = tpu.memref_slice %arg7[%dma_wait3A_836] : memref<65536xf32, #tpu.memory_space<hbm>> -> memref<65536xf32, #tpu.memory_space<hbm>>
      tpu.wait_indirect_dma semaphore(%arg33 : memref<!tpu.dma_semaphore, #tpu.memory_space<semaphore_mem>>) src(%dma_wait3A_837 : memref<65536xf32, #tpu.memory_space<hbm>>) dst(%dma_wait3A_833 : memref<128xf32, #tpu.memory_space<vmem>>)
      %dma_wait3A_838 = arith.constant 640 : i32
      %dma_wait3A_839 = tpu.memref_slice %arg27[%dma_wait3A_838] : memref<1024xf32, #tpu.memory_space<vmem>> -> memref<128xf32, #tpu.memory_space<vmem>>
      %dma_wait3A_840 = arith.constant 640 : i32
      %dma_wait3A_841 = tpu.memref_slice %arg24[%dma_wait3A_840] : memref<1024xi32, #tpu.memory_space<vmem>> -> memref<128xi32, #tpu.memory_space<vmem>>
      %dma_wait3A_842 = arith.constant 0 : i32
      %dma_wait3A_843 = tpu.memref_slice %arg8[%dma_wait3A_842] : memref<65536xf32, #tpu.memory_space<hbm>> -> memref<65536xf32, #tpu.memory_space<hbm>>
      tpu.wait_indirect_dma semaphore(%arg33 : memref<!tpu.dma_semaphore, #tpu.memory_space<semaphore_mem>>) src(%dma_wait3A_843 : memref<65536xf32, #tpu.memory_space<hbm>>) dst(%dma_wait3A_839 : memref<128xf32, #tpu.memory_space<vmem>>)
      %dma_wait3A_844 = arith.constant 640 : i32
      %dma_wait3A_845 = tpu.memref_slice %arg28[%dma_wait3A_844] : memref<1024xf32, #tpu.memory_space<vmem>> -> memref<128xf32, #tpu.memory_space<vmem>>
      %dma_wait3A_846 = arith.constant 640 : i32
      %dma_wait3A_847 = tpu.memref_slice %arg25[%dma_wait3A_846] : memref<1024xi32, #tpu.memory_space<vmem>> -> memref<128xi32, #tpu.memory_space<vmem>>
      %dma_wait3A_848 = arith.constant 0 : i32
      %dma_wait3A_849 = tpu.memref_slice %arg7[%dma_wait3A_848] : memref<65536xf32, #tpu.memory_space<hbm>> -> memref<65536xf32, #tpu.memory_space<hbm>>
      tpu.wait_indirect_dma semaphore(%arg33 : memref<!tpu.dma_semaphore, #tpu.memory_space<semaphore_mem>>) src(%dma_wait3A_849 : memref<65536xf32, #tpu.memory_space<hbm>>) dst(%dma_wait3A_845 : memref<128xf32, #tpu.memory_space<vmem>>)
      %dma_wait3A_850 = arith.constant 640 : i32
      %dma_wait3A_851 = tpu.memref_slice %arg29[%dma_wait3A_850] : memref<1024xf32, #tpu.memory_space<vmem>> -> memref<128xf32, #tpu.memory_space<vmem>>
      %dma_wait3A_852 = arith.constant 640 : i32
      %dma_wait3A_853 = tpu.memref_slice %arg25[%dma_wait3A_852] : memref<1024xi32, #tpu.memory_space<vmem>> -> memref<128xi32, #tpu.memory_space<vmem>>
      %dma_wait3A_854 = arith.constant 0 : i32
      %dma_wait3A_855 = tpu.memref_slice %arg8[%dma_wait3A_854] : memref<65536xf32, #tpu.memory_space<hbm>> -> memref<65536xf32, #tpu.memory_space<hbm>>
      tpu.wait_indirect_dma semaphore(%arg33 : memref<!tpu.dma_semaphore, #tpu.memory_space<semaphore_mem>>) src(%dma_wait3A_855 : memref<65536xf32, #tpu.memory_space<hbm>>) dst(%dma_wait3A_851 : memref<128xf32, #tpu.memory_space<vmem>>)
      %dma_wait3A_856 = arith.constant 640 : i32
      %dma_wait3A_857 = arith.constant 0 : i32
      %dma_wait3A_858 = tpu.memref_slice %arg31[%dma_wait3A_856, %dma_wait3A_857] : memref<1024x32xf32, #tpu.memory_space<vmem>> -> memref<128x32xf32, #tpu.memory_space<vmem>>
      %dma_wait3A_859 = arith.constant 640 : i32
      %dma_wait3A_860 = tpu.memref_slice %arg24[%dma_wait3A_859] : memref<1024xi32, #tpu.memory_space<vmem>> -> memref<128xi32, #tpu.memory_space<vmem>>
      %dma_wait3A_861 = arith.constant 0 : i32
      %dma_wait3A_862 = arith.constant 0 : i32
      %dma_wait3A_863 = tpu.memref_slice %arg9[%dma_wait3A_861, %dma_wait3A_862] : memref<65536x32xf32, #tpu.memory_space<hbm>> -> memref<65536x32xf32, #tpu.memory_space<hbm>>
      tpu.wait_indirect_dma semaphore(%arg33 : memref<!tpu.dma_semaphore, #tpu.memory_space<semaphore_mem>>) src(%dma_wait3A_863 : memref<65536x32xf32, #tpu.memory_space<hbm>>) dst(%dma_wait3A_858 : memref<128x32xf32, #tpu.memory_space<vmem>>)
      %dma_wait3A_864 = arith.constant 640 : i32
      %dma_wait3A_865 = arith.constant 0 : i32
      %dma_wait3A_866 = tpu.memref_slice %arg32[%dma_wait3A_864, %dma_wait3A_865] : memref<1024x32xf32, #tpu.memory_space<vmem>> -> memref<128x32xf32, #tpu.memory_space<vmem>>
      %dma_wait3A_867 = arith.constant 640 : i32
      %dma_wait3A_868 = tpu.memref_slice %arg25[%dma_wait3A_867] : memref<1024xi32, #tpu.memory_space<vmem>> -> memref<128xi32, #tpu.memory_space<vmem>>
      %dma_wait3A_869 = arith.constant 0 : i32
      %dma_wait3A_870 = arith.constant 0 : i32
      %dma_wait3A_871 = tpu.memref_slice %arg9[%dma_wait3A_869, %dma_wait3A_870] : memref<65536x32xf32, #tpu.memory_space<hbm>> -> memref<65536x32xf32, #tpu.memory_space<hbm>>
      tpu.wait_indirect_dma semaphore(%arg33 : memref<!tpu.dma_semaphore, #tpu.memory_space<semaphore_mem>>) src(%dma_wait3A_871 : memref<65536x32xf32, #tpu.memory_space<hbm>>) dst(%dma_wait3A_866 : memref<128x32xf32, #tpu.memory_space<vmem>>)
      %dma_wait3A_872 = arith.constant 640 : i32
      %dma_wait3A_873 = arith.constant 0 : i32
      %dma_wait3A_874 = tpu.memref_slice %arg30[%dma_wait3A_872, %dma_wait3A_873] : memref<1024x16xf32, #tpu.memory_space<vmem>> -> memref<128x16xf32, #tpu.memory_space<vmem>>
      %dma_wait3A_875 = arith.constant 640 : i32
      %dma_wait3A_876 = tpu.memref_slice %arg21[%dma_wait3A_875] : memref<1024xi32, #tpu.memory_space<vmem>> -> memref<128xi32, #tpu.memory_space<vmem>>
      %dma_wait3A_877 = arith.constant 0 : i32
      %dma_wait3A_878 = arith.constant 0 : i32
      %dma_wait3A_879 = tpu.memref_slice %arg10[%dma_wait3A_877, %dma_wait3A_878] : memref<1024x16xf32, #tpu.memory_space<hbm>> -> memref<1024x16xf32, #tpu.memory_space<hbm>>
      tpu.wait_indirect_dma semaphore(%arg33 : memref<!tpu.dma_semaphore, #tpu.memory_space<semaphore_mem>>) src(%dma_wait3A_879 : memref<1024x16xf32, #tpu.memory_space<hbm>>) dst(%dma_wait3A_874 : memref<128x16xf32, #tpu.memory_space<vmem>>)
      %dma_wait3A_880 = arith.constant 768 : i32
      %dma_wait3A_881 = tpu.memref_slice %arg26[%dma_wait3A_880] : memref<1024xf32, #tpu.memory_space<vmem>> -> memref<128xf32, #tpu.memory_space<vmem>>
      %dma_wait3A_882 = arith.constant 768 : i32
      %dma_wait3A_883 = tpu.memref_slice %arg24[%dma_wait3A_882] : memref<1024xi32, #tpu.memory_space<vmem>> -> memref<128xi32, #tpu.memory_space<vmem>>
      %dma_wait3A_884 = arith.constant 0 : i32
      %dma_wait3A_885 = tpu.memref_slice %arg7[%dma_wait3A_884] : memref<65536xf32, #tpu.memory_space<hbm>> -> memref<65536xf32, #tpu.memory_space<hbm>>
      tpu.wait_indirect_dma semaphore(%arg33 : memref<!tpu.dma_semaphore, #tpu.memory_space<semaphore_mem>>) src(%dma_wait3A_885 : memref<65536xf32, #tpu.memory_space<hbm>>) dst(%dma_wait3A_881 : memref<128xf32, #tpu.memory_space<vmem>>)
      %dma_wait3A_886 = arith.constant 768 : i32
      %dma_wait3A_887 = tpu.memref_slice %arg27[%dma_wait3A_886] : memref<1024xf32, #tpu.memory_space<vmem>> -> memref<128xf32, #tpu.memory_space<vmem>>
      %dma_wait3A_888 = arith.constant 768 : i32
      %dma_wait3A_889 = tpu.memref_slice %arg24[%dma_wait3A_888] : memref<1024xi32, #tpu.memory_space<vmem>> -> memref<128xi32, #tpu.memory_space<vmem>>
      %dma_wait3A_890 = arith.constant 0 : i32
      %dma_wait3A_891 = tpu.memref_slice %arg8[%dma_wait3A_890] : memref<65536xf32, #tpu.memory_space<hbm>> -> memref<65536xf32, #tpu.memory_space<hbm>>
      tpu.wait_indirect_dma semaphore(%arg33 : memref<!tpu.dma_semaphore, #tpu.memory_space<semaphore_mem>>) src(%dma_wait3A_891 : memref<65536xf32, #tpu.memory_space<hbm>>) dst(%dma_wait3A_887 : memref<128xf32, #tpu.memory_space<vmem>>)
      %dma_wait3A_892 = arith.constant 768 : i32
      %dma_wait3A_893 = tpu.memref_slice %arg28[%dma_wait3A_892] : memref<1024xf32, #tpu.memory_space<vmem>> -> memref<128xf32, #tpu.memory_space<vmem>>
      %dma_wait3A_894 = arith.constant 768 : i32
      %dma_wait3A_895 = tpu.memref_slice %arg25[%dma_wait3A_894] : memref<1024xi32, #tpu.memory_space<vmem>> -> memref<128xi32, #tpu.memory_space<vmem>>
      %dma_wait3A_896 = arith.constant 0 : i32
      %dma_wait3A_897 = tpu.memref_slice %arg7[%dma_wait3A_896] : memref<65536xf32, #tpu.memory_space<hbm>> -> memref<65536xf32, #tpu.memory_space<hbm>>
      tpu.wait_indirect_dma semaphore(%arg33 : memref<!tpu.dma_semaphore, #tpu.memory_space<semaphore_mem>>) src(%dma_wait3A_897 : memref<65536xf32, #tpu.memory_space<hbm>>) dst(%dma_wait3A_893 : memref<128xf32, #tpu.memory_space<vmem>>)
      %dma_wait3A_898 = arith.constant 768 : i32
      %dma_wait3A_899 = tpu.memref_slice %arg29[%dma_wait3A_898] : memref<1024xf32, #tpu.memory_space<vmem>> -> memref<128xf32, #tpu.memory_space<vmem>>
      %dma_wait3A_900 = arith.constant 768 : i32
      %dma_wait3A_901 = tpu.memref_slice %arg25[%dma_wait3A_900] : memref<1024xi32, #tpu.memory_space<vmem>> -> memref<128xi32, #tpu.memory_space<vmem>>
      %dma_wait3A_902 = arith.constant 0 : i32
      %dma_wait3A_903 = tpu.memref_slice %arg8[%dma_wait3A_902] : memref<65536xf32, #tpu.memory_space<hbm>> -> memref<65536xf32, #tpu.memory_space<hbm>>
      tpu.wait_indirect_dma semaphore(%arg33 : memref<!tpu.dma_semaphore, #tpu.memory_space<semaphore_mem>>) src(%dma_wait3A_903 : memref<65536xf32, #tpu.memory_space<hbm>>) dst(%dma_wait3A_899 : memref<128xf32, #tpu.memory_space<vmem>>)
      %dma_wait3A_904 = arith.constant 768 : i32
      %dma_wait3A_905 = arith.constant 0 : i32
      %dma_wait3A_906 = tpu.memref_slice %arg31[%dma_wait3A_904, %dma_wait3A_905] : memref<1024x32xf32, #tpu.memory_space<vmem>> -> memref<128x32xf32, #tpu.memory_space<vmem>>
      %dma_wait3A_907 = arith.constant 768 : i32
      %dma_wait3A_908 = tpu.memref_slice %arg24[%dma_wait3A_907] : memref<1024xi32, #tpu.memory_space<vmem>> -> memref<128xi32, #tpu.memory_space<vmem>>
      %dma_wait3A_909 = arith.constant 0 : i32
      %dma_wait3A_910 = arith.constant 0 : i32
      %dma_wait3A_911 = tpu.memref_slice %arg9[%dma_wait3A_909, %dma_wait3A_910] : memref<65536x32xf32, #tpu.memory_space<hbm>> -> memref<65536x32xf32, #tpu.memory_space<hbm>>
      tpu.wait_indirect_dma semaphore(%arg33 : memref<!tpu.dma_semaphore, #tpu.memory_space<semaphore_mem>>) src(%dma_wait3A_911 : memref<65536x32xf32, #tpu.memory_space<hbm>>) dst(%dma_wait3A_906 : memref<128x32xf32, #tpu.memory_space<vmem>>)
      %dma_wait3A_912 = arith.constant 768 : i32
      %dma_wait3A_913 = arith.constant 0 : i32
      %dma_wait3A_914 = tpu.memref_slice %arg32[%dma_wait3A_912, %dma_wait3A_913] : memref<1024x32xf32, #tpu.memory_space<vmem>> -> memref<128x32xf32, #tpu.memory_space<vmem>>
      %dma_wait3A_915 = arith.constant 768 : i32
      %dma_wait3A_916 = tpu.memref_slice %arg25[%dma_wait3A_915] : memref<1024xi32, #tpu.memory_space<vmem>> -> memref<128xi32, #tpu.memory_space<vmem>>
      %dma_wait3A_917 = arith.constant 0 : i32
      %dma_wait3A_918 = arith.constant 0 : i32
      %dma_wait3A_919 = tpu.memref_slice %arg9[%dma_wait3A_917, %dma_wait3A_918] : memref<65536x32xf32, #tpu.memory_space<hbm>> -> memref<65536x32xf32, #tpu.memory_space<hbm>>
      tpu.wait_indirect_dma semaphore(%arg33 : memref<!tpu.dma_semaphore, #tpu.memory_space<semaphore_mem>>) src(%dma_wait3A_919 : memref<65536x32xf32, #tpu.memory_space<hbm>>) dst(%dma_wait3A_914 : memref<128x32xf32, #tpu.memory_space<vmem>>)
      %dma_wait3A_920 = arith.constant 768 : i32
      %dma_wait3A_921 = arith.constant 0 : i32
      %dma_wait3A_922 = tpu.memref_slice %arg30[%dma_wait3A_920, %dma_wait3A_921] : memref<1024x16xf32, #tpu.memory_space<vmem>> -> memref<128x16xf32, #tpu.memory_space<vmem>>
      %dma_wait3A_923 = arith.constant 768 : i32
      %dma_wait3A_924 = tpu.memref_slice %arg21[%dma_wait3A_923] : memref<1024xi32, #tpu.memory_space<vmem>> -> memref<128xi32, #tpu.memory_space<vmem>>
      %dma_wait3A_925 = arith.constant 0 : i32
      %dma_wait3A_926 = arith.constant 0 : i32
      %dma_wait3A_927 = tpu.memref_slice %arg10[%dma_wait3A_925, %dma_wait3A_926] : memref<1024x16xf32, #tpu.memory_space<hbm>> -> memref<1024x16xf32, #tpu.memory_space<hbm>>
      tpu.wait_indirect_dma semaphore(%arg33 : memref<!tpu.dma_semaphore, #tpu.memory_space<semaphore_mem>>) src(%dma_wait3A_927 : memref<1024x16xf32, #tpu.memory_space<hbm>>) dst(%dma_wait3A_922 : memref<128x16xf32, #tpu.memory_space<vmem>>)
      %dma_wait3A_928 = arith.constant 896 : i32
      %dma_wait3A_929 = tpu.memref_slice %arg26[%dma_wait3A_928] : memref<1024xf32, #tpu.memory_space<vmem>> -> memref<128xf32, #tpu.memory_space<vmem>>
      %dma_wait3A_930 = arith.constant 896 : i32
      %dma_wait3A_931 = tpu.memref_slice %arg24[%dma_wait3A_930] : memref<1024xi32, #tpu.memory_space<vmem>> -> memref<128xi32, #tpu.memory_space<vmem>>
      %dma_wait3A_932 = arith.constant 0 : i32
      %dma_wait3A_933 = tpu.memref_slice %arg7[%dma_wait3A_932] : memref<65536xf32, #tpu.memory_space<hbm>> -> memref<65536xf32, #tpu.memory_space<hbm>>
      tpu.wait_indirect_dma semaphore(%arg33 : memref<!tpu.dma_semaphore, #tpu.memory_space<semaphore_mem>>) src(%dma_wait3A_933 : memref<65536xf32, #tpu.memory_space<hbm>>) dst(%dma_wait3A_929 : memref<128xf32, #tpu.memory_space<vmem>>)
      %dma_wait3A_934 = arith.constant 896 : i32
      %dma_wait3A_935 = tpu.memref_slice %arg27[%dma_wait3A_934] : memref<1024xf32, #tpu.memory_space<vmem>> -> memref<128xf32, #tpu.memory_space<vmem>>
      %dma_wait3A_936 = arith.constant 896 : i32
      %dma_wait3A_937 = tpu.memref_slice %arg24[%dma_wait3A_936] : memref<1024xi32, #tpu.memory_space<vmem>> -> memref<128xi32, #tpu.memory_space<vmem>>
      %dma_wait3A_938 = arith.constant 0 : i32
      %dma_wait3A_939 = tpu.memref_slice %arg8[%dma_wait3A_938] : memref<65536xf32, #tpu.memory_space<hbm>> -> memref<65536xf32, #tpu.memory_space<hbm>>
      tpu.wait_indirect_dma semaphore(%arg33 : memref<!tpu.dma_semaphore, #tpu.memory_space<semaphore_mem>>) src(%dma_wait3A_939 : memref<65536xf32, #tpu.memory_space<hbm>>) dst(%dma_wait3A_935 : memref<128xf32, #tpu.memory_space<vmem>>)
      %dma_wait3A_940 = arith.constant 896 : i32
      %dma_wait3A_941 = tpu.memref_slice %arg28[%dma_wait3A_940] : memref<1024xf32, #tpu.memory_space<vmem>> -> memref<128xf32, #tpu.memory_space<vmem>>
      %dma_wait3A_942 = arith.constant 896 : i32
      %dma_wait3A_943 = tpu.memref_slice %arg25[%dma_wait3A_942] : memref<1024xi32, #tpu.memory_space<vmem>> -> memref<128xi32, #tpu.memory_space<vmem>>
      %dma_wait3A_944 = arith.constant 0 : i32
      %dma_wait3A_945 = tpu.memref_slice %arg7[%dma_wait3A_944] : memref<65536xf32, #tpu.memory_space<hbm>> -> memref<65536xf32, #tpu.memory_space<hbm>>
      tpu.wait_indirect_dma semaphore(%arg33 : memref<!tpu.dma_semaphore, #tpu.memory_space<semaphore_mem>>) src(%dma_wait3A_945 : memref<65536xf32, #tpu.memory_space<hbm>>) dst(%dma_wait3A_941 : memref<128xf32, #tpu.memory_space<vmem>>)
      %dma_wait3A_946 = arith.constant 896 : i32
      %dma_wait3A_947 = tpu.memref_slice %arg29[%dma_wait3A_946] : memref<1024xf32, #tpu.memory_space<vmem>> -> memref<128xf32, #tpu.memory_space<vmem>>
      %dma_wait3A_948 = arith.constant 896 : i32
      %dma_wait3A_949 = tpu.memref_slice %arg25[%dma_wait3A_948] : memref<1024xi32, #tpu.memory_space<vmem>> -> memref<128xi32, #tpu.memory_space<vmem>>
      %dma_wait3A_950 = arith.constant 0 : i32
      %dma_wait3A_951 = tpu.memref_slice %arg8[%dma_wait3A_950] : memref<65536xf32, #tpu.memory_space<hbm>> -> memref<65536xf32, #tpu.memory_space<hbm>>
      tpu.wait_indirect_dma semaphore(%arg33 : memref<!tpu.dma_semaphore, #tpu.memory_space<semaphore_mem>>) src(%dma_wait3A_951 : memref<65536xf32, #tpu.memory_space<hbm>>) dst(%dma_wait3A_947 : memref<128xf32, #tpu.memory_space<vmem>>)
      %dma_wait3A_952 = arith.constant 896 : i32
      %dma_wait3A_953 = arith.constant 0 : i32
      %dma_wait3A_954 = tpu.memref_slice %arg31[%dma_wait3A_952, %dma_wait3A_953] : memref<1024x32xf32, #tpu.memory_space<vmem>> -> memref<128x32xf32, #tpu.memory_space<vmem>>
      %dma_wait3A_955 = arith.constant 896 : i32
      %dma_wait3A_956 = tpu.memref_slice %arg24[%dma_wait3A_955] : memref<1024xi32, #tpu.memory_space<vmem>> -> memref<128xi32, #tpu.memory_space<vmem>>
      %dma_wait3A_957 = arith.constant 0 : i32
      %dma_wait3A_958 = arith.constant 0 : i32
      %dma_wait3A_959 = tpu.memref_slice %arg9[%dma_wait3A_957, %dma_wait3A_958] : memref<65536x32xf32, #tpu.memory_space<hbm>> -> memref<65536x32xf32, #tpu.memory_space<hbm>>
      tpu.wait_indirect_dma semaphore(%arg33 : memref<!tpu.dma_semaphore, #tpu.memory_space<semaphore_mem>>) src(%dma_wait3A_959 : memref<65536x32xf32, #tpu.memory_space<hbm>>) dst(%dma_wait3A_954 : memref<128x32xf32, #tpu.memory_space<vmem>>)
      %dma_wait3A_960 = arith.constant 896 : i32
      %dma_wait3A_961 = arith.constant 0 : i32
      %dma_wait3A_962 = tpu.memref_slice %arg32[%dma_wait3A_960, %dma_wait3A_961] : memref<1024x32xf32, #tpu.memory_space<vmem>> -> memref<128x32xf32, #tpu.memory_space<vmem>>
      %dma_wait3A_963 = arith.constant 896 : i32
      %dma_wait3A_964 = tpu.memref_slice %arg25[%dma_wait3A_963] : memref<1024xi32, #tpu.memory_space<vmem>> -> memref<128xi32, #tpu.memory_space<vmem>>
      %dma_wait3A_965 = arith.constant 0 : i32
      %dma_wait3A_966 = arith.constant 0 : i32
      %dma_wait3A_967 = tpu.memref_slice %arg9[%dma_wait3A_965, %dma_wait3A_966] : memref<65536x32xf32, #tpu.memory_space<hbm>> -> memref<65536x32xf32, #tpu.memory_space<hbm>>
      tpu.wait_indirect_dma semaphore(%arg33 : memref<!tpu.dma_semaphore, #tpu.memory_space<semaphore_mem>>) src(%dma_wait3A_967 : memref<65536x32xf32, #tpu.memory_space<hbm>>) dst(%dma_wait3A_962 : memref<128x32xf32, #tpu.memory_space<vmem>>)
      %dma_wait3A_968 = arith.constant 896 : i32
      %dma_wait3A_969 = arith.constant 0 : i32
      %dma_wait3A_970 = tpu.memref_slice %arg30[%dma_wait3A_968, %dma_wait3A_969] : memref<1024x16xf32, #tpu.memory_space<vmem>> -> memref<128x16xf32, #tpu.memory_space<vmem>>
      %dma_wait3A_971 = arith.constant 896 : i32
      %dma_wait3A_972 = tpu.memref_slice %arg21[%dma_wait3A_971] : memref<1024xi32, #tpu.memory_space<vmem>> -> memref<128xi32, #tpu.memory_space<vmem>>
      %dma_wait3A_973 = arith.constant 0 : i32
      %dma_wait3A_974 = arith.constant 0 : i32
      %dma_wait3A_975 = tpu.memref_slice %arg10[%dma_wait3A_973, %dma_wait3A_974] : memref<1024x16xf32, #tpu.memory_space<hbm>> -> memref<1024x16xf32, #tpu.memory_space<hbm>>
      tpu.wait_indirect_dma semaphore(%arg33 : memref<!tpu.dma_semaphore, #tpu.memory_space<semaphore_mem>>) src(%dma_wait3A_975 : memref<1024x16xf32, #tpu.memory_space<hbm>>) dst(%dma_wait3A_970 : memref<128x16xf32, #tpu.memory_space<vmem>>)
      "tpu.region"() ({
        %run_scoped3A = tpu.sem_alloc : memref<!tpu.dma_semaphore, #tpu.memory_space<semaphore_mem>>
        %dma_start3A_976 = tpu.memref_slice %arg11[%add3A_11] : memref<262144xf32, #tpu.memory_space<hbm>> -> memref<1024xf32, #tpu.memory_space<hbm>>
        %dma_start3A_977 = tpu.memref_slice %arg11[%add3A_11] : memref<262144xf32, #tpu.memory_space<hbm>> -> memref<1024xf32, #tpu.memory_space<hbm>>
        tpu.enqueue_dma source(%arg26 : memref<1024xf32, #tpu.memory_space<vmem>>) target(%dma_start3A_977 : memref<1024xf32, #tpu.memory_space<hbm>>) target_semaphore(%run_scoped3A : memref<!tpu.dma_semaphore, #tpu.memory_space<semaphore_mem>>)
        %dma_wait3A_978 = tpu.memref_slice %arg11[%add3A_11] : memref<262144xf32, #tpu.memory_space<hbm>> -> memref<1024xf32, #tpu.memory_space<hbm>>
        %dma_wait3A_979 = tpu.memref_slice %arg11[%add3A_11] : memref<262144xf32, #tpu.memory_space<hbm>> -> memref<1024xf32, #tpu.memory_space<hbm>>
        tpu.wait_dma2 semaphore(%run_scoped3A : memref<!tpu.dma_semaphore, #tpu.memory_space<semaphore_mem>>) src(%arg26 : memref<1024xf32, #tpu.memory_space<vmem>>) dst(%dma_wait3A_979 : memref<1024xf32, #tpu.memory_space<hbm>>)
        tpu.yield
      }) : () -> ()
      "tpu.region"() ({
        %run_scoped3A = tpu.sem_alloc : memref<!tpu.dma_semaphore, #tpu.memory_space<semaphore_mem>>
        %dma_start3A_976 = tpu.memref_slice %arg12[%add3A_11] : memref<262144xf32, #tpu.memory_space<hbm>> -> memref<1024xf32, #tpu.memory_space<hbm>>
        %dma_start3A_977 = tpu.memref_slice %arg12[%add3A_11] : memref<262144xf32, #tpu.memory_space<hbm>> -> memref<1024xf32, #tpu.memory_space<hbm>>
        tpu.enqueue_dma source(%arg27 : memref<1024xf32, #tpu.memory_space<vmem>>) target(%dma_start3A_977 : memref<1024xf32, #tpu.memory_space<hbm>>) target_semaphore(%run_scoped3A : memref<!tpu.dma_semaphore, #tpu.memory_space<semaphore_mem>>)
        %dma_wait3A_978 = tpu.memref_slice %arg12[%add3A_11] : memref<262144xf32, #tpu.memory_space<hbm>> -> memref<1024xf32, #tpu.memory_space<hbm>>
        %dma_wait3A_979 = tpu.memref_slice %arg12[%add3A_11] : memref<262144xf32, #tpu.memory_space<hbm>> -> memref<1024xf32, #tpu.memory_space<hbm>>
        tpu.wait_dma2 semaphore(%run_scoped3A : memref<!tpu.dma_semaphore, #tpu.memory_space<semaphore_mem>>) src(%arg27 : memref<1024xf32, #tpu.memory_space<vmem>>) dst(%dma_wait3A_979 : memref<1024xf32, #tpu.memory_space<hbm>>)
        tpu.yield
      }) : () -> ()
      "tpu.region"() ({
        %run_scoped3A = tpu.sem_alloc : memref<!tpu.dma_semaphore, #tpu.memory_space<semaphore_mem>>
        %dma_start3A_976 = tpu.memref_slice %arg13[%add3A_11] : memref<262144xf32, #tpu.memory_space<hbm>> -> memref<1024xf32, #tpu.memory_space<hbm>>
        %dma_start3A_977 = tpu.memref_slice %arg13[%add3A_11] : memref<262144xf32, #tpu.memory_space<hbm>> -> memref<1024xf32, #tpu.memory_space<hbm>>
        tpu.enqueue_dma source(%arg28 : memref<1024xf32, #tpu.memory_space<vmem>>) target(%dma_start3A_977 : memref<1024xf32, #tpu.memory_space<hbm>>) target_semaphore(%run_scoped3A : memref<!tpu.dma_semaphore, #tpu.memory_space<semaphore_mem>>)
        %dma_wait3A_978 = tpu.memref_slice %arg13[%add3A_11] : memref<262144xf32, #tpu.memory_space<hbm>> -> memref<1024xf32, #tpu.memory_space<hbm>>
        %dma_wait3A_979 = tpu.memref_slice %arg13[%add3A_11] : memref<262144xf32, #tpu.memory_space<hbm>> -> memref<1024xf32, #tpu.memory_space<hbm>>
        tpu.wait_dma2 semaphore(%run_scoped3A : memref<!tpu.dma_semaphore, #tpu.memory_space<semaphore_mem>>) src(%arg28 : memref<1024xf32, #tpu.memory_space<vmem>>) dst(%dma_wait3A_979 : memref<1024xf32, #tpu.memory_space<hbm>>)
        tpu.yield
      }) : () -> ()
      "tpu.region"() ({
        %run_scoped3A = tpu.sem_alloc : memref<!tpu.dma_semaphore, #tpu.memory_space<semaphore_mem>>
        %dma_start3A_976 = tpu.memref_slice %arg14[%add3A_11] : memref<262144xf32, #tpu.memory_space<hbm>> -> memref<1024xf32, #tpu.memory_space<hbm>>
        %dma_start3A_977 = tpu.memref_slice %arg14[%add3A_11] : memref<262144xf32, #tpu.memory_space<hbm>> -> memref<1024xf32, #tpu.memory_space<hbm>>
        tpu.enqueue_dma source(%arg29 : memref<1024xf32, #tpu.memory_space<vmem>>) target(%dma_start3A_977 : memref<1024xf32, #tpu.memory_space<hbm>>) target_semaphore(%run_scoped3A : memref<!tpu.dma_semaphore, #tpu.memory_space<semaphore_mem>>)
        %dma_wait3A_978 = tpu.memref_slice %arg14[%add3A_11] : memref<262144xf32, #tpu.memory_space<hbm>> -> memref<1024xf32, #tpu.memory_space<hbm>>
        %dma_wait3A_979 = tpu.memref_slice %arg14[%add3A_11] : memref<262144xf32, #tpu.memory_space<hbm>> -> memref<1024xf32, #tpu.memory_space<hbm>>
        tpu.wait_dma2 semaphore(%run_scoped3A : memref<!tpu.dma_semaphore, #tpu.memory_space<semaphore_mem>>) src(%arg29 : memref<1024xf32, #tpu.memory_space<vmem>>) dst(%dma_wait3A_979 : memref<1024xf32, #tpu.memory_space<hbm>>)
        tpu.yield
      }) : () -> ()
      "tpu.region"() ({
        %run_scoped3A = tpu.sem_alloc : memref<!tpu.dma_semaphore, #tpu.memory_space<semaphore_mem>>
        %dma_start3A_976 = arith.constant 0 : i32
        %dma_start3A_977 = tpu.memref_slice %arg15[%add3A_11, %dma_start3A_976] : memref<262144x16xf32, #tpu.memory_space<hbm>> -> memref<1024x16xf32, #tpu.memory_space<hbm>>
        %dma_start3A_978 = arith.constant 0 : i32
        %dma_start3A_979 = tpu.memref_slice %arg15[%add3A_11, %dma_start3A_978] : memref<262144x16xf32, #tpu.memory_space<hbm>> -> memref<1024x16xf32, #tpu.memory_space<hbm>>
        tpu.enqueue_dma source(%arg30 : memref<1024x16xf32, #tpu.memory_space<vmem>>) target(%dma_start3A_979 : memref<1024x16xf32, #tpu.memory_space<hbm>>) target_semaphore(%run_scoped3A : memref<!tpu.dma_semaphore, #tpu.memory_space<semaphore_mem>>)
        %dma_wait3A_980 = arith.constant 0 : i32
        %dma_wait3A_981 = tpu.memref_slice %arg15[%add3A_11, %dma_wait3A_980] : memref<262144x16xf32, #tpu.memory_space<hbm>> -> memref<1024x16xf32, #tpu.memory_space<hbm>>
        %dma_wait3A_982 = arith.constant 0 : i32
        %dma_wait3A_983 = tpu.memref_slice %arg15[%add3A_11, %dma_wait3A_982] : memref<262144x16xf32, #tpu.memory_space<hbm>> -> memref<1024x16xf32, #tpu.memory_space<hbm>>
        tpu.wait_dma2 semaphore(%run_scoped3A : memref<!tpu.dma_semaphore, #tpu.memory_space<semaphore_mem>>) src(%arg30 : memref<1024x16xf32, #tpu.memory_space<vmem>>) dst(%dma_wait3A_983 : memref<1024x16xf32, #tpu.memory_space<hbm>>)
        tpu.yield
      }) : () -> ()
      "tpu.region"() ({
        %run_scoped3A = tpu.sem_alloc : memref<!tpu.dma_semaphore, #tpu.memory_space<semaphore_mem>>
        %dma_start3A_976 = arith.constant 0 : i32
        %dma_start3A_977 = tpu.memref_slice %arg16[%add3A_11, %dma_start3A_976] : memref<262144x32xf32, #tpu.memory_space<hbm>> -> memref<1024x32xf32, #tpu.memory_space<hbm>>
        %dma_start3A_978 = arith.constant 0 : i32
        %dma_start3A_979 = tpu.memref_slice %arg16[%add3A_11, %dma_start3A_978] : memref<262144x32xf32, #tpu.memory_space<hbm>> -> memref<1024x32xf32, #tpu.memory_space<hbm>>
        tpu.enqueue_dma source(%arg31 : memref<1024x32xf32, #tpu.memory_space<vmem>>) target(%dma_start3A_979 : memref<1024x32xf32, #tpu.memory_space<hbm>>) target_semaphore(%run_scoped3A : memref<!tpu.dma_semaphore, #tpu.memory_space<semaphore_mem>>)
        %dma_wait3A_980 = arith.constant 0 : i32
        %dma_wait3A_981 = tpu.memref_slice %arg16[%add3A_11, %dma_wait3A_980] : memref<262144x32xf32, #tpu.memory_space<hbm>> -> memref<1024x32xf32, #tpu.memory_space<hbm>>
        %dma_wait3A_982 = arith.constant 0 : i32
        %dma_wait3A_983 = tpu.memref_slice %arg16[%add3A_11, %dma_wait3A_982] : memref<262144x32xf32, #tpu.memory_space<hbm>> -> memref<1024x32xf32, #tpu.memory_space<hbm>>
        tpu.wait_dma2 semaphore(%run_scoped3A : memref<!tpu.dma_semaphore, #tpu.memory_space<semaphore_mem>>) src(%arg31 : memref<1024x32xf32, #tpu.memory_space<vmem>>) dst(%dma_wait3A_983 : memref<1024x32xf32, #tpu.memory_space<hbm>>)
        tpu.yield
      }) : () -> ()
      "tpu.region"() ({
        %run_scoped3A = tpu.sem_alloc : memref<!tpu.dma_semaphore, #tpu.memory_space<semaphore_mem>>
        %dma_start3A_976 = arith.constant 0 : i32
        %dma_start3A_977 = tpu.memref_slice %arg17[%add3A_11, %dma_start3A_976] : memref<262144x32xf32, #tpu.memory_space<hbm>> -> memref<1024x32xf32, #tpu.memory_space<hbm>>
        %dma_start3A_978 = arith.constant 0 : i32
        %dma_start3A_979 = tpu.memref_slice %arg17[%add3A_11, %dma_start3A_978] : memref<262144x32xf32, #tpu.memory_space<hbm>> -> memref<1024x32xf32, #tpu.memory_space<hbm>>
        tpu.enqueue_dma source(%arg32 : memref<1024x32xf32, #tpu.memory_space<vmem>>) target(%dma_start3A_979 : memref<1024x32xf32, #tpu.memory_space<hbm>>) target_semaphore(%run_scoped3A : memref<!tpu.dma_semaphore, #tpu.memory_space<semaphore_mem>>)
        %dma_wait3A_980 = arith.constant 0 : i32
        %dma_wait3A_981 = tpu.memref_slice %arg17[%add3A_11, %dma_wait3A_980] : memref<262144x32xf32, #tpu.memory_space<hbm>> -> memref<1024x32xf32, #tpu.memory_space<hbm>>
        %dma_wait3A_982 = arith.constant 0 : i32
        %dma_wait3A_983 = tpu.memref_slice %arg17[%add3A_11, %dma_wait3A_982] : memref<262144x32xf32, #tpu.memory_space<hbm>> -> memref<1024x32xf32, #tpu.memory_space<hbm>>
        tpu.wait_dma2 semaphore(%run_scoped3A : memref<!tpu.dma_semaphore, #tpu.memory_space<semaphore_mem>>) src(%arg32 : memref<1024x32xf32, #tpu.memory_space<vmem>>) dst(%dma_wait3A_983 : memref<1024x32xf32, #tpu.memory_space<hbm>>)
        tpu.yield
      }) : () -> ()
    }
    %scan3A_5 = arith.constant 8 : i32
    return
  }
}

module attributes {stable_mosaic.version = 14 : i64} {
  func.func @_tc_main_body(%arg0: i32, %arg1: memref<5x1024xf32, #tpu.memory_space<vmem>>, %arg2: memref<5x1024xf32, #tpu.memory_space<vmem>>, %arg3: memref<1x1024xf32, #tpu.memory_space<vmem>>, %arg4: memref<1x1024xf32, #tpu.memory_space<vmem>>, %arg5: memref<1024x16xf32, #tpu.memory_space<vmem>>, %arg6: memref<1024x16xf32, #tpu.memory_space<vmem>>, %arg7: memref<32x1024xf32, #tpu.memory_space<vmem>>, %arg8: memref<1024x32xf32, #tpu.memory_space<vmem>>, %arg9: memref<1024x32xf32, #tpu.memory_space<vmem>>, %arg10: memref<32x64xf32, #tpu.memory_space<vmem>>, %arg11: memref<5x64xf32, #tpu.memory_space<vmem>>, %arg12: memref<64x2xf32, #tpu.memory_space<vmem>>, %arg13: memref<2x1xf32, #tpu.memory_space<vmem>>, %arg14: memref<1x1024xf32, #tpu.memory_space<vmem>>, %arg15: memref<1x1024xf32, #tpu.memory_space<vmem>>) attributes {dimension_semantics = [#tpu.dimension_semantics<arbitrary>], iteration_bounds = array<i64: 256>, scalar_prefetch = 0 : i64, scratch_operands = 0 : i64, tpu.core_type = #tpu.core_type<tc>, window_params = [{transform_indices = @transform_0, window_bounds = array<i64: 5, 1024>}, {transform_indices = @transform_1, window_bounds = array<i64: 5, 1024>}, {transform_indices = @transform_2, window_bounds = array<i64: 1, 1024>}, {transform_indices = @transform_3, window_bounds = array<i64: 1, 1024>}, {transform_indices = @transform_4, window_bounds = array<i64: 1024, 16>}, {transform_indices = @transform_5, window_bounds = array<i64: 1024, 16>}, {transform_indices = @transform_6, window_bounds = array<i64: 32, 1024>}, {transform_indices = @transform_7, window_bounds = array<i64: 1024, 32>}, {transform_indices = @transform_8, window_bounds = array<i64: 1024, 32>}, {pipeline_mode = #tpu.pipeline_mode<synchronous>, transform_indices = @transform_9, window_bounds = array<i64: 32, 64>}, {pipeline_mode = #tpu.pipeline_mode<synchronous>, transform_indices = @transform_10, window_bounds = array<i64: 5, 64>}, {pipeline_mode = #tpu.pipeline_mode<synchronous>, transform_indices = @transform_11, window_bounds = array<i64: 64, 2>}, {pipeline_mode = #tpu.pipeline_mode<synchronous>, transform_indices = @transform_12, window_bounds = array<i64: 2, 1>}, {transform_indices = @transform_13, window_bounds = array<i64: 1, 1024>}, {transform_indices = @transform_14, window_bounds = array<i64: 1, 1024>}]} {
    %get3A = arith.constant 0 : index
    %get3A_0 = arith.constant 0 : index
    %get3A_1 = vector.load %arg3[%get3A, %get3A_0] : memref<1x1024xf32, #tpu.memory_space<vmem>>, vector<1x1024xf32>
    %get3A_2 = arith.constant 0 : index
    %get3A_3 = arith.constant 0 : index
    %get3A_4 = vector.load %arg4[%get3A_2, %get3A_3] : memref<1x1024xf32, #tpu.memory_space<vmem>>, vector<1x1024xf32>
    %get3A_5 = arith.constant 0 : index
    %get3A_6 = arith.constant 0 : index
    %get3A_7 = vector.load %arg10[%get3A_5, %get3A_6] : memref<32x64xf32, #tpu.memory_space<vmem>>, vector<32x64xf32>
    %get3A_8 = arith.constant 0 : index
    %get3A_9 = arith.constant 0 : index
    %get3A_10 = vector.load %arg5[%get3A_8, %get3A_9] : memref<1024x16xf32, #tpu.memory_space<vmem>>, vector<1024x16xf32>
    %slice3A = vector.extract_strided_slice %get3A_7 {offsets = [0, 0], sizes = [16, 64], strides = [1, 1]} : vector<32x64xf32> to vector<16x64xf32>
    %convert_element_type3A = arith.truncf %get3A_10 : vector<1024x16xf32> to vector<1024x16xbf16>
    %convert_element_type3A_11 = arith.extf %convert_element_type3A : vector<1024x16xbf16> to vector<1024x16xf32>
    %sub3A = arith.subf %get3A_10, %convert_element_type3A_11 : vector<1024x16xf32>
    %convert_element_type3A_12 = arith.truncf %sub3A : vector<1024x16xf32> to vector<1024x16xbf16>
    %convert_element_type3A_13 = arith.truncf %slice3A : vector<16x64xf32> to vector<16x64xbf16>
    %convert_element_type3A_14 = arith.extf %convert_element_type3A_13 : vector<16x64xbf16> to vector<16x64xf32>
    %sub3A_15 = arith.subf %slice3A, %convert_element_type3A_14 : vector<16x64xf32>
    %convert_element_type3A_16 = arith.truncf %sub3A_15 : vector<16x64xf32> to vector<16x64xbf16>
    %dot_general3A = arith.constant dense<0.000000e+00> : vector<1024x64xf32>
    %dot_general3A_17 = tpu.matmul %convert_element_type3A, %convert_element_type3A_16, %dot_general3A {dimension_numbers = #tpu.dot_dimension_numbers<[1], [0], [0], [1], [0, 0, 1, 1], [], []>, transpose_lhs_hint = false} : vector<1024x16xbf16>, vector<16x64xbf16>, vector<1024x64xf32> -> vector<1024x64xf32>
    %dot_general3A_18 = arith.constant dense<0.000000e+00> : vector<1024x64xf32>
    %dot_general3A_19 = tpu.matmul %convert_element_type3A_12, %convert_element_type3A_13, %dot_general3A_18 {dimension_numbers = #tpu.dot_dimension_numbers<[1], [0], [0], [1], [0, 0, 1, 1], [], []>, transpose_lhs_hint = false} : vector<1024x16xbf16>, vector<16x64xbf16>, vector<1024x64xf32> -> vector<1024x64xf32>
    %add3A = arith.addf %dot_general3A_17, %dot_general3A_19 : vector<1024x64xf32>
    %dot_general3A_20 = arith.constant dense<0.000000e+00> : vector<1024x64xf32>
    %dot_general3A_21 = tpu.matmul %convert_element_type3A, %convert_element_type3A_13, %dot_general3A_20 {dimension_numbers = #tpu.dot_dimension_numbers<[1], [0], [0], [1], [0, 0, 1, 1], [], []>, transpose_lhs_hint = false} : vector<1024x16xbf16>, vector<16x64xbf16>, vector<1024x64xf32> -> vector<1024x64xf32>
    %add3A_22 = arith.addf %add3A, %dot_general3A_21 : vector<1024x64xf32>
    %get3A_23 = arith.constant 0 : index
    %get3A_24 = arith.constant 0 : index
    %get3A_25 = vector.load %arg6[%get3A_23, %get3A_24] : memref<1024x16xf32, #tpu.memory_space<vmem>>, vector<1024x16xf32>
    %slice3A_26 = vector.extract_strided_slice %get3A_7 {offsets = [16, 0], sizes = [16, 64], strides = [1, 1]} : vector<32x64xf32> to vector<16x64xf32>
    %convert_element_type3A_27 = arith.truncf %get3A_25 : vector<1024x16xf32> to vector<1024x16xbf16>
    %convert_element_type3A_28 = arith.extf %convert_element_type3A_27 : vector<1024x16xbf16> to vector<1024x16xf32>
    %sub3A_29 = arith.subf %get3A_25, %convert_element_type3A_28 : vector<1024x16xf32>
    %convert_element_type3A_30 = arith.truncf %sub3A_29 : vector<1024x16xf32> to vector<1024x16xbf16>
    %convert_element_type3A_31 = arith.truncf %slice3A_26 : vector<16x64xf32> to vector<16x64xbf16>
    %convert_element_type3A_32 = arith.extf %convert_element_type3A_31 : vector<16x64xbf16> to vector<16x64xf32>
    %sub3A_33 = arith.subf %slice3A_26, %convert_element_type3A_32 : vector<16x64xf32>
    %convert_element_type3A_34 = arith.truncf %sub3A_33 : vector<16x64xf32> to vector<16x64xbf16>
    %dot_general3A_35 = arith.constant dense<0.000000e+00> : vector<1024x64xf32>
    %dot_general3A_36 = tpu.matmul %convert_element_type3A_27, %convert_element_type3A_34, %dot_general3A_35 {dimension_numbers = #tpu.dot_dimension_numbers<[1], [0], [0], [1], [0, 0, 1, 1], [], []>, transpose_lhs_hint = false} : vector<1024x16xbf16>, vector<16x64xbf16>, vector<1024x64xf32> -> vector<1024x64xf32>
    %dot_general3A_37 = arith.constant dense<0.000000e+00> : vector<1024x64xf32>
    %dot_general3A_38 = tpu.matmul %convert_element_type3A_30, %convert_element_type3A_31, %dot_general3A_37 {dimension_numbers = #tpu.dot_dimension_numbers<[1], [0], [0], [1], [0, 0, 1, 1], [], []>, transpose_lhs_hint = false} : vector<1024x16xbf16>, vector<16x64xbf16>, vector<1024x64xf32> -> vector<1024x64xf32>
    %add3A_39 = arith.addf %dot_general3A_36, %dot_general3A_38 : vector<1024x64xf32>
    %dot_general3A_40 = arith.constant dense<0.000000e+00> : vector<1024x64xf32>
    %dot_general3A_41 = tpu.matmul %convert_element_type3A_27, %convert_element_type3A_31, %dot_general3A_40 {dimension_numbers = #tpu.dot_dimension_numbers<[1], [0], [0], [1], [0, 0, 1, 1], [], []>, transpose_lhs_hint = false} : vector<1024x16xbf16>, vector<16x64xbf16>, vector<1024x64xf32> -> vector<1024x64xf32>
    %add3A_42 = arith.addf %add3A_39, %dot_general3A_41 : vector<1024x64xf32>
    %add3A_43 = arith.addf %add3A_22, %add3A_42 : vector<1024x64xf32>
    %get3A_44 = arith.constant 0 : index
    %get3A_45 = arith.constant 0 : index
    %get3A_46 = vector.load %arg7[%get3A_44, %get3A_45] : memref<32x1024xf32, #tpu.memory_space<vmem>>, vector<32x1024xf32>
    %div3A = arith.constant 1.000000e+00 : f32
    %div3A_47 = vector.broadcast %div3A : f32 to vector<1x1024xf32>
    %div3A_48 = arith.divf %div3A_47, %get3A_4 : vector<1x1024xf32>
    %log3A = math.log %get3A_4 : vector<1x1024xf32>
    %neg3A = arith.constant 0.000000e+00 : f32
    %neg3A_49 = vector.broadcast %neg3A : f32 to vector<1x1024xf32>
    %neg3A_50 = arith.subf %neg3A_49, %log3A : vector<1x1024xf32>
    %log3A_51 = arith.constant 6.28318548 : f32
    %log3A_52 = math.log %log3A_51 : f32
    %mul3A = arith.constant 5.000000e-01 : f32
    %mul3A_53 = arith.mulf %mul3A, %log3A_52 : f32
    %sub3A_54 = vector.broadcast %mul3A_53 : f32 to vector<1x1024xf32>
    %sub3A_55 = arith.subf %neg3A_50, %sub3A_54 : vector<1x1024xf32>
    %get3A_56 = arith.constant 0 : index
    %get3A_57 = arith.constant 0 : index
    %get3A_58 = vector.load %arg12[%get3A_56, %get3A_57] : memref<64x2xf32, #tpu.memory_space<vmem>>, vector<64x2xf32>
    %get3A_59 = arith.constant 0 : index
    %get3A_60 = arith.constant 0 : index
    %get3A_61 = vector.load %arg13[%get3A_59, %get3A_60] : memref<2x1xf32, #tpu.memory_space<vmem>>, vector<2x1xf32>
    %get3A_62 = arith.constant 0 : index
    %get3A_63 = arith.constant 0 : index
    %get3A_64 = vector.load %arg11[%get3A_62, %get3A_63] : memref<5x64xf32, #tpu.memory_space<vmem>>, vector<5x64xf32>
    %get3A_65 = arith.constant 0 : index
    %get3A_66 = arith.constant 0 : index
    %get3A_67 = vector.load %arg1[%get3A_65, %get3A_66] : memref<5x1024xf32, #tpu.memory_space<vmem>>, vector<5x1024xf32>
    %convert_element_type3A_68 = arith.truncf %get3A_67 : vector<5x1024xf32> to vector<5x1024xbf16>
    %convert_element_type3A_69 = arith.extf %convert_element_type3A_68 : vector<5x1024xbf16> to vector<5x1024xf32>
    %sub3A_70 = arith.subf %get3A_67, %convert_element_type3A_69 : vector<5x1024xf32>
    %convert_element_type3A_71 = arith.truncf %sub3A_70 : vector<5x1024xf32> to vector<5x1024xbf16>
    %convert_element_type3A_72 = arith.truncf %get3A_64 : vector<5x64xf32> to vector<5x64xbf16>
    %convert_element_type3A_73 = arith.extf %convert_element_type3A_72 : vector<5x64xbf16> to vector<5x64xf32>
    %sub3A_74 = arith.subf %get3A_64, %convert_element_type3A_73 : vector<5x64xf32>
    %convert_element_type3A_75 = arith.truncf %sub3A_74 : vector<5x64xf32> to vector<5x64xbf16>
    %dot_general3A_76 = arith.constant dense<0.000000e+00> : vector<1024x64xf32>
    %dot_general3A_77 = tpu.matmul %convert_element_type3A_68, %convert_element_type3A_75, %dot_general3A_76 {dimension_numbers = #tpu.dot_dimension_numbers<[0], [0], [1], [1], [0, 1, 1, 1], [], []>, transpose_lhs_hint = false} : vector<5x1024xbf16>, vector<5x64xbf16>, vector<1024x64xf32> -> vector<1024x64xf32>
    %dot_general3A_78 = arith.constant dense<0.000000e+00> : vector<1024x64xf32>
    %dot_general3A_79 = tpu.matmul %convert_element_type3A_71, %convert_element_type3A_72, %dot_general3A_78 {dimension_numbers = #tpu.dot_dimension_numbers<[0], [0], [1], [1], [0, 1, 1, 1], [], []>, transpose_lhs_hint = false} : vector<5x1024xbf16>, vector<5x64xbf16>, vector<1024x64xf32> -> vector<1024x64xf32>
    %add3A_80 = arith.addf %dot_general3A_77, %dot_general3A_79 : vector<1024x64xf32>
    %dot_general3A_81 = arith.constant dense<0.000000e+00> : vector<1024x64xf32>
    %dot_general3A_82 = tpu.matmul %convert_element_type3A_68, %convert_element_type3A_72, %dot_general3A_81 {dimension_numbers = #tpu.dot_dimension_numbers<[0], [0], [1], [1], [0, 1, 1, 1], [], []>, transpose_lhs_hint = false} : vector<5x1024xbf16>, vector<5x64xbf16>, vector<1024x64xf32> -> vector<1024x64xf32>
    %add3A_83 = arith.addf %add3A_80, %dot_general3A_82 : vector<1024x64xf32>
    %add3A_84 = arith.addf %add3A_43, %add3A_83 : vector<1024x64xf32>
    %max3A = arith.constant 0.000000e+00 : f32
    %max3A_85 = vector.broadcast %max3A : f32 to vector<1024x64xf32>
    %max3A_86 = arith.maximumf %add3A_84, %max3A_85 : vector<1024x64xf32>
    %convert_element_type3A_87 = arith.truncf %get3A_58 : vector<64x2xf32> to vector<64x2xbf16>
    %convert_element_type3A_88 = arith.extf %convert_element_type3A_87 : vector<64x2xbf16> to vector<64x2xf32>
    %sub3A_89 = arith.subf %get3A_58, %convert_element_type3A_88 : vector<64x2xf32>
    %convert_element_type3A_90 = arith.truncf %sub3A_89 : vector<64x2xf32> to vector<64x2xbf16>
    %convert_element_type3A_91 = arith.truncf %max3A_86 : vector<1024x64xf32> to vector<1024x64xbf16>
    %convert_element_type3A_92 = arith.extf %convert_element_type3A_91 : vector<1024x64xbf16> to vector<1024x64xf32>
    %sub3A_93 = arith.subf %max3A_86, %convert_element_type3A_92 : vector<1024x64xf32>
    %convert_element_type3A_94 = arith.truncf %sub3A_93 : vector<1024x64xf32> to vector<1024x64xbf16>
    %dot_general3A_95 = arith.constant dense<0.000000e+00> : vector<2x1024xf32>
    %dot_general3A_96 = tpu.matmul %convert_element_type3A_87, %convert_element_type3A_94, %dot_general3A_95 {dimension_numbers = #tpu.dot_dimension_numbers<[0], [1], [1], [0], [0, 1, 1, 0], [], []>, transpose_lhs_hint = false} : vector<64x2xbf16>, vector<1024x64xbf16>, vector<2x1024xf32> -> vector<2x1024xf32>
    %dot_general3A_97 = arith.constant dense<0.000000e+00> : vector<2x1024xf32>
    %dot_general3A_98 = tpu.matmul %convert_element_type3A_90, %convert_element_type3A_91, %dot_general3A_97 {dimension_numbers = #tpu.dot_dimension_numbers<[0], [1], [1], [0], [0, 1, 1, 0], [], []>, transpose_lhs_hint = false} : vector<64x2xbf16>, vector<1024x64xbf16>, vector<2x1024xf32> -> vector<2x1024xf32>
    %add3A_99 = arith.addf %dot_general3A_96, %dot_general3A_98 : vector<2x1024xf32>
    %dot_general3A_100 = arith.constant dense<0.000000e+00> : vector<2x1024xf32>
    %dot_general3A_101 = tpu.matmul %convert_element_type3A_87, %convert_element_type3A_91, %dot_general3A_100 {dimension_numbers = #tpu.dot_dimension_numbers<[0], [1], [1], [0], [0, 1, 1, 0], [], []>, transpose_lhs_hint = false} : vector<64x2xbf16>, vector<1024x64xbf16>, vector<2x1024xf32> -> vector<2x1024xf32>
    %add3A_102 = arith.addf %add3A_99, %dot_general3A_101 : vector<2x1024xf32>
    %add3A_103 = vector.broadcast %get3A_61 : vector<2x1xf32> to vector<2x1024xf32>
    %add3A_104 = arith.addf %add3A_102, %add3A_103 : vector<2x1024xf32>
    %slice3A_105 = vector.extract_strided_slice %add3A_104 {offsets = [0, 0], sizes = [1, 1024], strides = [1, 1]} : vector<2x1024xf32> to vector<1x1024xf32>
    %slice3A_106 = vector.extract_strided_slice %add3A_104 {offsets = [1, 0], sizes = [1, 1024], strides = [1, 1]} : vector<2x1024xf32> to vector<1x1024xf32>
    %custom_jvp_call3A = arith.constant 0.000000e+00 : f32
    %max3A_107 = vector.broadcast %custom_jvp_call3A : f32 to vector<1x1024xf32>
    %max3A_108 = arith.maximumf %slice3A_106, %max3A_107 : vector<1x1024xf32>
    %sub3A_109 = vector.broadcast %custom_jvp_call3A : f32 to vector<1x1024xf32>
    %sub3A_110 = arith.subf %slice3A_106, %sub3A_109 : vector<1x1024xf32>
    %ne3A = arith.cmpf one, %sub3A_110, %sub3A_110 : vector<1x1024xf32>
    %add3A_111 = vector.broadcast %custom_jvp_call3A : f32 to vector<1x1024xf32>
    %add3A_112 = arith.addf %slice3A_106, %add3A_111 : vector<1x1024xf32>
    %abs3A = math.absf %sub3A_110 : vector<1x1024xf32>
    %neg3A_113 = arith.constant 0.000000e+00 : f32
    %neg3A_114 = vector.broadcast %neg3A_113 : f32 to vector<1x1024xf32>
    %neg3A_115 = arith.subf %neg3A_114, %abs3A : vector<1x1024xf32>
    %exp3A = math.exp %neg3A_115 : vector<1x1024xf32>
    %log1p3A = math.log1p %exp3A : vector<1x1024xf32>
    %add3A_116 = arith.addf %max3A_108, %log1p3A : vector<1x1024xf32>
    %select_n3A = arith.select %ne3A, %add3A_112, %add3A_116 : vector<1x1024xi1>, vector<1x1024xf32>
    %get3A_117 = arith.constant 0 : index
    %get3A_118 = arith.constant 0 : index
    %get3A_119 = vector.load %arg8[%get3A_117, %get3A_118] : memref<1024x32xf32, #tpu.memory_space<vmem>>, vector<1024x32xf32>
    %transpose3A = tpu.transpose %get3A_119, [1, 0] : vector<1024x32xf32> -> vector<32x1024xf32>
    %mul3A_120 = vector.broadcast %select_n3A : vector<1x1024xf32> to vector<32x1024xf32>
    %mul3A_121 = arith.mulf %mul3A_120, %get3A_46 : vector<32x1024xf32>
    %add3A_122 = vector.broadcast %slice3A_105 : vector<1x1024xf32> to vector<32x1024xf32>
    %add3A_123 = arith.addf %add3A_122, %mul3A_121 : vector<32x1024xf32>
    %mul3A_124 = arith.mulf %transpose3A, %add3A_123 : vector<32x1024xf32>
    %sub3A_125 = vector.broadcast %get3A_1 : vector<1x1024xf32> to vector<32x1024xf32>
    %sub3A_126 = arith.subf %sub3A_125, %mul3A_124 : vector<32x1024xf32>
    %mul3A_127 = vector.broadcast %div3A_48 : vector<1x1024xf32> to vector<32x1024xf32>
    %mul3A_128 = arith.mulf %sub3A_126, %mul3A_127 : vector<32x1024xf32>
    %mul3A_129 = arith.mulf %mul3A_128, %mul3A_128 : vector<32x1024xf32>
    %reduce_sum3A = arith.constant dense<0.000000e+00> : vector<1024xf32>
    %reduce_sum3A_130 = vector.multi_reduction <add>, %mul3A_129, %reduce_sum3A [0] : vector<32x1024xf32> to vector<1024xf32>
    %broadcast_in_dim3A = vector.shape_cast %reduce_sum3A_130 : vector<1024xf32> to vector<1x1024xf32>
    %mul3A_131 = arith.constant 1.562500e-02 : f32
    %mul3A_132 = vector.broadcast %mul3A_131 : f32 to vector<1x1024xf32>
    %mul3A_133 = arith.mulf %mul3A_132, %broadcast_in_dim3A : vector<1x1024xf32>
    %sub3A_134 = arith.subf %sub3A_55, %mul3A_133 : vector<1x1024xf32>
    %swap3A = arith.constant 0 : index
    %swap3A_135 = arith.constant 0 : index
    %swap3A_136 = vector.load %arg14[%swap3A, %swap3A_135] : memref<1x1024xf32, #tpu.memory_space<vmem>>, vector<1x1024xf32>
    tpu.vector_store %arg14[%swap3A, %swap3A_135], %sub3A_134 {strides = array<i32>} : memref<1x1024xf32, #tpu.memory_space<vmem>>, vector<1x1024xf32>,
    %get3A_137 = arith.constant 0 : index
    %get3A_138 = arith.constant 0 : index
    %get3A_139 = vector.load %arg2[%get3A_137, %get3A_138] : memref<5x1024xf32, #tpu.memory_space<vmem>>, vector<5x1024xf32>
    %convert_element_type3A_140 = arith.truncf %get3A_139 : vector<5x1024xf32> to vector<5x1024xbf16>
    %convert_element_type3A_141 = arith.extf %convert_element_type3A_140 : vector<5x1024xbf16> to vector<5x1024xf32>
    %sub3A_142 = arith.subf %get3A_139, %convert_element_type3A_141 : vector<5x1024xf32>
    %convert_element_type3A_143 = arith.truncf %sub3A_142 : vector<5x1024xf32> to vector<5x1024xbf16>
    %convert_element_type3A_144 = arith.truncf %get3A_64 : vector<5x64xf32> to vector<5x64xbf16>
    %convert_element_type3A_145 = arith.extf %convert_element_type3A_144 : vector<5x64xbf16> to vector<5x64xf32>
    %sub3A_146 = arith.subf %get3A_64, %convert_element_type3A_145 : vector<5x64xf32>
    %convert_element_type3A_147 = arith.truncf %sub3A_146 : vector<5x64xf32> to vector<5x64xbf16>
    %dot_general3A_148 = arith.constant dense<0.000000e+00> : vector<1024x64xf32>
    %dot_general3A_149 = tpu.matmul %convert_element_type3A_140, %convert_element_type3A_147, %dot_general3A_148 {dimension_numbers = #tpu.dot_dimension_numbers<[0], [0], [1], [1], [0, 1, 1, 1], [], []>, transpose_lhs_hint = false} : vector<5x1024xbf16>, vector<5x64xbf16>, vector<1024x64xf32> -> vector<1024x64xf32>
    %dot_general3A_150 = arith.constant dense<0.000000e+00> : vector<1024x64xf32>
    %dot_general3A_151 = tpu.matmul %convert_element_type3A_143, %convert_element_type3A_144, %dot_general3A_150 {dimension_numbers = #tpu.dot_dimension_numbers<[0], [0], [1], [1], [0, 1, 1, 1], [], []>, transpose_lhs_hint = false} : vector<5x1024xbf16>, vector<5x64xbf16>, vector<1024x64xf32> -> vector<1024x64xf32>
    %add3A_152 = arith.addf %dot_general3A_149, %dot_general3A_151 : vector<1024x64xf32>
    %dot_general3A_153 = arith.constant dense<0.000000e+00> : vector<1024x64xf32>
    %dot_general3A_154 = tpu.matmul %convert_element_type3A_140, %convert_element_type3A_144, %dot_general3A_153 {dimension_numbers = #tpu.dot_dimension_numbers<[0], [0], [1], [1], [0, 1, 1, 1], [], []>, transpose_lhs_hint = false} : vector<5x1024xbf16>, vector<5x64xbf16>, vector<1024x64xf32> -> vector<1024x64xf32>
    %add3A_155 = arith.addf %add3A_152, %dot_general3A_154 : vector<1024x64xf32>
    %add3A_156 = arith.addf %add3A_43, %add3A_155 : vector<1024x64xf32>
    %max3A_157 = arith.constant 0.000000e+00 : f32
    %max3A_158 = vector.broadcast %max3A_157 : f32 to vector<1024x64xf32>
    %max3A_159 = arith.maximumf %add3A_156, %max3A_158 : vector<1024x64xf32>
    %convert_element_type3A_160 = arith.truncf %get3A_58 : vector<64x2xf32> to vector<64x2xbf16>
    %convert_element_type3A_161 = arith.extf %convert_element_type3A_160 : vector<64x2xbf16> to vector<64x2xf32>
    %sub3A_162 = arith.subf %get3A_58, %convert_element_type3A_161 : vector<64x2xf32>
    %convert_element_type3A_163 = arith.truncf %sub3A_162 : vector<64x2xf32> to vector<64x2xbf16>
    %convert_element_type3A_164 = arith.truncf %max3A_159 : vector<1024x64xf32> to vector<1024x64xbf16>
    %convert_element_type3A_165 = arith.extf %convert_element_type3A_164 : vector<1024x64xbf16> to vector<1024x64xf32>
    %sub3A_166 = arith.subf %max3A_159, %convert_element_type3A_165 : vector<1024x64xf32>
    %convert_element_type3A_167 = arith.truncf %sub3A_166 : vector<1024x64xf32> to vector<1024x64xbf16>
    %dot_general3A_168 = arith.constant dense<0.000000e+00> : vector<2x1024xf32>
    %dot_general3A_169 = tpu.matmul %convert_element_type3A_160, %convert_element_type3A_167, %dot_general3A_168 {dimension_numbers = #tpu.dot_dimension_numbers<[0], [1], [1], [0], [0, 1, 1, 0], [], []>, transpose_lhs_hint = false} : vector<64x2xbf16>, vector<1024x64xbf16>, vector<2x1024xf32> -> vector<2x1024xf32>
    %dot_general3A_170 = arith.constant dense<0.000000e+00> : vector<2x1024xf32>
    %dot_general3A_171 = tpu.matmul %convert_element_type3A_163, %convert_element_type3A_164, %dot_general3A_170 {dimension_numbers = #tpu.dot_dimension_numbers<[0], [1], [1], [0], [0, 1, 1, 0], [], []>, transpose_lhs_hint = false} : vector<64x2xbf16>, vector<1024x64xbf16>, vector<2x1024xf32> -> vector<2x1024xf32>
    %add3A_172 = arith.addf %dot_general3A_169, %dot_general3A_171 : vector<2x1024xf32>
    %dot_general3A_173 = arith.constant dense<0.000000e+00> : vector<2x1024xf32>
    %dot_general3A_174 = tpu.matmul %convert_element_type3A_160, %convert_element_type3A_164, %dot_general3A_173 {dimension_numbers = #tpu.dot_dimension_numbers<[0], [1], [1], [0], [0, 1, 1, 0], [], []>, transpose_lhs_hint = false} : vector<64x2xbf16>, vector<1024x64xbf16>, vector<2x1024xf32> -> vector<2x1024xf32>
    %add3A_175 = arith.addf %add3A_172, %dot_general3A_174 : vector<2x1024xf32>
    %add3A_176 = vector.broadcast %get3A_61 : vector<2x1xf32> to vector<2x1024xf32>
    %add3A_177 = arith.addf %add3A_175, %add3A_176 : vector<2x1024xf32>
    %slice3A_178 = vector.extract_strided_slice %add3A_177 {offsets = [0, 0], sizes = [1, 1024], strides = [1, 1]} : vector<2x1024xf32> to vector<1x1024xf32>
    %slice3A_179 = vector.extract_strided_slice %add3A_177 {offsets = [1, 0], sizes = [1, 1024], strides = [1, 1]} : vector<2x1024xf32> to vector<1x1024xf32>
    %custom_jvp_call3A_180 = arith.constant 0.000000e+00 : f32
    %max3A_181 = vector.broadcast %custom_jvp_call3A_180 : f32 to vector<1x1024xf32>
    %max3A_182 = arith.maximumf %slice3A_179, %max3A_181 : vector<1x1024xf32>
    %sub3A_183 = vector.broadcast %custom_jvp_call3A_180 : f32 to vector<1x1024xf32>
    %sub3A_184 = arith.subf %slice3A_179, %sub3A_183 : vector<1x1024xf32>
    %ne3A_185 = arith.cmpf one, %sub3A_184, %sub3A_184 : vector<1x1024xf32>
    %add3A_186 = vector.broadcast %custom_jvp_call3A_180 : f32 to vector<1x1024xf32>
    %add3A_187 = arith.addf %slice3A_179, %add3A_186 : vector<1x1024xf32>
    %abs3A_188 = math.absf %sub3A_184 : vector<1x1024xf32>
    %neg3A_189 = arith.constant 0.000000e+00 : f32
    %neg3A_190 = vector.broadcast %neg3A_189 : f32 to vector<1x1024xf32>
    %neg3A_191 = arith.subf %neg3A_190, %abs3A_188 : vector<1x1024xf32>
    %exp3A_192 = math.exp %neg3A_191 : vector<1x1024xf32>
    %log1p3A_193 = math.log1p %exp3A_192 : vector<1x1024xf32>
    %add3A_194 = arith.addf %max3A_182, %log1p3A_193 : vector<1x1024xf32>
    %select_n3A_195 = arith.select %ne3A_185, %add3A_187, %add3A_194 : vector<1x1024xi1>, vector<1x1024xf32>
    %get3A_196 = arith.constant 0 : index
    %get3A_197 = arith.constant 0 : index
    %get3A_198 = vector.load %arg9[%get3A_196, %get3A_197] : memref<1024x32xf32, #tpu.memory_space<vmem>>, vector<1024x32xf32>
    %transpose3A_199 = tpu.transpose %get3A_198, [1, 0] : vector<1024x32xf32> -> vector<32x1024xf32>
    %mul3A_200 = vector.broadcast %select_n3A_195 : vector<1x1024xf32> to vector<32x1024xf32>
    %mul3A_201 = arith.mulf %mul3A_200, %get3A_46 : vector<32x1024xf32>
    %add3A_202 = vector.broadcast %slice3A_178 : vector<1x1024xf32> to vector<32x1024xf32>
    %add3A_203 = arith.addf %add3A_202, %mul3A_201 : vector<32x1024xf32>
    %mul3A_204 = arith.mulf %transpose3A_199, %add3A_203 : vector<32x1024xf32>
    %sub3A_205 = vector.broadcast %get3A_1 : vector<1x1024xf32> to vector<32x1024xf32>
    %sub3A_206 = arith.subf %sub3A_205, %mul3A_204 : vector<32x1024xf32>
    %mul3A_207 = vector.broadcast %div3A_48 : vector<1x1024xf32> to vector<32x1024xf32>
    %mul3A_208 = arith.mulf %sub3A_206, %mul3A_207 : vector<32x1024xf32>
    %mul3A_209 = arith.mulf %mul3A_208, %mul3A_208 : vector<32x1024xf32>
    %reduce_sum3A_210 = arith.constant dense<0.000000e+00> : vector<1024xf32>
    %reduce_sum3A_211 = vector.multi_reduction <add>, %mul3A_209, %reduce_sum3A_210 [0] : vector<32x1024xf32> to vector<1024xf32>
    %broadcast_in_dim3A_212 = vector.shape_cast %reduce_sum3A_211 : vector<1024xf32> to vector<1x1024xf32>
    %mul3A_213 = arith.constant 1.562500e-02 : f32
    %mul3A_214 = vector.broadcast %mul3A_213 : f32 to vector<1x1024xf32>
    %mul3A_215 = arith.mulf %mul3A_214, %broadcast_in_dim3A_212 : vector<1x1024xf32>
    %sub3A_216 = arith.subf %sub3A_55, %mul3A_215 : vector<1x1024xf32>
    %swap3A_217 = arith.constant 0 : index
    %swap3A_218 = arith.constant 0 : index
    %swap3A_219 = vector.load %arg15[%swap3A_217, %swap3A_218] : memref<1x1024xf32, #tpu.memory_space<vmem>>, vector<1x1024xf32>
    tpu.vector_store %arg15[%swap3A_217, %swap3A_218], %sub3A_216 {strides = array<i32>} : memref<1x1024xf32, #tpu.memory_space<vmem>>, vector<1x1024xf32>,
    return
  }
  func.func @transform_0(%arg0: i32) -> (i32, i32) {
    %c0_i32 = arith.constant 0 : i32
    %c0_i32_0 = arith.constant 0 : i32
    return %c0_i32, %arg0 : i32, i32
  }
  func.func @transform_1(%arg0: i32) -> (i32, i32) {
    %c0_i32 = arith.constant 0 : i32
    %c0_i32_0 = arith.constant 0 : i32
    return %c0_i32, %arg0 : i32, i32
  }
  func.func @transform_2(%arg0: i32) -> (i32, i32) {
    %c0_i32 = arith.constant 0 : i32
    %c0_i32_0 = arith.constant 0 : i32
    return %c0_i32, %arg0 : i32, i32
  }
  func.func @transform_3(%arg0: i32) -> (i32, i32) {
    %c0_i32 = arith.constant 0 : i32
    %c0_i32_0 = arith.constant 0 : i32
    return %c0_i32, %arg0 : i32, i32
  }
  func.func @transform_4(%arg0: i32) -> (i32, i32) {
    %c0_i32 = arith.constant 0 : i32
    %c0_i32_0 = arith.constant 0 : i32
    return %arg0, %c0_i32 : i32, i32
  }
  func.func @transform_5(%arg0: i32) -> (i32, i32) {
    %c0_i32 = arith.constant 0 : i32
    %c0_i32_0 = arith.constant 0 : i32
    return %arg0, %c0_i32 : i32, i32
  }
  func.func @transform_6(%arg0: i32) -> (i32, i32) {
    %c0_i32 = arith.constant 0 : i32
    %c0_i32_0 = arith.constant 0 : i32
    return %c0_i32, %arg0 : i32, i32
  }
  func.func @transform_7(%arg0: i32) -> (i32, i32) {
    %c0_i32 = arith.constant 0 : i32
    %c0_i32_0 = arith.constant 0 : i32
    return %arg0, %c0_i32 : i32, i32
  }
  func.func @transform_8(%arg0: i32) -> (i32, i32) {
    %c0_i32 = arith.constant 0 : i32
    %c0_i32_0 = arith.constant 0 : i32
    return %arg0, %c0_i32 : i32, i32
  }
  func.func @transform_9(%arg0: i32) -> (i32, i32) {
    %c0_i32 = arith.constant 0 : i32
    %c0_i32_0 = arith.constant 0 : i32
    %c0_i32_1 = arith.constant 0 : i32
    return %c0_i32, %c0_i32_0 : i32, i32
  }
  func.func @transform_10(%arg0: i32) -> (i32, i32) {
    %c0_i32 = arith.constant 0 : i32
    %c0_i32_0 = arith.constant 0 : i32
    %c0_i32_1 = arith.constant 0 : i32
    return %c0_i32, %c0_i32_0 : i32, i32
  }
  func.func @transform_11(%arg0: i32) -> (i32, i32) {
    %c0_i32 = arith.constant 0 : i32
    %c0_i32_0 = arith.constant 0 : i32
    %c0_i32_1 = arith.constant 0 : i32
    return %c0_i32, %c0_i32_0 : i32, i32
  }
  func.func @transform_12(%arg0: i32) -> (i32, i32) {
    %c0_i32 = arith.constant 0 : i32
    %c0_i32_0 = arith.constant 0 : i32
    %c0_i32_1 = arith.constant 0 : i32
    return %c0_i32, %c0_i32_0 : i32, i32
  }
  func.func @transform_13(%arg0: i32) -> (i32, i32) {
    %c0_i32 = arith.constant 0 : i32
    %c0_i32_0 = arith.constant 0 : i32
    return %c0_i32, %arg0 : i32, i32
  }
  func.func @transform_14(%arg0: i32) -> (i32, i32) {
    %c0_i32 = arith.constant 0 : i32
    %c0_i32_0 = arith.constant 0 : i32
    return %c0_i32, %arg0 : i32, i32
  }
}

module attributes {stable_mosaic.version = 14 : i64} {
  func.func @_tc_finish_body(%arg0: memref<32x2x1040xf32, #tpu.memory_space<vmem>>, %arg1: memref<65536xf32, #tpu.memory_space<vmem>>, %arg2: memref<65536xf32, #tpu.memory_space<vmem>>, %arg3: memref<1x1xf32, #tpu.memory_space<vmem>>, %arg4: memref<1024xi32, #tpu.memory_space<vmem>>) attributes {dimension_semantics = [], scalar_prefetch = 0 : i64, scratch_operands = 0 : i64, tpu.core_type = #tpu.core_type<tc>} {
    %get3A = arith.constant 0 : index
    %get3A_0 = arith.constant 0 : index
    %get3A_1 = arith.constant 0 : index
    %get3A_2 = vector.load %arg0[%get3A, %get3A_0, %get3A_1] : memref<32x2x1040xf32, #tpu.memory_space<vmem>>, vector<32x2x1040xf32>
    %reduce_sum3A = arith.constant dense<0.000000e+00> : vector<2x1040xf32>
    %reduce_sum3A_3 = vector.multi_reduction <add>, %get3A_2, %reduce_sum3A [0] : vector<32x2x1040xf32> to vector<2x1040xf32>
    %slice3A = vector.extract_strided_slice %reduce_sum3A_3 {offsets = [0, 0], sizes = [1, 1024], strides = [1, 1]} : vector<2x1040xf32> to vector<1x1024xf32>
    %squeeze3A = vector.shape_cast %slice3A : vector<1x1024xf32> to vector<1024xf32>
    %mul3A = arith.constant 3.125000e-02 : f32
    %mul3A_4 = vector.broadcast %mul3A : f32 to vector<1024xf32>
    %mul3A_5 = arith.mulf %squeeze3A, %mul3A_4 : vector<1024xf32>
    %slice3A_6 = vector.extract_strided_slice %reduce_sum3A_3 {offsets = [1, 0], sizes = [1, 1024], strides = [1, 1]} : vector<2x1040xf32> to vector<1x1024xf32>
    %squeeze3A_7 = vector.shape_cast %slice3A_6 : vector<1x1024xf32> to vector<1024xf32>
    %mul3A_8 = arith.constant 3.125000e-02 : f32
    %mul3A_9 = vector.broadcast %mul3A_8 : f32 to vector<1024xf32>
    %mul3A_10 = arith.mulf %squeeze3A_7, %mul3A_9 : vector<1024xf32>
    %gt3A = arith.cmpf ogt, %mul3A_10, %mul3A_5 : vector<1024xf32>
    %convert_element_type3A = arith.extui %gt3A : vector<1024xi1> to vector<1024xi32>
    %swap3A = arith.constant 0 : index
    %swap3A_11 = vector.load %arg4[%swap3A] : memref<1024xi32, #tpu.memory_space<vmem>>, vector<1024xi32>
    tpu.vector_store %arg4[%swap3A], %convert_element_type3A {strides = array<i32>} : memref<1024xi32, #tpu.memory_space<vmem>>, vector<1024xi32>,
    %max3A = arith.maximumf %mul3A_5, %mul3A_10 : vector<1024xf32>
    %get3A_12 = arith.constant 0 : index
    %get3A_13 = vector.load %arg1[%get3A_12] : memref<65536xf32, #tpu.memory_space<vmem>>, vector<65536xf32>
    %get3A_14 = arith.constant 0 : index
    %get3A_15 = vector.load %arg2[%get3A_14] : memref<65536xf32, #tpu.memory_space<vmem>>, vector<65536xf32>
    %custom_jvp_call3A = arith.constant 0.000000e+00 : f32
    %max3A_16 = vector.broadcast %custom_jvp_call3A : f32 to vector<65536xf32>
    %max3A_17 = arith.maximumf %get3A_15, %max3A_16 : vector<65536xf32>
    %sub3A = vector.broadcast %custom_jvp_call3A : f32 to vector<65536xf32>
    %sub3A_18 = arith.subf %get3A_15, %sub3A : vector<65536xf32>
    %ne3A = arith.cmpf one, %sub3A_18, %sub3A_18 : vector<65536xf32>
    %add3A = vector.broadcast %custom_jvp_call3A : f32 to vector<65536xf32>
    %add3A_19 = arith.addf %get3A_15, %add3A : vector<65536xf32>
    %abs3A = math.absf %sub3A_18 : vector<65536xf32>
    %neg3A = arith.constant 0.000000e+00 : f32
    %neg3A_20 = vector.broadcast %neg3A : f32 to vector<65536xf32>
    %neg3A_21 = arith.subf %neg3A_20, %abs3A : vector<65536xf32>
    %exp3A = math.exp %neg3A_21 : vector<65536xf32>
    %log1p3A = math.log1p %exp3A : vector<65536xf32>
    %add3A_22 = arith.addf %max3A_17, %log1p3A : vector<65536xf32>
    %select_n3A = arith.select %ne3A, %add3A_19, %add3A_22 : vector<65536xi1>, vector<65536xf32>
    %log3A = math.log %select_n3A : vector<65536xf32>
    %neg3A_23 = arith.constant 0.000000e+00 : f32
    %neg3A_24 = vector.broadcast %neg3A_23 : f32 to vector<65536xf32>
    %neg3A_25 = arith.subf %neg3A_24, %log3A : vector<65536xf32>
    %mul3A_26 = arith.mulf %select_n3A, %select_n3A : vector<65536xf32>
    %mul3A_27 = arith.mulf %get3A_13, %get3A_13 : vector<65536xf32>
    %add3A_28 = arith.addf %mul3A_26, %mul3A_27 : vector<65536xf32>
    %sub3A_29 = arith.constant 1.000000e+00 : f32
    %sub3A_30 = vector.broadcast %sub3A_29 : f32 to vector<65536xf32>
    %sub3A_31 = arith.subf %add3A_28, %sub3A_30 : vector<65536xf32>
    %mul3A_32 = arith.constant 5.000000e-01 : f32
    %mul3A_33 = vector.broadcast %mul3A_32 : f32 to vector<65536xf32>
    %mul3A_34 = arith.mulf %mul3A_33, %sub3A_31 : vector<65536xf32>
    %add3A_35 = arith.addf %neg3A_25, %mul3A_34 : vector<65536xf32>
    %reduce_sum3A_36 = vector.shape_cast %add3A_35 : vector<65536xf32> to vector<1x65536xf32>
    %reduce_sum3A_37 = arith.constant dense<0.000000e+00> : vector<1xf32>
    %reduce_sum3A_38 = vector.multi_reduction <add>, %reduce_sum3A_36, %reduce_sum3A_37 [1] : vector<1x65536xf32> to vector<1xf32>
    %reduce_sum3A_39 = vector.shape_cast %reduce_sum3A_38 : vector<1xf32> to vector<1x1xf32>
    %reduce_sum3A_40 = vector.extract %reduce_sum3A_39[0, 0] : f32 from vector<1x1xf32>
    %div3A = arith.constant 6.553600e+04 : f32
    %div3A_41 = arith.divf %reduce_sum3A_40, %div3A : f32
    %reduce_sum3A_42 = vector.shape_cast %max3A : vector<1024xf32> to vector<1x1024xf32>
    %reduce_sum3A_43 = arith.constant dense<0.000000e+00> : vector<1xf32>
    %reduce_sum3A_44 = vector.multi_reduction <add>, %reduce_sum3A_42, %reduce_sum3A_43 [1] : vector<1x1024xf32> to vector<1xf32>
    %reduce_sum3A_45 = vector.shape_cast %reduce_sum3A_44 : vector<1xf32> to vector<1x1xf32>
    %reduce_sum3A_46 = vector.extract %reduce_sum3A_45[0, 0] : f32 from vector<1x1xf32>
    %div3A_47 = arith.constant 1.024000e+03 : f32
    %div3A_48 = arith.divf %reduce_sum3A_46, %div3A_47 : f32
    %neg3A_49 = arith.constant 0.000000e+00 : f32
    %neg3A_50 = arith.subf %neg3A_49, %div3A_48 : f32
    %mul3A_51 = arith.constant 1.000000e+00 : f32
    %mul3A_52 = arith.mulf %mul3A_51, %div3A_41 : f32
    %add3A_53 = arith.addf %neg3A_50, %mul3A_52 : f32
    %reshape3A = vector.broadcast %add3A_53 : f32 to vector<1x1xf32>
    %swap3A_54 = arith.constant 0 : index
    %swap3A_55 = arith.constant 0 : index
    %swap3A_56 = vector.load %arg3[%swap3A_54, %swap3A_55] : memref<1x1xf32, #tpu.memory_space<vmem>>, vector<1x1xf32>
    tpu.vector_store %arg3[%swap3A_54, %swap3A_55], %reshape3A {strides = array<i32>} : memref<1x1xf32, #tpu.memory_space<vmem>>, vector<1x1xf32>,
    return
  }
}

</mosaic_0001>

<sc_bundles>
// kernel: kernel.6.cloned.1.call-start
scs
__scs_entry_jumppad:
0x0: {  	(pc) =	sbr.rel $0x88, $3  }
0x1: {  	(tag) =	ssettag $0x0;
	lr =	simm.s32 $0x1  }
0x2: {  	[smem:$0x3F94] =	sst lr;
	_ =	strace $0xD0000000  }
0x3: {  	_ = 	snop  }
0x4: {  	_ = 	snop  }
0x5: {  	_ = 	snop  }
0x6: {  	_ = 	snop  }
0x7: {  	_ = 	snop  }
__scs_overlays_trampoline_lowered:
0x8: {  	[smem:$0x3FA3] =	sst s0  }
0x9: {  	[smem:$0x3FA4] =	sst s1  }
0xa: {  	[smem:$0x3FA5] =	sst s2  }
0xb: {  	[smem:$0x3FA6] =	sst s3  }
0xc: {  	[smem:$0x3FA7] =	sst s4  }
0xd: {  	[smem:$0x3FA8] =	sst s5  }
0xe: {  	[smem:$0x3FA9] =	sst s6  }
0xf: {  	[smem:$0x3FAA] =	sst s7  }
0x10: {  	[smem:$0x3FAB] =	sst s8  }
0x11: {  	[smem:$0x3FAC] =	sst s9;
	s0 =	simm.s32 @!p0 $0x0  }
0x12: {  	s1 =	sld [smem:$0x3F92];
	s0 =	simm.s32 @p0 $0x1  }
0x13: {  	[smem:$0x3FAD] =	sst s0;
	s0 =	simm.s32 @!p1 $0x0  }
0x14: {  	s2 =	sld [smem:$0x3F91];
	s0 =	simm.s32 @p1 $0x1  }
0x15: {  	[smem:$0x3FAE] =	sst s0;
	s0 =	simm.s32 @!p2 $0x0  }
0x16: {  	s3 =	sld [smem:$0x3FDB];
	s0 =	simm.s32 @p2 $0x1  }
0x17: {  	s4 =	simm.s32 $0x1BF5;
	[smem:$0x3FB0] =	sst s0  }
0x18: {  	s0 =	sld [smem:$0x3F93];
	_ =	swait.ge [sflag:s4], $0x0  }
0x19: {  	s7 =	sld [smem:$0x3F94]  }
0x1a: {  	s8 =	sadd.s32 $0xFFFFE003, lr  }
0x1b: {  	s9 =	sadd.s32 $0xFFFFFEF7, lr;
	s5 =	simm.s32 $0xFFFFFFFF;
	p2 =	slt.u32 s8, $0xFFFFF086  }
0x1c: {  	p1 =	slt.u32 s9, $0xF7A;
	s5 =	simm.s32 @!p2 $0x0  }
0x1d: {  	s5 =	simm.s32 @p1 $0x1;
	p0 =	seq.s32 s7, s2  }
0x1e: {  	s7 =	smul.u32 @!p0 $0xF7A, s2;
	p2 =	seq.s32 @!p0 s5, $0x0  }
0x1f: {  	s9 =	smul.u32 $0xF7A, s1;
	s8 =	simm.s32 @!p0 $0x1BF5;
	p2 =	por !p2, p0  }
0x20: {  	[sflag:s8] =	ssyncset.s32 @!p0 $0xFFFFF086;
	s6 =	sadd.s32 @!p0 s3, s7;
	s7 =	simm.s32 @!p0 $0x108  }
0x21: {  	s3 =	sadd.s32 s3, s9;
	s6 =	sadd.s32 @!p0 $0x88, s6;
	s7 =	simm.s32 @p2 $0x1082  }
0x22: {  	[simem:s7], [sflag:s8] =	dma.local @!p0 [hbm:s6], $0xF7A  }
0x23: {  	s9 =	sor.u32 $0xD0000000, s2;
	s6 =	simm.s32 $0x108;
	_ =	swait.ge @!p0 [sflag:s8], $0x0  }
0x24: {  	s3 =	sadd.s32 $0x88, s3;
	s6 =	simm.s32 @!p1 $0x1082;
	[sflag:s4] =	ssyncset.s32 $0xFFFFF086  }
0x25: {  	[simem:s6], [sflag:s4] =	dma.local [hbm:s3], $0xF7A  }
0x26: {  	[smem:$0x3F94] =	sst s1;
	(tag) =	ssettag s2;
	_ =	strace s9  }
0x27: {  	s1 =	sld [smem:$0x3FA4]  }
0x28: {  	s2 =	sld [smem:$0x3FA5]  }
0x29: {  	s4 =	sld [smem:$0x3FA7]  }
0x2a: {  	p0 =	seq.s32 s5, $0x0;
	s5 =	sld [smem:$0x3FA8]  }
0x2b: {  	s6 =	sld [smem:$0x3FA9]  }
0x2c: {  	s7 =	sld [smem:$0x3FAA]  }
0x2d: {  	s3 =	simm.s32 $0x108;
	s8 =	sld [smem:$0x3FAB]  }
0x2e: {  	s3 =	simm.s32 @!p0 $0x1082;
	s9 =	sld [smem:$0x3FAC]  }
0x2f: {  	lr =	sadd.s32 s0, s3;
	s0 =	sld [smem:$0x3FA3]  }
0x30: {  	s3 =	sld [smem:$0x3FA6]  }
0x31: {  	[smem:$0x3FAF] =	sst s10  }
0x32: {  	s10 =	sld [smem:$0x3FAD];
	_ =	sdelay $0x3  }
0x33: {  	p0 =	seq.s32 s10, $0x1;
	s10 =	sld [smem:$0x3FAF];
	_ =	sdelay $0x3  }
0x34: {  	[smem:$0x3FAF] =	sst s10  }
0x35: {  	s10 =	sld [smem:$0x3FAE];
	_ =	sdelay $0x3  }
0x36: {  	p1 =	seq.s32 s10, $0x1;
	s10 =	sld [smem:$0x3FAF];
	_ =	sdelay $0x3  }
0x37: {  	[smem:$0x3FAF] =	sst s10  }
0x38: {  	s10 =	sld [smem:$0x3FB0]  }
0x39: {  	_ = 	snop;
	(pc) =	sbr.ind lr, $3  }
0x3a: {  	_ = 	snop  }
0x3b: {  	_ = 	snop  }
0x3c: {  	p2 =	seq.s32 s10, $0x1;
	s10 =	sld [smem:$0x3FAF]  }
0x3d: {  	_ =	shalt  }
0x3e: {  	_ =	shalt  }
0x3f: {  	_ =	shalt  }
0x40: {  	_ =	shalt  }
0x41: {  	_ =	shalt  }
0x42: {  	_ =	shalt  }
0x43: {  	_ =	shalt  }
0x44: {  	_ =	shalt  }
0x45: {  	_ =	shalt  }
0x46: {  	_ =	shalt  }
0x47: {  	_ =	shalt  }
0x48: {  	_ =	shalt  }
0x49: {  	_ =	shalt  }
0x4a: {  	_ =	shalt  }
0x4b: {  	_ =	shalt  }
0x4c: {  	_ =	shalt  }
0x4d: {  	_ =	shalt  }
0x4e: {  	_ =	shalt  }
0x4f: {  	_ =	shalt  }
0x50: {  	_ =	shalt  }
0x51: {  	_ =	shalt  }
0x52: {  	_ =	shalt  }
0x53: {  	_ =	shalt  }
0x54: {  	_ =	shalt  }
0x55: {  	_ =	shalt  }
0x56: {  	_ =	shalt  }
0x57: {  	_ =	shalt  }
0x58: {  	_ =	shalt  }
0x59: {  	_ =	shalt  }
0x5a: {  	_ =	shalt  }
0x5b: {  	_ =	shalt  }
0x5c: {  	_ =	shalt  }
0x5d: {  	_ =	shalt  }
0x5e: {  	_ =	shalt  }
0x5f: {  	_ =	shalt  }
0x60: {  	_ =	shalt  }
0x61: {  	_ =	shalt  }
0x62: {  	_ =	shalt  }
0x63: {  	_ =	shalt  }
0x64: {  	_ =	shalt  }
0x65: {  	_ =	shalt  }
0x66: {  	_ =	shalt  }
0x67: {  	_ =	shalt  }
0x68: {  	_ =	shalt  }
0x69: {  	_ =	shalt  }
0x6a: {  	_ =	shalt  }
0x6b: {  	_ =	shalt  }
0x6c: {  	_ =	shalt  }
0x6d: {  	_ =	shalt  }
0x6e: {  	_ =	shalt  }
0x6f: {  	_ =	shalt  }
0x70: {  	_ =	shalt  }
0x71: {  	_ =	shalt  }
0x72: {  	_ =	shalt  }
0x73: {  	_ =	shalt  }
0x74: {  	_ =	shalt  }
0x75: {  	_ =	shalt  }
0x76: {  	_ =	shalt  }
0x77: {  	_ =	shalt  }
0x78: {  	_ =	shalt  }
0x79: {  	_ =	shalt  }
0x7a: {  	_ =	shalt  }
0x7b: {  	_ =	shalt  }
0x7c: {  	_ =	shalt  }
0x7d: {  	_ =	shalt  }
0x7e: {  	_ =	shalt  }
0x7f: {  	_ =	shalt  }
0x80: {  	_ =	shalt  }
0x81: {  	_ =	shalt  }
0x82: {  	_ =	shalt  }
0x83: {  	_ =	shalt  }
0x84: {  	_ =	shalt  }
0x85: {  	_ =	shalt  }
0x86: {  	_ =	shalt  }
0x87: {  	_ =	shalt  }
.Lfunc_end0:
.L_simem_size_0:
called_computation_lowered:
.L_overlay_start_0:
0x88: {  	s2 =	sld [smem:$0x3FD9]  }
0x89: {  	s3 =	sld [smem:$0x3FFE];
	_ =	sdelay $0x1  }
0x8a: {  	s1 =	srdreg.scid  }
0x8b: {  	s0 =	sand.u32 $0x1, s1  }
0x8c: {  	s17 =	sshll.u32 s0, $0xA;
	s2 =	sadd.s32 s3, s2  }
0x8d: {  	s2 =	sadd.s32 s2, s17  }
0x8e: {  	[smem:$0x3FBB] =	sst s2  }
0x8f: {  	_ = 	snop  }
0x90: {  	s2 =	sld [smem:$0x3FC6]  }
0x91: {  	s18 =	sld [smem:$0x3FC4];
	(tm) =	ssettm $0x1  }
0x92: {  	s4 =	sld [smem:$0x3FFB];
	_ =	sdelay $0x3  }
0x93: {  	_ =	strace s4  }
0x94: {  	s4 =	sld [smem:$0x3FFC];
	_ =	sdelay $0x3  }
0x95: {  	_ =	strace s4  }
0x96: {  	s4 =	sld [smem:$0x3FFD];
	_ =	sdelay $0x3  }
0x97: {  	_ =	strace s4  }
0x98: {  	_ =	strace $0x8FFFFFFF  }
0x99: {  	s19 =	sld [smem:$0x3FDB];
	_ =	sdelay $0x1  }
0x9a: {  	s5 =	simm.s32 $_scs_section_size  }
0x9b: {  	s6 =	simm.s32 $_size__tile_overlayer_lowered;
	s7 =	simm.s32 $_tile_overlayer_lowered  }
0x9c: {  	s22 =	simm.s32 $0x1BFF;
	s21 =	sshll.u32 s7, $0x1;
	s4 =	sadd.s32 s5, s19  }
0x9d: {  	s8 =	simm.s32 $0x0;
	s20 =	sshll.u32 s6, $0x1;
	s6 =	sadd.s32 s21, s4  }
0x9e: {  	[timem:s8], [sflag:s22] =	dma.local [hbm:s6], s20  }
0x9f: {  	_ =	swait.ge [sflag:s22], s20  }
0xa0: {  	s5 =	ssub.s32 $0x0, s20;
	[sflag:s22] =	ssyncset.done $0x0  }
0xa1: {  	[sflag:s22] =	ssyncadd.s32 s5;
	_ =	sdelay $0x1  }
0xa2: {  	s23 =	simm.s32 $0x1B8B  }
0xa3: {  	_ =	swait.ge [sflag:s23], $0x1  }
0xa4: {  	[sflag:s23] =	ssyncset.done $0x0  }
0xa5: {  	s25 =	simm.s32 $0x1B8E;
	s24 =	sld [smem:$0x3FFE];
	[sflag:s23] =	ssyncadd.s32 $0xFFFFFFFF  }
0xa6: {  	s26 =	simm.s32 $execute0_lowered;
	[smem:$0x3FD2] =	sst s25  }
0xa7: {  	s6 =	sshll.u32 s26, $0x1;
	_ =	strace $0x80000046;
	[dreg:$0x1] =	wrdreg $0xFFFFFFFF  }
0xa8: {  	s28 =	simm.s32 $_size_execute0_lowered;
	s4 =	sadd.s32 s4, s6;
	[dreg:$0x0] =	wrdreg $0x0  }
0xa9: {  	s6 =	sshll.u32 s28, $0x1;
	[dreg:$0x2] =	wrdreg s4  }
0xaa: {  	[dreg:$0x3] =	wrdreg s6  }
0xab: {  	[dreg:$0x4] =	wrdreg $0xC0  }
0xac: {  	_ =	task [dreg:s8], $0x5FFFF  }
0xad: {  	[dreg:$0x1] =	wrdreg $0xFFFFFFFF  }
0xae: {  	[dreg:$0x0] =	wrdreg $0x60  }
0xaf: {  	[dreg:$0x2] =	wrdreg s24  }
0xb0: {  	[dreg:$0x3] =	wrdreg s2  }
0xb1: {  	[dreg:$0x4] =	wrdreg s18  }
0xb2: {  	[dreg:$0x5] =	wrdreg $0x9  }
0xb3: {  	_ =	task.clear_ibuf [dreg:s8], $0x6FFFF;
	_ =	strace $0x90000046  }
0xb4: {  	s29 =	simm.s32 $0x9;
	_ =	strace $0x80000048  }
0xb5: {  	_ =	swait.ge [sflag:s29], $0x1  }
0xb6: {  	[sflag:s29] =	ssyncadd.s32 $0xFFFFFFFF  }
0xb7: {  	_ =	strace $0x90000048  }
0xb8: {  	_ =	sfence  }
0xb9: {  	s30 =	sld [smem:$0x0];
	_ =	sdelay $0x2  }
0xba: {  	s31 =	sshll.u32 s1, $0xD;
	s1 =	sshrl.u32 s1, $0x2  }
0xbb: {  	s3 =	sand.u32 $0x4000, s31;
	s1 =	sadd.s32 s1, s30  }
0xbc: {  	s0 =	sor.u32 s3, s0;
	s1 =	sshll.u32 s1, $0x11  }
0xbd: {  	s0 =	sor.u32 s1, s0  }
0xbe: {  	s0 =	sadd.s32 $0x8F2B, s0  }
0xbf: {  	[sflag:s0] =	ssyncadd.remote.s32 $0x1  }
0xc0: {  	_ =	sfence.sel $0xFFFF  }
0xc1: {  	[dreg:$0x0] =	wrdreg $0xFFFFFFFF;
	(pc) =	sbr.abs _section_cstart, $3  }
0xc2: {  	[dreg:$0x1] =	wrdreg $0xFFFFFFFF  }
0xc3: {  	_ =	task.clear_ibuf [dreg:s8], $0x2FFFF;
	_ =	strace $0x9FFFFFFF  }
0xc4: {  	(tm) =	ssettm $0x7FFFFFFF  }
0xc5: {  	_ =	shalt  }
tec
execute0_lowered:
.L_overlay_start_1:
0x0: {  	(tag) =	ssettag $0x1  }
0x1: {  	s0 =	rddreg [dreg:$0x0]  }
0x2: {  	s2 =	rddreg [dreg:$0x2];
	s30 =	simm.s32 $0x0  }
0x3: {  	s19 =	srdreg.scid;
	s6 =	stileid.u32;
	s13 =	simm.s32 $0x1  }
0x4: {  	s31 =	simm.s32 $0x1D00;
	[smem:$0x7FF] =	sst s30;
	s1 =	sadd.s32 $0x17A00, s0  }
0x5: {  	s16 =	sadd.s32 $0xFA00, s0;
	_ =	strace $0x80000047;
	[dreg:$0x4] =	wrdreg s1  }
0x6: {  	s29 =	simm.s32 $0x1D80;
	s17 =	sadd.s32 $0x7A00, s0;
	[dreg:$0x5] =	wrdreg s16  }
0x7: {  	s11 =	simm.s32 $0x1F00;
	s18 =	sadd.s32 $0xB8A00, s0;
	[dreg:$0x6] =	wrdreg s17  }
0x8: {  	s12 =	simm.s32 $0x1B80;
	s4 =	sadd.s32 $0xC0A00, s0;
	[dreg:$0x7] =	wrdreg s18  }
0x9: {  	s7 =	sadd.s32 $0x1FA00, s0;
	s20 =	sadd.s32 $0xA8A00, s0;
	[dreg:$0x8] =	wrdreg s4  }
0xa: {  	s8 =	sadd.s32 $0x5A00, s0;
	s21 =	sadd.s32 $0xB0A00, s0;
	[dreg:$0x9] =	wrdreg s20  }
0xb: {  	s9 =	sadd.s32 $0x107A00, s0;
	s22 =	sadd.s32 $0x28A00, s0;
	[dreg:$0xa] =	wrdreg s21  }
0xc: {  	s10 =	sadd.s32 $0x28200, s0;
	s5 =	sadd.s32 $0x247A00, s0;
	[dreg:$0xb] =	wrdreg s22  }
0xd: {  	s25 =	sshll.u32 s6, $0xE;
	s0 =	sadd.s32 $0x147A00, s0;
	[dreg:$0xc] =	wrdreg s5  }
0xe: {  	s6 =	simm.s32 $0x1B00;
	s1 =	sand.u32 $0x1, s19;
	[dreg:$0xd] =	wrdreg s0  }
0xf: {  	s21 =	simm.s32 $0x2;
	s0 =	simm.s32 $0x0;
	s23 =	ssub.s32 $0x2, s1  }
0x10: {  	s22 =	simm.s32 $0x1C80;
	s1 =	sshll.u32 s1, $0xD;
	s24 =	sshrl.u32 s23, $0x1  }
0x11: {  	s5 =	simm.s32 $0x1E80;
	s26 =	sor.u32 s1, s25;
	s4 =	ssub.s32 s23, s24  }
0x12: {  	s25 =	simm.s32 $0x80;
	[dreg:$0xe] =	wrdreg s26;
	s28 =	smax.u32 s4, $0x1  }
0x13: {  	s26 =	simm.s32 $0x1900;
	s23 =	simm.s32 $0x1A00;
	[dreg:$0xf] =	wrdreg s28  }
.LBB2_1:
0x14: {  	[dreg:$0x10] =	wrdreg s0;
	s16 =	simm.s32 $0x0  }
.LBB2_2:
0x15: {  	s15 =	sshll.u32 s16, $0xA;
	s17 =	rddreg [dreg:$0xe]  }
0x16: {  	s17 =	sadd.s32 s17, s15  }
0x17: {  	s3 =	rddreg [dreg:$0x4];
	s18 =	sshrl.u32 s17, $0x3  }
0x18: {  	s19 =	simm.s32 $0x0;
	s15 =	sadd.s32 s3, s18  }
0x19: {  	[tilespmem:s19], [sflag:$0x2] =	stream.linear.gather [hbm4b:s15+s19], $0x400, $0x38;
	[tilespmem:$0x17000] =	vst v63  }
0x1a: {  	_ =	swait.ge [sflag:s21], $0x400  }
0x1b: {  	[sflag:s21] =	ssyncset.done $0x0;
	s4 =	rddreg [dreg:$0x5]  }
0x1c: {  	s24 =	simm.s32 $0x400;
	[sflag:s21] =	ssyncadd.s32 $0xFFFFFC00;
	s15 =	sadd.s32 s4, s18  }
0x1d: {  	[tilespmem:s24], [sflag:$0x2] =	stream.linear.gather [hbm4b:s15+s19], $0x400, $0x38;
	[tilespmem:$0x17000] =	vst v63  }
0x1e: {  	_ =	swait.ge [sflag:s21], $0x400  }
0x1f: {  	[sflag:s21] =	ssyncset.done $0x0;
	s14 =	rddreg [dreg:$0x6]  }
0x20: {  	s20 =	simm.s32 $0x800;
	[sflag:s21] =	ssyncadd.s32 $0xFFFFFC00;
	s15 =	sadd.s32 s14, s18  }
0x21: {  	[tilespmem:s20], [sflag:$0x2] =	stream.linear.gather [hbm4b:s15+s19], $0x400, $0x38;
	[tilespmem:$0x17000] =	vst v63  }
0x22: {  	_ =	swait.ge [sflag:s21], $0x400  }
0x23: {  	[sflag:s21] =	ssyncset.done $0x0  }
0x24: {  	[sflag:s21] =	ssyncadd.s32 $0xFFFFFC00  }
0x25: {  	s24 =	rddreg [dreg:$0x1]  }
0x26: {  	s28 =	simm.s32 $0xC00;
	s15 =	sadd.s32 s24, s18  }
0x27: {  	[tilespmem:s28], [sflag:$0x2] =	stream.linear.gather [hbm4b:s15+s19], $0x400, $0x38;
	[tilespmem:$0x17000] =	vst v63  }
0x28: {  	_ =	swait.ge [sflag:s21], $0x400  }
0x29: {  	[sflag:s21] =	ssyncset.done $0x0  }
0x2a: {  	s19 =	simm.s32 $0x0;
	[sflag:s21] =	ssyncadd.s32 $0xFFFFFC00  }
0x2b: {  	v0 =	vld [tilespmem:s19+$0x0]  }
0x2c: {  	v1 =	vld [tilespmem:s19+$0x400];
	_ =	sdelay $0x2  }
0x2d: {  	v2 =	vld [tilespmem:s19+$0x800]  }
0x2e: {  	s24 =	simm.s32 $0x10  }
0x2f: {  	v3 =	vmul.u32 $0x1081, v0;
	v4 =	vmul.u32 $0x41, v1;
	v0 =	vld [tilespmem:s24+$0x0]  }
0x30: {  	v1 =	vld [tilespmem:s24+$0x400]  }
0x31: {  	v3 =	vadd.s32 v3, v4  }
0x32: {  	v3 =	vadd.s32 v2, v3  }
0x33: {  	s15 =	simm.s32 $0x80;
	v2 =	vld [tilespmem:s24+$0x800];
	[tilespmem:s19+$0x1000] =	vst v3;
	v3 =	vsub.s32 $0x430C0, v3  }
.LBB2_3:
0x34: {  	[tilespmem:s19+$0x1400] =	vst v3;
	s19 =	smov.u32 s24;
	s24 =	sshra.s32 s15, $0x2;
	p0 =	sne.s32 s15, $0xFC0  }
.Ltmp0:
0x35: {  	s15 =	sadd.s32 $0x40, s15;
	v3 =	vmul.u32 $0x1081, v0;
	v0 =	vld [tilespmem:s24+$0x0];
	v4 =	vmul.u32 $0x41, v1;
	(pc) =	sbr.rel @p0 .LBB2_3-.Ltmp0, $4  }
0x36: {  	v1 =	vld [tilespmem:s24+$0x400]  }
0x37: {  	v3 =	vadd.s32 v3, v4  }
0x38: {  	v3 =	vadd.s32 v2, v3  }
0x39: {  	v2 =	vld [tilespmem:s24+$0x800];
	[tilespmem:s19+$0x1000] =	vst v3;
	v3 =	vsub.s32 $0x430C0, v3  }
0x3a: {  	_ = 	snop  }
0x3b: {  	v0 =	vmul.u32 $0x1081, v0;
	v1 =	vmul.u32 $0x41, v1;
	_ =	sdelay $0x1  }
0x3c: {  	v0 =	vadd.s32 v0, v1  }
0x3d: {  	[tilespmem:s19+$0x1400] =	vst v3;
	v0 =	vadd.s32 v2, v0  }
0x3e: {  	[tilespmem:s24+$0x1000] =	vst v0;
	v0 =	vsub.s32 $0x430C0, v0  }
0x3f: {  	s15 =	simm.s32 $0x1000;
	s19 =	simm.s32 $0x1800;
	[tilespmem:s24+$0x1400] =	vst v0  }
0x40: {  	[tilespmem:s19], [sflag:$0x1] =	stream.indirect.gather [hbm4b:s7+s25], $0x1, s15, s25, $0xb8;
	[tilespmem:$0x17000] =	vst v63  }
0x41: {  	s20 =	simm.s32 $0x1400;
	s0 =	simm.s32 $0x1C00  }
0x42: {  	[tilespmem:s0], [sflag:$0x1] =	stream.indirect.gather [hbm4b:s7+s25], $0x1, s20, s25, $0xb8;
	[tilespmem:$0x17000] =	vst v63  }
0x43: {  	s24 =	simm.s32 $0x1080;
	s20 =	simm.s32 $0x1880  }
0x44: {  	[tilespmem:s20], [sflag:$0x1] =	stream.indirect.gather [hbm4b:s7+s25], $0x1, s24, s25, $0xb8;
	[tilespmem:$0x17000] =	vst v63  }
0x45: {  	s28 =	simm.s32 $0x1480  }
0x46: {  	[tilespmem:s22], [sflag:$0x1] =	stream.indirect.gather [hbm4b:s7+s25], $0x1, s28, s25, $0xb8;
	[tilespmem:$0x17000] =	vst v63  }
0x47: {  	s1 =	simm.s32 $0x1100  }
0x48: {  	[tilespmem:s26], [sflag:$0x1] =	stream.indirect.gather [hbm4b:s7+s25], $0x1, s1, s25, $0xb8;
	[tilespmem:$0x17000] =	vst v63  }
0x49: {  	s3 =	simm.s32 $0x1500  }
0x4a: {  	[tilespmem:s31], [sflag:$0x1] =	stream.indirect.gather [hbm4b:s7+s25], $0x1, s3, s25, $0xb8;
	[tilespmem:$0x17000] =	vst v63  }
0x4b: {  	s4 =	simm.s32 $0x1180;
	s1 =	simm.s32 $0x1980  }
0x4c: {  	[tilespmem:s1], [sflag:$0x1] =	stream.indirect.gather [hbm4b:s7+s25], $0x1, s4, s25, $0xb8;
	[tilespmem:$0x17000] =	vst v63  }
0x4d: {  	s14 =	simm.s32 $0x1580  }
0x4e: {  	[tilespmem:s29], [sflag:$0x1] =	stream.indirect.gather [hbm4b:s7+s25], $0x1, s14, s25, $0xb8;
	[tilespmem:$0x17000] =	vst v63  }
0x4f: {  	s24 =	simm.s32 $0x1200  }
0x50: {  	[tilespmem:s23], [sflag:$0x1] =	stream.indirect.gather [hbm4b:s7+s25], $0x1, s24, s25, $0xb8;
	[tilespmem:$0x17000] =	vst v63  }
0x51: {  	s28 =	simm.s32 $0x1600;
	s14 =	simm.s32 $0x1E00  }
0x52: {  	[tilespmem:s14], [sflag:$0x1] =	stream.indirect.gather [hbm4b:s7+s25], $0x1, s28, s25, $0xb8;
	[tilespmem:$0x17000] =	vst v63  }
0x53: {  	s3 =	simm.s32 $0x1280;
	s4 =	simm.s32 $0x1A80  }
0x54: {  	[tilespmem:s4], [sflag:$0x1] =	stream.indirect.gather [hbm4b:s7+s25], $0x1, s3, s25, $0xb8;
	[tilespmem:$0x17000] =	vst v63  }
0x55: {  	s24 =	simm.s32 $0x1680  }
0x56: {  	[tilespmem:s5], [sflag:$0x1] =	stream.indirect.gather [hbm4b:s7+s25], $0x1, s24, s25, $0xb8;
	[tilespmem:$0x17000] =	vst v63  }
0x57: {  	s28 =	simm.s32 $0x1300  }
0x58: {  	[tilespmem:s6], [sflag:$0x1] =	stream.indirect.gather [hbm4b:s7+s25], $0x1, s28, s25, $0xb8;
	[tilespmem:$0x17000] =	vst v63  }
0x59: {  	s3 =	simm.s32 $0x1700  }
0x5a: {  	[tilespmem:s11], [sflag:$0x1] =	stream.indirect.gather [hbm4b:s7+s25], $0x1, s3, s25, $0xb8;
	[tilespmem:$0x17000] =	vst v63  }
0x5b: {  	s24 =	simm.s32 $0x1380  }
0x5c: {  	[tilespmem:s12], [sflag:$0x1] =	stream.indirect.gather [hbm4b:s7+s25], $0x1, s24, s25, $0xb8;
	[tilespmem:$0x17000] =	vst v63  }
0x5d: {  	s28 =	simm.s32 $0x1780;
	s3 =	simm.s32 $0x1F80  }
0x5e: {  	[tilespmem:s3], [sflag:$0x1] =	stream.indirect.gather [hbm4b:s7+s25], $0x1, s28, s25, $0xb8;
	[tilespmem:$0x17000] =	vst v63  }
0x5f: {  	_ =	swait.ge [sflag:s13], $0x80  }
0x60: {  	[sflag:s13] =	ssyncset.done $0x0  }
0x61: {  	[sflag:s13] =	ssyncadd.s32 $0xFFFFFF80  }
0x62: {  	_ =	swait.ge [sflag:s13], $0x80  }
0x63: {  	[sflag:s13] =	ssyncset.done $0x0  }
0x64: {  	[sflag:s13] =	ssyncadd.s32 $0xFFFFFF80  }
0x65: {  	_ =	swait.ge [sflag:s13], $0x80  }
0x66: {  	[sflag:s13] =	ssyncset.done $0x0  }
0x67: {  	[sflag:s13] =	ssyncadd.s32 $0xFFFFFF80  }
0x68: {  	_ =	swait.ge [sflag:s13], $0x80  }
0x69: {  	[sflag:s13] =	ssyncset.done $0x0  }
0x6a: {  	[sflag:s13] =	ssyncadd.s32 $0xFFFFFF80  }
0x6b: {  	_ =	swait.ge [sflag:s13], $0x80  }
0x6c: {  	[sflag:s13] =	ssyncset.done $0x0  }
0x6d: {  	[sflag:s13] =	ssyncadd.s32 $0xFFFFFF80  }
0x6e: {  	_ =	swait.ge [sflag:s13], $0x80  }
0x6f: {  	[sflag:s13] =	ssyncset.done $0x0  }
0x70: {  	[sflag:s13] =	ssyncadd.s32 $0xFFFFFF80  }
0x71: {  	_ =	swait.ge [sflag:s13], $0x80  }
0x72: {  	[sflag:s13] =	ssyncset.done $0x0  }
0x73: {  	[sflag:s13] =	ssyncadd.s32 $0xFFFFFF80  }
0x74: {  	_ =	swait.ge [sflag:s13], $0x80  }
0x75: {  	[sflag:s13] =	ssyncset.done $0x0  }
0x76: {  	[sflag:s13] =	ssyncadd.s32 $0xFFFFFF80  }
0x77: {  	_ =	swait.ge [sflag:s13], $0x80  }
0x78: {  	[sflag:s13] =	ssyncset.done $0x0  }
0x79: {  	[sflag:s13] =	ssyncadd.s32 $0xFFFFFF80  }
0x7a: {  	_ =	swait.ge [sflag:s13], $0x80  }
0x7b: {  	[sflag:s13] =	ssyncset.done $0x0  }
0x7c: {  	[sflag:s13] =	ssyncadd.s32 $0xFFFFFF80  }
0x7d: {  	_ =	swait.ge [sflag:s13], $0x80  }
0x7e: {  	[sflag:s13] =	ssyncset.done $0x0  }
0x7f: {  	[sflag:s13] =	ssyncadd.s32 $0xFFFFFF80  }
0x80: {  	_ =	swait.ge [sflag:s13], $0x80  }
0x81: {  	[sflag:s13] =	ssyncset.done $0x0  }
0x82: {  	[sflag:s13] =	ssyncadd.s32 $0xFFFFFF80  }
0x83: {  	_ =	swait.ge [sflag:s13], $0x80  }
0x84: {  	[sflag:s13] =	ssyncset.done $0x0  }
0x85: {  	[sflag:s13] =	ssyncadd.s32 $0xFFFFFF80  }
0x86: {  	_ =	swait.ge [sflag:s13], $0x80  }
0x87: {  	[sflag:s13] =	ssyncset.done $0x0  }
0x88: {  	[sflag:s13] =	ssyncadd.s32 $0xFFFFFF80  }
0x89: {  	_ =	swait.ge [sflag:s13], $0x80  }
0x8a: {  	[sflag:s13] =	ssyncset.done $0x0  }
0x8b: {  	[sflag:s13] =	ssyncadd.s32 $0xFFFFFF80  }
0x8c: {  	_ =	swait.ge [sflag:s13], $0x80  }
0x8d: {  	[sflag:s13] =	ssyncset.done $0x0  }
0x8e: {  	s24 =	simm.s32 $0x2000;
	[sflag:s13] =	ssyncadd.s32 $0xFFFFFF80  }
0x8f: {  	[tilespmem:s24], [sflag:$0x1] =	stream.indirect.gather [hbm4b:s2+s25], $0x1, s19, s25, $0xb8;
	[tilespmem:$0x17000] =	vst v63  }
0x90: {  	s28 =	simm.s32 $0x2400  }
0x91: {  	[tilespmem:s28], [sflag:$0x1] =	stream.indirect.gather [hbm4b:s8+s25], $0x1, s19, s25, $0xb8;
	[tilespmem:$0x17000] =	vst v63  }
0x92: {  	s15 =	simm.s32 $0x2800  }
0x93: {  	[tilespmem:s15], [sflag:$0x1] =	stream.indirect.gather [hbm4b:s2+s25], $0x1, s0, s25, $0xb8;
	[tilespmem:$0x17000] =	vst v63  }
0x94: {  	s15 =	simm.s32 $0x2C00  }
0x95: {  	[tilespmem:s15], [sflag:$0x1] =	stream.indirect.gather [hbm4b:s8+s25], $0x1, s0, s25, $0xb8;
	[tilespmem:$0x17000] =	vst v63  }
0x96: {  	s15 =	simm.s32 $0x7000  }
0x97: {  	[tilespmem:s15], [sflag:$0x1] =	stream.indirect.gather [hbm4b:s9+s25], $0x20, s19, s25, $0xb8;
	[tilespmem:$0x17000] =	vst v63  }
0x98: {  	s19 =	simm.s32 $0xF000  }
0x99: {  	[tilespmem:s19], [sflag:$0x1] =	stream.indirect.gather [hbm4b:s9+s25], $0x20, s0, s25, $0xb8;
	[tilespmem:$0x17000] =	vst v63  }
0x9a: {  	s15 =	simm.s32 $0xC00;
	s0 =	simm.s32 $0x3000  }
0x9b: {  	[tilespmem:s0], [sflag:$0x1] =	stream.indirect.gather [hbm4b:s10+s25], $0x10, s15, s25, $0xb8;
	[tilespmem:$0x17000] =	vst v63  }
0x9c: {  	s15 =	simm.s32 $0x2080  }
0x9d: {  	[tilespmem:s15], [sflag:$0x1] =	stream.indirect.gather [hbm4b:s2+s25], $0x1, s20, s25, $0xb8;
	[tilespmem:$0x17000] =	vst v63  }
0x9e: {  	s15 =	simm.s32 $0x2480  }
0x9f: {  	[tilespmem:s15], [sflag:$0x1] =	stream.indirect.gather [hbm4b:s8+s25], $0x1, s20, s25, $0xb8;
	[tilespmem:$0x17000] =	vst v63  }
0xa0: {  	s15 =	simm.s32 $0x2880  }
0xa1: {  	[tilespmem:s15], [sflag:$0x1] =	stream.indirect.gather [hbm4b:s2+s25], $0x1, s22, s25, $0xb8;
	[tilespmem:$0x17000] =	vst v63  }
0xa2: {  	s15 =	simm.s32 $0x2C80  }
0xa3: {  	[tilespmem:s15], [sflag:$0x1] =	stream.indirect.gather [hbm4b:s8+s25], $0x1, s22, s25, $0xb8;
	[tilespmem:$0x17000] =	vst v63  }
0xa4: {  	s15 =	simm.s32 $0x8000  }
0xa5: {  	[tilespmem:s15], [sflag:$0x1] =	stream.indirect.gather [hbm4b:s9+s25], $0x20, s20, s25, $0xb8;
	[tilespmem:$0x17000] =	vst v63  }
0xa6: {  	s20 =	simm.s32 $0x10000  }
0xa7: {  	[tilespmem:s20], [sflag:$0x1] =	stream.indirect.gather [hbm4b:s9+s25], $0x20, s22, s25, $0xb8;
	[tilespmem:$0x17000] =	vst v63  }
0xa8: {  	s15 =	simm.s32 $0xC80;
	s20 =	simm.s32 $0x3800  }
0xa9: {  	[tilespmem:s20], [sflag:$0x1] =	stream.indirect.gather [hbm4b:s10+s25], $0x10, s15, s25, $0xb8;
	[tilespmem:$0x17000] =	vst v63  }
0xaa: {  	s20 =	simm.s32 $0x2100  }
0xab: {  	[tilespmem:s20], [sflag:$0x1] =	stream.indirect.gather [hbm4b:s2+s25], $0x1, s26, s25, $0xb8;
	[tilespmem:$0x17000] =	vst v63  }
0xac: {  	s20 =	simm.s32 $0x2500  }
0xad: {  	[tilespmem:s20], [sflag:$0x1] =	stream.indirect.gather [hbm4b:s8+s25], $0x1, s26, s25, $0xb8;
	[tilespmem:$0x17000] =	vst v63  }
0xae: {  	s20 =	simm.s32 $0x2900  }
0xaf: {  	[tilespmem:s20], [sflag:$0x1] =	stream.indirect.gather [hbm4b:s2+s25], $0x1, s31, s25, $0xb8;
	[tilespmem:$0x17000] =	vst v63  }
0xb0: {  	s20 =	simm.s32 $0x2D00  }
0xb1: {  	[tilespmem:s20], [sflag:$0x1] =	stream.indirect.gather [hbm4b:s8+s25], $0x1, s31, s25, $0xb8;
	[tilespmem:$0x17000] =	vst v63  }
0xb2: {  	s20 =	simm.s32 $0x9000  }
0xb3: {  	[tilespmem:s20], [sflag:$0x1] =	stream.indirect.gather [hbm4b:s9+s25], $0x20, s26, s25, $0xb8;
	[tilespmem:$0x17000] =	vst v63  }
0xb4: {  	s20 =	simm.s32 $0x11000  }
0xb5: {  	[tilespmem:s20], [sflag:$0x1] =	stream.indirect.gather [hbm4b:s9+s25], $0x20, s31, s25, $0xb8;
	[tilespmem:$0x17000] =	vst v63  }
0xb6: {  	s15 =	simm.s32 $0xD00;
	s20 =	simm.s32 $0x4000  }
0xb7: {  	[tilespmem:s20], [sflag:$0x1] =	stream.indirect.gather [hbm4b:s10+s25], $0x10, s15, s25, $0xb8;
	[tilespmem:$0x17000] =	vst v63  }
0xb8: {  	s20 =	simm.s32 $0x2180  }
0xb9: {  	[tilespmem:s20], [sflag:$0x1] =	stream.indirect.gather [hbm4b:s2+s25], $0x1, s1, s25, $0xb8;
	[tilespmem:$0x17000] =	vst v63  }
0xba: {  	s20 =	simm.s32 $0x2580  }
0xbb: {  	[tilespmem:s20], [sflag:$0x1] =	stream.indirect.gather [hbm4b:s8+s25], $0x1, s1, s25, $0xb8;
	[tilespmem:$0x17000] =	vst v63  }
0xbc: {  	s20 =	simm.s32 $0x2980  }
0xbd: {  	[tilespmem:s20], [sflag:$0x1] =	stream.indirect.gather [hbm4b:s2+s25], $0x1, s29, s25, $0xb8;
	[tilespmem:$0x17000] =	vst v63  }
0xbe: {  	s20 =	simm.s32 $0x2D80  }
0xbf: {  	[tilespmem:s20], [sflag:$0x1] =	stream.indirect.gather [hbm4b:s8+s25], $0x1, s29, s25, $0xb8;
	[tilespmem:$0x17000] =	vst v63  }
0xc0: {  	s20 =	simm.s32 $0xA000  }
0xc1: {  	[tilespmem:s20], [sflag:$0x1] =	stream.indirect.gather [hbm4b:s9+s25], $0x20, s1, s25, $0xb8;
	[tilespmem:$0x17000] =	vst v63  }
0xc2: {  	s20 =	simm.s32 $0x12000  }
0xc3: {  	[tilespmem:s20], [sflag:$0x1] =	stream.indirect.gather [hbm4b:s9+s25], $0x20, s29, s25, $0xb8;
	[tilespmem:$0x17000] =	vst v63  }
0xc4: {  	s15 =	simm.s32 $0xD80;
	s20 =	simm.s32 $0x4800  }
0xc5: {  	[tilespmem:s20], [sflag:$0x1] =	stream.indirect.gather [hbm4b:s10+s25], $0x10, s15, s25, $0xb8;
	[tilespmem:$0x17000] =	vst v63  }
0xc6: {  	s15 =	simm.s32 $0x2200  }
0xc7: {  	[tilespmem:s15], [sflag:$0x1] =	stream.indirect.gather [hbm4b:s2+s25], $0x1, s23, s25, $0xb8;
	[tilespmem:$0x17000] =	vst v63  }
0xc8: {  	s20 =	simm.s32 $0x2600  }
0xc9: {  	[tilespmem:s20], [sflag:$0x1] =	stream.indirect.gather [hbm4b:s8+s25], $0x1, s23, s25, $0xb8;
	[tilespmem:$0x17000] =	vst v63  }
0xca: {  	s15 =	simm.s32 $0x2A00  }
0xcb: {  	[tilespmem:s15], [sflag:$0x1] =	stream.indirect.gather [hbm4b:s2+s25], $0x1, s14, s25, $0xb8;
	[tilespmem:$0x17000] =	vst v63  }
0xcc: {  	s20 =	simm.s32 $0x2E00  }
0xcd: {  	[tilespmem:s20], [sflag:$0x1] =	stream.indirect.gather [hbm4b:s8+s25], $0x1, s14, s25, $0xb8;
	[tilespmem:$0x17000] =	vst v63  }
0xce: {  	s15 =	simm.s32 $0xB000  }
0xcf: {  	[tilespmem:s15], [sflag:$0x1] =	stream.indirect.gather [hbm4b:s9+s25], $0x20, s23, s25, $0xb8;
	[tilespmem:$0x17000] =	vst v63  }
0xd0: {  	s20 =	simm.s32 $0x13000  }
0xd1: {  	[tilespmem:s20], [sflag:$0x1] =	stream.indirect.gather [hbm4b:s9+s25], $0x20, s14, s25, $0xb8;
	[tilespmem:$0x17000] =	vst v63  }
0xd2: {  	s15 =	simm.s32 $0xE00;
	s20 =	simm.s32 $0x5000  }
0xd3: {  	[tilespmem:s20], [sflag:$0x1] =	stream.indirect.gather [hbm4b:s10+s25], $0x10, s15, s25, $0xb8;
	[tilespmem:$0x17000] =	vst v63  }
0xd4: {  	s14 =	simm.s32 $0x2280  }
0xd5: {  	[tilespmem:s14], [sflag:$0x1] =	stream.indirect.gather [hbm4b:s2+s25], $0x1, s4, s25, $0xb8;
	[tilespmem:$0x17000] =	vst v63  }
0xd6: {  	s15 =	simm.s32 $0x2680  }
0xd7: {  	[tilespmem:s15], [sflag:$0x1] =	stream.indirect.gather [hbm4b:s8+s25], $0x1, s4, s25, $0xb8;
	[tilespmem:$0x17000] =	vst v63  }
0xd8: {  	s20 =	simm.s32 $0x2A80  }
0xd9: {  	[tilespmem:s20], [sflag:$0x1] =	stream.indirect.gather [hbm4b:s2+s25], $0x1, s5, s25, $0xb8;
	[tilespmem:$0x17000] =	vst v63  }
0xda: {  	s14 =	simm.s32 $0x2E80  }
0xdb: {  	[tilespmem:s14], [sflag:$0x1] =	stream.indirect.gather [hbm4b:s8+s25], $0x1, s5, s25, $0xb8;
	[tilespmem:$0x17000] =	vst v63  }
0xdc: {  	s15 =	simm.s32 $0xC000  }
0xdd: {  	[tilespmem:s15], [sflag:$0x1] =	stream.indirect.gather [hbm4b:s9+s25], $0x20, s4, s25, $0xb8;
	[tilespmem:$0x17000] =	vst v63  }
0xde: {  	s20 =	simm.s32 $0x14000  }
0xdf: {  	[tilespmem:s20], [sflag:$0x1] =	stream.indirect.gather [hbm4b:s9+s25], $0x20, s5, s25, $0xb8;
	[tilespmem:$0x17000] =	vst v63  }
0xe0: {  	s14 =	simm.s32 $0x5800;
	s4 =	simm.s32 $0xE80  }
0xe1: {  	[tilespmem:s14], [sflag:$0x1] =	stream.indirect.gather [hbm4b:s10+s25], $0x10, s4, s25, $0xb8;
	[tilespmem:$0x17000] =	vst v63  }
0xe2: {  	s15 =	simm.s32 $0x2300  }
0xe3: {  	[tilespmem:s15], [sflag:$0x1] =	stream.indirect.gather [hbm4b:s2+s25], $0x1, s6, s25, $0xb8;
	[tilespmem:$0x17000] =	vst v63  }
0xe4: {  	s20 =	simm.s32 $0x2700  }
0xe5: {  	[tilespmem:s20], [sflag:$0x1] =	stream.indirect.gather [hbm4b:s8+s25], $0x1, s6, s25, $0xb8;
	[tilespmem:$0x17000] =	vst v63  }
0xe6: {  	s4 =	simm.s32 $0x2B00  }
0xe7: {  	[tilespmem:s4], [sflag:$0x1] =	stream.indirect.gather [hbm4b:s2+s25], $0x1, s11, s25, $0xb8;
	[tilespmem:$0x17000] =	vst v63  }
0xe8: {  	s14 =	simm.s32 $0x2F00  }
0xe9: {  	[tilespmem:s14], [sflag:$0x1] =	stream.indirect.gather [hbm4b:s8+s25], $0x1, s11, s25, $0xb8;
	[tilespmem:$0x17000] =	vst v63  }
0xea: {  	s15 =	simm.s32 $0xD000  }
0xeb: {  	[tilespmem:s15], [sflag:$0x1] =	stream.indirect.gather [hbm4b:s9+s25], $0x20, s6, s25, $0xb8;
	[tilespmem:$0x17000] =	vst v63  }
0xec: {  	s20 =	simm.s32 $0x15000  }
0xed: {  	[tilespmem:s20], [sflag:$0x1] =	stream.indirect.gather [hbm4b:s9+s25], $0x20, s11, s25, $0xb8;
	[tilespmem:$0x17000] =	vst v63  }
0xee: {  	s4 =	simm.s32 $0xF00;
	s14 =	simm.s32 $0x6000  }
0xef: {  	[tilespmem:s14], [sflag:$0x1] =	stream.indirect.gather [hbm4b:s10+s25], $0x10, s4, s25, $0xb8;
	[tilespmem:$0x17000] =	vst v63  }
0xf0: {  	s15 =	simm.s32 $0x2380  }
0xf1: {  	[tilespmem:s15], [sflag:$0x1] =	stream.indirect.gather [hbm4b:s2+s25], $0x1, s12, s25, $0xb8;
	[tilespmem:$0x17000] =	vst v63  }
0xf2: {  	s20 =	simm.s32 $0x2780  }
0xf3: {  	[tilespmem:s20], [sflag:$0x1] =	stream.indirect.gather [hbm4b:s8+s25], $0x1, s12, s25, $0xb8;
	[tilespmem:$0x17000] =	vst v63  }
0xf4: {  	s4 =	simm.s32 $0x2B80  }
0xf5: {  	[tilespmem:s4], [sflag:$0x1] =	stream.indirect.gather [hbm4b:s2+s25], $0x1, s3, s25, $0xb8;
	[tilespmem:$0x17000] =	vst v63  }
0xf6: {  	s14 =	simm.s32 $0x2F80  }
0xf7: {  	[tilespmem:s14], [sflag:$0x1] =	stream.indirect.gather [hbm4b:s8+s25], $0x1, s3, s25, $0xb8;
	[tilespmem:$0x17000] =	vst v63  }
0xf8: {  	s15 =	simm.s32 $0xE000  }
0xf9: {  	[tilespmem:s15], [sflag:$0x1] =	stream.indirect.gather [hbm4b:s9+s25], $0x20, s12, s25, $0xb8;
	[tilespmem:$0x17000] =	vst v63  }
0xfa: {  	s20 =	simm.s32 $0x16000  }
0xfb: {  	[tilespmem:s20], [sflag:$0x1] =	stream.indirect.gather [hbm4b:s9+s25], $0x20, s3, s25, $0xb8;
	[tilespmem:$0x17000] =	vst v63  }
0xfc: {  	s4 =	simm.s32 $0x6800;
	s3 =	simm.s32 $0xF80  }
0xfd: {  	[tilespmem:s4], [sflag:$0x1] =	stream.indirect.gather [hbm4b:s10+s25], $0x10, s3, s25, $0xb8;
	[tilespmem:$0x17000] =	vst v63  }
0xfe: {  	_ =	swait.ge [sflag:s13], $0x80  }
0xff: {  	[sflag:s13] =	ssyncset.done $0x0  }
0x100: {  	[sflag:s13] =	ssyncadd.s32 $0xFFFFFF80  }
0x101: {  	_ =	swait.ge [sflag:s13], $0x80  }
0x102: {  	[sflag:s13] =	ssyncset.done $0x0  }
0x103: {  	[sflag:s13] =	ssyncadd.s32 $0xFFFFFF80  }
0x104: {  	_ =	swait.ge [sflag:s13], $0x80  }
0x105: {  	[sflag:s13] =	ssyncset.done $0x0  }
0x106: {  	[sflag:s13] =	ssyncadd.s32 $0xFFFFFF80  }
0x107: {  	_ =	swait.ge [sflag:s13], $0x80  }
0x108: {  	[sflag:s13] =	ssyncset.done $0x0  }
0x109: {  	[sflag:s13] =	ssyncadd.s32 $0xFFFFFF80  }
0x10a: {  	_ =	swait.ge [sflag:s13], $0x1000  }
0x10b: {  	[sflag:s13] =	ssyncset.done $0x0  }
0x10c: {  	[sflag:s13] =	ssyncadd.s32 $0xFFFFF000  }
0x10d: {  	_ =	swait.ge [sflag:s13], $0x1000  }
0x10e: {  	[sflag:s13] =	ssyncset.done $0x0  }
0x10f: {  	[sflag:s13] =	ssyncadd.s32 $0xFFFFF000  }
0x110: {  	_ =	swait.ge [sflag:s13], $0x800  }
0x111: {  	[sflag:s13] =	ssyncset.done $0x0  }
0x112: {  	[sflag:s13] =	ssyncadd.s32 $0xFFFFF800  }
0x113: {  	_ =	swait.ge [sflag:s13], $0x80  }
0x114: {  	[sflag:s13] =	ssyncset.done $0x0  }
0x115: {  	[sflag:s13] =	ssyncadd.s32 $0xFFFFFF80  }
0x116: {  	_ =	swait.ge [sflag:s13], $0x80  }
0x117: {  	[sflag:s13] =	ssyncset.done $0x0  }
0x118: {  	[sflag:s13] =	ssyncadd.s32 $0xFFFFFF80  }
0x119: {  	_ =	swait.ge [sflag:s13], $0x80  }
0x11a: {  	[sflag:s13] =	ssyncset.done $0x0  }
0x11b: {  	[sflag:s13] =	ssyncadd.s32 $0xFFFFFF80  }
0x11c: {  	_ =	swait.ge [sflag:s13], $0x80  }
0x11d: {  	[sflag:s13] =	ssyncset.done $0x0  }
0x11e: {  	[sflag:s13] =	ssyncadd.s32 $0xFFFFFF80  }
0x11f: {  	_ =	swait.ge [sflag:s13], $0x1000  }
0x120: {  	[sflag:s13] =	ssyncset.done $0x0  }
0x121: {  	[sflag:s13] =	ssyncadd.s32 $0xFFFFF000  }
0x122: {  	_ =	swait.ge [sflag:s13], $0x1000  }
0x123: {  	[sflag:s13] =	ssyncset.done $0x0  }
0x124: {  	[sflag:s13] =	ssyncadd.s32 $0xFFFFF000  }
0x125: {  	_ =	swait.ge [sflag:s13], $0x800  }
0x126: {  	[sflag:s13] =	ssyncset.done $0x0  }
0x127: {  	[sflag:s13] =	ssyncadd.s32 $0xFFFFF800  }
0x128: {  	_ =	swait.ge [sflag:s13], $0x80  }
0x129: {  	[sflag:s13] =	ssyncset.done $0x0  }
0x12a: {  	[sflag:s13] =	ssyncadd.s32 $0xFFFFFF80  }
0x12b: {  	_ =	swait.ge [sflag:s13], $0x80  }
0x12c: {  	[sflag:s13] =	ssyncset.done $0x0  }
0x12d: {  	[sflag:s13] =	ssyncadd.s32 $0xFFFFFF80  }
0x12e: {  	_ =	swait.ge [sflag:s13], $0x80  }
0x12f: {  	[sflag:s13] =	ssyncset.done $0x0  }
0x130: {  	[sflag:s13] =	ssyncadd.s32 $0xFFFFFF80  }
0x131: {  	_ =	swait.ge [sflag:s13], $0x80  }
0x132: {  	[sflag:s13] =	ssyncset.done $0x0  }
0x133: {  	[sflag:s13] =	ssyncadd.s32 $0xFFFFFF80  }
0x134: {  	_ =	swait.ge [sflag:s13], $0x1000  }
0x135: {  	[sflag:s13] =	ssyncset.done $0x0  }
0x136: {  	[sflag:s13] =	ssyncadd.s32 $0xFFFFF000  }
0x137: {  	_ =	swait.ge [sflag:s13], $0x1000  }
0x138: {  	[sflag:s13] =	ssyncset.done $0x0  }
0x139: {  	[sflag:s13] =	ssyncadd.s32 $0xFFFFF000  }
0x13a: {  	_ =	swait.ge [sflag:s13], $0x800  }
0x13b: {  	[sflag:s13] =	ssyncset.done $0x0  }
0x13c: {  	[sflag:s13] =	ssyncadd.s32 $0xFFFFF800  }
0x13d: {  	_ =	swait.ge [sflag:s13], $0x80  }
0x13e: {  	[sflag:s13] =	ssyncset.done $0x0  }
0x13f: {  	[sflag:s13] =	ssyncadd.s32 $0xFFFFFF80  }
0x140: {  	_ =	swait.ge [sflag:s13], $0x80  }
0x141: {  	[sflag:s13] =	ssyncset.done $0x0  }
0x142: {  	[sflag:s13] =	ssyncadd.s32 $0xFFFFFF80  }
0x143: {  	_ =	swait.ge [sflag:s13], $0x80  }
0x144: {  	[sflag:s13] =	ssyncset.done $0x0  }
0x145: {  	[sflag:s13] =	ssyncadd.s32 $0xFFFFFF80  }
0x146: {  	_ =	swait.ge [sflag:s13], $0x80  }
0x147: {  	[sflag:s13] =	ssyncset.done $0x0  }
0x148: {  	[sflag:s13] =	ssyncadd.s32 $0xFFFFFF80  }
0x149: {  	_ =	swait.ge [sflag:s13], $0x1000  }
0x14a: {  	[sflag:s13] =	ssyncset.done $0x0  }
0x14b: {  	[sflag:s13] =	ssyncadd.s32 $0xFFFFF000  }
0x14c: {  	_ =	swait.ge [sflag:s13], $0x1000  }
0x14d: {  	[sflag:s13] =	ssyncset.done $0x0  }
0x14e: {  	[sflag:s13] =	ssyncadd.s32 $0xFFFFF000  }
0x14f: {  	_ =	swait.ge [sflag:s13], $0x800  }
0x150: {  	[sflag:s13] =	ssyncset.done $0x0  }
0x151: {  	[sflag:s13] =	ssyncadd.s32 $0xFFFFF800  }
0x152: {  	_ =	swait.ge [sflag:s13], $0x80  }
0x153: {  	[sflag:s13] =	ssyncset.done $0x0  }
0x154: {  	[sflag:s13] =	ssyncadd.s32 $0xFFFFFF80  }
0x155: {  	_ =	swait.ge [sflag:s13], $0x80  }
0x156: {  	[sflag:s13] =	ssyncset.done $0x0  }
0x157: {  	[sflag:s13] =	ssyncadd.s32 $0xFFFFFF80  }
0x158: {  	_ =	swait.ge [sflag:s13], $0x80  }
0x159: {  	[sflag:s13] =	ssyncset.done $0x0  }
0x15a: {  	[sflag:s13] =	ssyncadd.s32 $0xFFFFFF80  }
0x15b: {  	_ =	swait.ge [sflag:s13], $0x80  }
0x15c: {  	[sflag:s13] =	ssyncset.done $0x0  }
0x15d: {  	[sflag:s13] =	ssyncadd.s32 $0xFFFFFF80  }
0x15e: {  	_ =	swait.ge [sflag:s13], $0x1000  }
0x15f: {  	[sflag:s13] =	ssyncset.done $0x0  }
0x160: {  	[sflag:s13] =	ssyncadd.s32 $0xFFFFF000  }
0x161: {  	_ =	swait.ge [sflag:s13], $0x1000  }
0x162: {  	[sflag:s13] =	ssyncset.done $0x0  }
0x163: {  	[sflag:s13] =	ssyncadd.s32 $0xFFFFF000  }
0x164: {  	_ =	swait.ge [sflag:s13], $0x800  }
0x165: {  	[sflag:s13] =	ssyncset.done $0x0  }
0x166: {  	[sflag:s13] =	ssyncadd.s32 $0xFFFFF800  }
0x167: {  	_ =	swait.ge [sflag:s13], $0x80  }
0x168: {  	[sflag:s13] =	ssyncset.done $0x0  }
0x169: {  	[sflag:s13] =	ssyncadd.s32 $0xFFFFFF80  }
0x16a: {  	_ =	swait.ge [sflag:s13], $0x80  }
0x16b: {  	[sflag:s13] =	ssyncset.done $0x0  }
0x16c: {  	[sflag:s13] =	ssyncadd.s32 $0xFFFFFF80  }
0x16d: {  	_ =	swait.ge [sflag:s13], $0x80  }
0x16e: {  	[sflag:s13] =	ssyncset.done $0x0  }
0x16f: {  	[sflag:s13] =	ssyncadd.s32 $0xFFFFFF80  }
0x170: {  	_ =	swait.ge [sflag:s13], $0x80  }
0x171: {  	[sflag:s13] =	ssyncset.done $0x0  }
0x172: {  	[sflag:s13] =	ssyncadd.s32 $0xFFFFFF80  }
0x173: {  	_ =	swait.ge [sflag:s13], $0x1000  }
0x174: {  	[sflag:s13] =	ssyncset.done $0x0  }
0x175: {  	[sflag:s13] =	ssyncadd.s32 $0xFFFFF000  }
0x176: {  	_ =	swait.ge [sflag:s13], $0x1000  }
0x177: {  	[sflag:s13] =	ssyncset.done $0x0  }
0x178: {  	[sflag:s13] =	ssyncadd.s32 $0xFFFFF000  }
0x179: {  	_ =	swait.ge [sflag:s13], $0x800  }
0x17a: {  	[sflag:s13] =	ssyncset.done $0x0  }
0x17b: {  	[sflag:s13] =	ssyncadd.s32 $0xFFFFF800  }
0x17c: {  	_ =	swait.ge [sflag:s13], $0x80  }
0x17d: {  	[sflag:s13] =	ssyncset.done $0x0  }
0x17e: {  	[sflag:s13] =	ssyncadd.s32 $0xFFFFFF80  }
0x17f: {  	_ =	swait.ge [sflag:s13], $0x80  }
0x180: {  	[sflag:s13] =	ssyncset.done $0x0  }
0x181: {  	[sflag:s13] =	ssyncadd.s32 $0xFFFFFF80  }
0x182: {  	_ =	swait.ge [sflag:s13], $0x80  }
0x183: {  	[sflag:s13] =	ssyncset.done $0x0  }
0x184: {  	[sflag:s13] =	ssyncadd.s32 $0xFFFFFF80  }
0x185: {  	_ =	swait.ge [sflag:s13], $0x80  }
0x186: {  	[sflag:s13] =	ssyncset.done $0x0  }
0x187: {  	[sflag:s13] =	ssyncadd.s32 $0xFFFFFF80  }
0x188: {  	_ =	swait.ge [sflag:s13], $0x1000  }
0x189: {  	[sflag:s13] =	ssyncset.done $0x0  }
0x18a: {  	[sflag:s13] =	ssyncadd.s32 $0xFFFFF000  }
0x18b: {  	_ =	swait.ge [sflag:s13], $0x1000  }
0x18c: {  	[sflag:s13] =	ssyncset.done $0x0  }
0x18d: {  	[sflag:s13] =	ssyncadd.s32 $0xFFFFF000  }
0x18e: {  	_ =	swait.ge [sflag:s13], $0x800  }
0x18f: {  	[sflag:s13] =	ssyncset.done $0x0  }
0x190: {  	[sflag:s13] =	ssyncadd.s32 $0xFFFFF800  }
0x191: {  	_ =	swait.ge [sflag:s13], $0x80  }
0x192: {  	[sflag:s13] =	ssyncset.done $0x0  }
0x193: {  	[sflag:s13] =	ssyncadd.s32 $0xFFFFFF80  }
0x194: {  	_ =	swait.ge [sflag:s13], $0x80  }
0x195: {  	[sflag:s13] =	ssyncset.done $0x0  }
0x196: {  	[sflag:s13] =	ssyncadd.s32 $0xFFFFFF80  }
0x197: {  	_ =	swait.ge [sflag:s13], $0x80  }
0x198: {  	[sflag:s13] =	ssyncset.done $0x0  }
0x199: {  	[sflag:s13] =	ssyncadd.s32 $0xFFFFFF80  }
0x19a: {  	_ =	swait.ge [sflag:s13], $0x80  }
0x19b: {  	[sflag:s13] =	ssyncset.done $0x0  }
0x19c: {  	[sflag:s13] =	ssyncadd.s32 $0xFFFFFF80  }
0x19d: {  	_ =	swait.ge [sflag:s13], $0x1000  }
0x19e: {  	[sflag:s13] =	ssyncset.done $0x0  }
0x19f: {  	[sflag:s13] =	ssyncadd.s32 $0xFFFFF000  }
0x1a0: {  	_ =	swait.ge [sflag:s13], $0x1000  }
0x1a1: {  	[sflag:s13] =	ssyncset.done $0x0  }
0x1a2: {  	[sflag:s13] =	ssyncadd.s32 $0xFFFFF000  }
0x1a3: {  	_ =	swait.ge [sflag:s13], $0x800  }
0x1a4: {  	[sflag:s13] =	ssyncset.done $0x0;
	s14 =	rddreg [dreg:$0x7]  }
0x1a5: {  	[sflag:s13] =	ssyncadd.s32 $0xFFFFF800;
	s15 =	sadd.s32 s14, s18  }
0x1a6: {  	[hbm4b:s15+s30] =	stream.linear.scatter [tilespmem:s24], [sflag:$0x2], $0x400, $0x38;
	[tilespmem:$0x17000] =	vst v63  }
0x1a7: {  	_ =	swait.ge [sflag:s21], $0x400  }
0x1a8: {  	[sflag:s21] =	ssyncset.done $0x0;
	s20 =	rddreg [dreg:$0x8]  }
0x1a9: {  	[sflag:s21] =	ssyncadd.s32 $0xFFFFFC00;
	s15 =	sadd.s32 s20, s18  }
0x1aa: {  	[hbm4b:s15+s30] =	stream.linear.scatter [tilespmem:s28], [sflag:$0x2], $0x400, $0x38;
	[tilespmem:$0x17000] =	vst v63  }
0x1ab: {  	_ =	swait.ge [sflag:s21], $0x400  }
0x1ac: {  	[sflag:s21] =	ssyncset.done $0x0;
	s24 =	rddreg [dreg:$0x9]  }
0x1ad: {  	s28 =	simm.s32 $0x2800;
	[sflag:s21] =	ssyncadd.s32 $0xFFFFFC00;
	s15 =	sadd.s32 s24, s18  }
0x1ae: {  	[hbm4b:s15+s30] =	stream.linear.scatter [tilespmem:s28], [sflag:$0x2], $0x400, $0x38;
	[tilespmem:$0x17000] =	vst v63  }
0x1af: {  	_ =	swait.ge [sflag:s21], $0x400  }
0x1b0: {  	[sflag:s21] =	ssyncset.done $0x0;
	s1 =	rddreg [dreg:$0xa]  }
0x1b1: {  	s3 =	simm.s32 $0x2C00;
	[sflag:s21] =	ssyncadd.s32 $0xFFFFFC00;
	s15 =	sadd.s32 s1, s18  }
0x1b2: {  	[hbm4b:s15+s30] =	stream.linear.scatter [tilespmem:s3], [sflag:$0x2], $0x400, $0x38;
	[tilespmem:$0x17000] =	vst v63  }
0x1b3: {  	_ =	swait.ge [sflag:s21], $0x400  }
0x1b4: {  	s4 =	sshll.u32 s17, $0x1;
	[sflag:s21] =	ssyncset.done $0x0;
	s14 =	rddreg [dreg:$0xb]  }
0x1b5: {  	[sflag:s21] =	ssyncadd.s32 $0xFFFFFC00;
	s15 =	sadd.s32 s14, s4  }
0x1b6: {  	[hbm4b:s15+s30] =	stream.linear.scatter [tilespmem:s0], [sflag:$0x2], $0x4000, $0x38;
	[tilespmem:$0x17000] =	vst v63  }
0x1b7: {  	_ =	swait.ge [sflag:s21], $0x4000  }
0x1b8: {  	s18 =	sshll.u32 s17, $0x2;
	[sflag:s21] =	ssyncset.done $0x0;
	s20 =	rddreg [dreg:$0xc]  }
0x1b9: {  	s24 =	simm.s32 $0x7000;
	[sflag:s21] =	ssyncadd.s32 $0xFFFFC000;
	s17 =	sadd.s32 s20, s18  }
0x1ba: {  	[hbm4b:s17+s30] =	stream.linear.scatter [tilespmem:s24], [sflag:$0x2], $0x8000, $0x38;
	[tilespmem:$0x17000] =	vst v63  }
0x1bb: {  	s16 =	sadd.s32 $0x1, s16;
	_ =	swait.ge [sflag:s21], $0x8000  }
0x1bc: {  	p0 =	sne.s32 s16, $0x8;
	[sflag:s21] =	ssyncset.done $0x0;
	s28 =	rddreg [dreg:$0xd]  }
.Ltmp1:
0x1bd: {  	[sflag:s21] =	ssyncadd.s32 $0xFFFF8000;
	s15 =	sadd.s32 s28, s18;
	(pc) =	sbr.rel @p0 .LBB2_2-.Ltmp1, $4  }
0x1be: {  	[hbm4b:s15+s30] =	stream.linear.scatter [tilespmem:s19], [sflag:$0x2], $0x8000, $0x38;
	[tilespmem:$0x17000] =	vst v63  }
0x1bf: {  	_ =	swait.ge [sflag:s21], $0x8000  }
0x1c0: {  	[sflag:s21] =	ssyncset.done $0x0  }
0x1c1: {  	[sflag:s21] =	ssyncadd.s32 $0xFFFF8000  }
0x1c2: {  	s0 =	rddreg [dreg:$0x10]  }
0x1c3: {  	s15 =	rddreg [dreg:$0xf];
	s0 =	sadd.s32 $0x1, s0  }
0x1c4: {  	p0 =	sne.s32 s0, s15  }
.Ltmp2:
0x1c5: {  	_ = 	snop;
	(pc) =	sbr.rel @p0 .LBB2_1-.Ltmp2, $1  }
0x1c6: {  	_ =	sdelay $0x3  }
0x1c7: {  	_ =	sfence.sel $0x180000  }
0x1c8: {  	[bflag:$0x0] =	sbarrier.arrive $0xFFFF  }
0x1c9: {  	_ =	strace $0x90000047  }
0x1ca: {  	s0 =	stileid.u32;
	[bflag:$0x2] =	sbarrier.arrive $0xFFFF  }
0x1cb: {  	p0 =	sne.s32 s0, $0x0;
	s0 =	rddreg [dreg:$0x3]  }
0x1cc: {  	s0 =	sadd.s32 @!p0 $0x100000, s0  }
0x1cd: {  	[sflag:s0] =	ssyncadd.tile.s32 @!p0 $0x1;
	_ =	shalt  }
.Lfunc_end2:
_tile_overlayer_lowered:
.L_overlay_start_2:
0x1ce: {  	(tag) =	ssettag $0x2  }
0x1cf: {  	s0 =	rddreg [dreg:$0x0];
	s2 =	stileid.u32  }
0x1d0: {  	s1 =	rddreg [dreg:$0x1];
	p0 =	sne.s32 s2, $0x0  }
0x1d1: {  	s3 =	rddreg [dreg:$0x2];
	[bflag:$0x3] =	sbarrier.arrive $0xFFFF;
	s2 =	simm.s32 @!p0 $0x1C02  }
0x1d2: {  	[timem:s3], [sflag:s2] =	dma.local @!p0 [hbm:s0], s1  }
0x1d3: {  	s0 =	simm.s32 @!p0 $0x2  }
0x1d4: {  	_ =	swait.ge @!p0 [sflag:s0], s1  }
0x1d5: {  	s1 =	ssub.s32 @!p0 $0x0, s1;
	[sflag:s0] =	ssyncset.done @!p0 $0x0  }
0x1d6: {  	[sflag:s0] =	ssyncadd.s32 @!p0 s1  }
0x1d7: {  	[bflag:$0x3] =	sbarrier.arrive $0xFFFF  }
0x1d8: {  	_ =	shalt  }

// kernel: kernel.9.cloned.1.call-start
scs
__scs_entry_jumppad:
0x0: {  	(pc) =	sbr.rel $0x88, $3  }
0x1: {  	(tag) =	ssettag $0x0;
	lr =	simm.s32 $0x1  }
0x2: {  	[smem:$0x3F94] =	sst lr;
	_ =	strace $0xD0000000  }
0x3: {  	_ = 	snop  }
0x4: {  	_ = 	snop  }
0x5: {  	_ = 	snop  }
0x6: {  	_ = 	snop  }
0x7: {  	_ = 	snop  }
__scs_overlays_trampoline_lowered:
0x8: {  	[smem:$0x3FA3] =	sst s0  }
0x9: {  	[smem:$0x3FA4] =	sst s1  }
0xa: {  	[smem:$0x3FA5] =	sst s2  }
0xb: {  	[smem:$0x3FA6] =	sst s3  }
0xc: {  	[smem:$0x3FA7] =	sst s4  }
0xd: {  	[smem:$0x3FA8] =	sst s5  }
0xe: {  	[smem:$0x3FA9] =	sst s6  }
0xf: {  	[smem:$0x3FAA] =	sst s7  }
0x10: {  	[smem:$0x3FAB] =	sst s8  }
0x11: {  	[smem:$0x3FAC] =	sst s9;
	s0 =	simm.s32 @!p0 $0x0  }
0x12: {  	s1 =	sld [smem:$0x3F92];
	s0 =	simm.s32 @p0 $0x1  }
0x13: {  	[smem:$0x3FAD] =	sst s0;
	s0 =	simm.s32 @!p1 $0x0  }
0x14: {  	s2 =	sld [smem:$0x3F91];
	s0 =	simm.s32 @p1 $0x1  }
0x15: {  	[smem:$0x3FAE] =	sst s0;
	s0 =	simm.s32 @!p2 $0x0  }
0x16: {  	s3 =	sld [smem:$0x3FDB];
	s0 =	simm.s32 @p2 $0x1  }
0x17: {  	s4 =	simm.s32 $0x1BF5;
	[smem:$0x3FB0] =	sst s0  }
0x18: {  	s0 =	sld [smem:$0x3F93];
	_ =	swait.ge [sflag:s4], $0x0  }
0x19: {  	s7 =	sld [smem:$0x3F94]  }
0x1a: {  	s8 =	sadd.s32 $0xFFFFE003, lr  }
0x1b: {  	s9 =	sadd.s32 $0xFFFFFEF7, lr;
	s5 =	simm.s32 $0xFFFFFFFF;
	p2 =	slt.u32 s8, $0xFFFFF086  }
0x1c: {  	p1 =	slt.u32 s9, $0xF7A;
	s5 =	simm.s32 @!p2 $0x0  }
0x1d: {  	s5 =	simm.s32 @p1 $0x1;
	p0 =	seq.s32 s7, s2  }
0x1e: {  	s7 =	smul.u32 @!p0 $0xF7A, s2;
	p2 =	seq.s32 @!p0 s5, $0x0  }
0x1f: {  	s9 =	smul.u32 $0xF7A, s1;
	s8 =	simm.s32 @!p0 $0x1BF5;
	p2 =	por !p2, p0  }
0x20: {  	[sflag:s8] =	ssyncset.s32 @!p0 $0xFFFFF086;
	s6 =	sadd.s32 @!p0 s3, s7;
	s7 =	simm.s32 @!p0 $0x108  }
0x21: {  	s3 =	sadd.s32 s3, s9;
	s6 =	sadd.s32 @!p0 $0x88, s6;
	s7 =	simm.s32 @p2 $0x1082  }
0x22: {  	[simem:s7], [sflag:s8] =	dma.local @!p0 [hbm:s6], $0xF7A  }
0x23: {  	s9 =	sor.u32 $0xD0000000, s2;
	s6 =	simm.s32 $0x108;
	_ =	swait.ge @!p0 [sflag:s8], $0x0  }
0x24: {  	s3 =	sadd.s32 $0x88, s3;
	s6 =	simm.s32 @!p1 $0x1082;
	[sflag:s4] =	ssyncset.s32 $0xFFFFF086  }
0x25: {  	[simem:s6], [sflag:s4] =	dma.local [hbm:s3], $0xF7A  }
0x26: {  	[smem:$0x3F94] =	sst s1;
	(tag) =	ssettag s2;
	_ =	strace s9  }
0x27: {  	s1 =	sld [smem:$0x3FA4]  }
0x28: {  	s2 =	sld [smem:$0x3FA5]  }
0x29: {  	s4 =	sld [smem:$0x3FA7]  }
0x2a: {  	p0 =	seq.s32 s5, $0x0;
	s5 =	sld [smem:$0x3FA8]  }
0x2b: {  	s6 =	sld [smem:$0x3FA9]  }
0x2c: {  	s7 =	sld [smem:$0x3FAA]  }
0x2d: {  	s3 =	simm.s32 $0x108;
	s8 =	sld [smem:$0x3FAB]  }
0x2e: {  	s3 =	simm.s32 @!p0 $0x1082;
	s9 =	sld [smem:$0x3FAC]  }
0x2f: {  	lr =	sadd.s32 s0, s3;
	s0 =	sld [smem:$0x3FA3]  }
0x30: {  	s3 =	sld [smem:$0x3FA6]  }
0x31: {  	[smem:$0x3FAF] =	sst s10  }
0x32: {  	s10 =	sld [smem:$0x3FAD];
	_ =	sdelay $0x3  }
0x33: {  	p0 =	seq.s32 s10, $0x1;
	s10 =	sld [smem:$0x3FAF];
	_ =	sdelay $0x3  }
0x34: {  	[smem:$0x3FAF] =	sst s10  }
0x35: {  	s10 =	sld [smem:$0x3FAE];
	_ =	sdelay $0x3  }
0x36: {  	p1 =	seq.s32 s10, $0x1;
	s10 =	sld [smem:$0x3FAF];
	_ =	sdelay $0x3  }
0x37: {  	[smem:$0x3FAF] =	sst s10  }
0x38: {  	s10 =	sld [smem:$0x3FB0]  }
0x39: {  	_ = 	snop;
	(pc) =	sbr.ind lr, $3  }
0x3a: {  	_ = 	snop  }
0x3b: {  	_ = 	snop  }
0x3c: {  	p2 =	seq.s32 s10, $0x1;
	s10 =	sld [smem:$0x3FAF]  }
0x3d: {  	_ =	shalt  }
0x3e: {  	_ =	shalt  }
0x3f: {  	_ =	shalt  }
0x40: {  	_ =	shalt  }
0x41: {  	_ =	shalt  }
0x42: {  	_ =	shalt  }
0x43: {  	_ =	shalt  }
0x44: {  	_ =	shalt  }
0x45: {  	_ =	shalt  }
0x46: {  	_ =	shalt  }
0x47: {  	_ =	shalt  }
0x48: {  	_ =	shalt  }
0x49: {  	_ =	shalt  }
0x4a: {  	_ =	shalt  }
0x4b: {  	_ =	shalt  }
0x4c: {  	_ =	shalt  }
0x4d: {  	_ =	shalt  }
0x4e: {  	_ =	shalt  }
0x4f: {  	_ =	shalt  }
0x50: {  	_ =	shalt  }
0x51: {  	_ =	shalt  }
0x52: {  	_ =	shalt  }
0x53: {  	_ =	shalt  }
0x54: {  	_ =	shalt  }
0x55: {  	_ =	shalt  }
0x56: {  	_ =	shalt  }
0x57: {  	_ =	shalt  }
0x58: {  	_ =	shalt  }
0x59: {  	_ =	shalt  }
0x5a: {  	_ =	shalt  }
0x5b: {  	_ =	shalt  }
0x5c: {  	_ =	shalt  }
0x5d: {  	_ =	shalt  }
0x5e: {  	_ =	shalt  }
0x5f: {  	_ =	shalt  }
0x60: {  	_ =	shalt  }
0x61: {  	_ =	shalt  }
0x62: {  	_ =	shalt  }
0x63: {  	_ =	shalt  }
0x64: {  	_ =	shalt  }
0x65: {  	_ =	shalt  }
0x66: {  	_ =	shalt  }
0x67: {  	_ =	shalt  }
0x68: {  	_ =	shalt  }
0x69: {  	_ =	shalt  }
0x6a: {  	_ =	shalt  }
0x6b: {  	_ =	shalt  }
0x6c: {  	_ =	shalt  }
0x6d: {  	_ =	shalt  }
0x6e: {  	_ =	shalt  }
0x6f: {  	_ =	shalt  }
0x70: {  	_ =	shalt  }
0x71: {  	_ =	shalt  }
0x72: {  	_ =	shalt  }
0x73: {  	_ =	shalt  }
0x74: {  	_ =	shalt  }
0x75: {  	_ =	shalt  }
0x76: {  	_ =	shalt  }
0x77: {  	_ =	shalt  }
0x78: {  	_ =	shalt  }
0x79: {  	_ =	shalt  }
0x7a: {  	_ =	shalt  }
0x7b: {  	_ =	shalt  }
0x7c: {  	_ =	shalt  }
0x7d: {  	_ =	shalt  }
0x7e: {  	_ =	shalt  }
0x7f: {  	_ =	shalt  }
0x80: {  	_ =	shalt  }
0x81: {  	_ =	shalt  }
0x82: {  	_ =	shalt  }
0x83: {  	_ =	shalt  }
0x84: {  	_ =	shalt  }
0x85: {  	_ =	shalt  }
0x86: {  	_ =	shalt  }
0x87: {  	_ =	shalt  }
.Lfunc_end0:
.L_simem_size_0:
called_computation.1_lowered:
.L_overlay_start_0:
0x88: {  	s2 =	sld [smem:$0x3FD9]  }
0x89: {  	s3 =	sld [smem:$0x3FFE];
	_ =	sdelay $0x1  }
0x8a: {  	s1 =	srdreg.scid  }
0x8b: {  	s0 =	sand.u32 $0x1, s1  }
0x8c: {  	s17 =	sshll.u32 s0, $0xA;
	s2 =	sadd.s32 s3, s2  }
0x8d: {  	s2 =	sadd.s32 s2, s17  }
0x8e: {  	[smem:$0x3FBB] =	sst s2  }
0x8f: {  	_ = 	snop  }
0x90: {  	s2 =	sld [smem:$0x3FC6];
	(tm) =	ssettm $0x1  }
0x91: {  	s18 =	sld [smem:$0x3FFB];
	_ =	sdelay $0x3  }
0x92: {  	_ =	strace s18  }
0x93: {  	s3 =	sld [smem:$0x3FFC];
	_ =	sdelay $0x3  }
0x94: {  	_ =	strace s3  }
0x95: {  	s3 =	sld [smem:$0x3FFD];
	_ =	sdelay $0x3  }
0x96: {  	_ =	strace s3  }
0x97: {  	_ =	strace $0x8FFFFFFF  }
0x98: {  	s19 =	sld [smem:$0x3FDB];
	_ =	sdelay $0x1  }
0x99: {  	s4 =	simm.s32 $_scs_section_size  }
0x9a: {  	s5 =	simm.s32 $_size__tile_overlayer_lowered;
	s6 =	simm.s32 $_tile_overlayer_lowered  }
0x9b: {  	s22 =	simm.s32 $0x1BFF;
	s21 =	sshll.u32 s6, $0x1;
	s3 =	sadd.s32 s4, s19  }
0x9c: {  	s7 =	simm.s32 $0x0;
	s20 =	sshll.u32 s5, $0x1;
	s5 =	sadd.s32 s21, s3  }
0x9d: {  	[timem:s7], [sflag:s22] =	dma.local [hbm:s5], s20  }
0x9e: {  	_ =	swait.ge [sflag:s22], s20  }
0x9f: {  	s4 =	ssub.s32 $0x0, s20;
	[sflag:s22] =	ssyncset.done $0x0  }
0xa0: {  	[sflag:s22] =	ssyncadd.s32 s4;
	_ =	sdelay $0x1  }
0xa1: {  	s23 =	simm.s32 $0x1B8B  }
0xa2: {  	_ =	swait.ge [sflag:s23], $0x1  }
0xa3: {  	[sflag:s23] =	ssyncset.done $0x0  }
0xa4: {  	s25 =	simm.s32 $0x1B8E;
	s24 =	sld [smem:$0x3FFE];
	[sflag:s23] =	ssyncadd.s32 $0xFFFFFFFF  }
0xa5: {  	s26 =	simm.s32 $execute0_lowered;
	[smem:$0x3FD2] =	sst s25  }
0xa6: {  	s5 =	sshll.u32 s26, $0x1;
	_ =	strace $0x80000049;
	[dreg:$0x1] =	wrdreg $0xFFFFFFFF  }
0xa7: {  	s28 =	simm.s32 $_size_execute0_lowered;
	s3 =	sadd.s32 s3, s5;
	[dreg:$0x0] =	wrdreg $0x0  }
0xa8: {  	s5 =	sshll.u32 s28, $0x1;
	[dreg:$0x2] =	wrdreg s3  }
0xa9: {  	[dreg:$0x3] =	wrdreg s5  }
0xaa: {  	[dreg:$0x4] =	wrdreg $0xC0  }
0xab: {  	_ =	task [dreg:s7], $0x5FFFF  }
0xac: {  	[dreg:$0x1] =	wrdreg $0xFFFFFFFF  }
0xad: {  	[dreg:$0x0] =	wrdreg $0x60  }
0xae: {  	[dreg:$0x2] =	wrdreg s24  }
0xaf: {  	[dreg:$0x3] =	wrdreg s2  }
0xb0: {  	[dreg:$0x4] =	wrdreg $0x9  }
0xb1: {  	_ =	task.clear_ibuf [dreg:s7], $0x5FFFF;
	_ =	strace $0x90000049  }
0xb2: {  	s29 =	simm.s32 $0x9;
	_ =	strace $0x8000004B  }
0xb3: {  	_ =	swait.ge [sflag:s29], $0x1  }
0xb4: {  	[sflag:s29] =	ssyncadd.s32 $0xFFFFFFFF  }
0xb5: {  	_ =	strace $0x9000004B  }
0xb6: {  	_ =	sfence  }
0xb7: {  	s30 =	sld [smem:$0x0];
	_ =	sdelay $0x2  }
0xb8: {  	s31 =	sshll.u32 s1, $0xD;
	s1 =	sshrl.u32 s1, $0x2  }
0xb9: {  	s3 =	sand.u32 $0x4000, s31;
	s1 =	sadd.s32 s1, s30  }
0xba: {  	s0 =	sor.u32 s3, s0;
	s1 =	sshll.u32 s1, $0x11  }
0xbb: {  	s0 =	sor.u32 s1, s0  }
0xbc: {  	s0 =	sadd.s32 $0x8F2B, s0  }
0xbd: {  	[sflag:s0] =	ssyncadd.remote.s32 $0x1  }
0xbe: {  	_ =	sfence.sel $0xFFFF  }
0xbf: {  	[dreg:$0x0] =	wrdreg $0xFFFFFFFF;
	(pc) =	sbr.abs _section_cstart, $3  }
0xc0: {  	[dreg:$0x1] =	wrdreg $0xFFFFFFFF  }
0xc1: {  	_ =	task.clear_ibuf [dreg:s7], $0x2FFFF;
	_ =	strace $0x9FFFFFFF  }
0xc2: {  	(tm) =	ssettm $0x7FFFFFFF  }
0xc3: {  	_ =	shalt  }
tec
execute0_lowered:
.L_overlay_start_1:
0x0: {  	(tag) =	ssettag $0x1  }
0x1: {  	s8 =	rddreg [dreg:$0x0]  }
0x2: {  	s2 =	rddreg [dreg:$0x1]  }
0x3: {  	s0 =	rddreg [dreg:$0x2]  }
0x4: {  	s4 =	srdreg.scid;
	s1 =	stileid.u32;
	s3 =	simm.s32 $0x0  }
0x5: {  	s13 =	simm.s32 $0x400;
	s14 =	simm.s32 $0x800;
	s15 =	simm.s32 $0xC00  }
0x6: {  	s16 =	simm.s32 $0x1000;
	s6 =	sand.u32 $0x1, s4;
	s31 =	sshll.u32 s1, $0x1  }
0x7: {  	s17 =	simm.s32 $0x1400;
	s18 =	simm.s32 $0x1810;
	s9 =	sor.u32 s6, s31  }
0x8: {  	s19 =	simm.s32 $0x0;
	[smem:$0x7FF] =	sst s3;
	s7 =	smul.u32 $0x820, s9  }
0x9: {  	s4 =	sadd.s32 $0x5A00, s8;
	s5 =	sadd.s32 $0xDA00, s8;
	s10 =	ssub.s32 $0x2, s6  }
0xa: {  	_ =	strace $0x8000004A;
	s12 =	sshrl.u32 s10, $0x1;
	s11 =	sshrl.u32 s7, $0x3  }
0xb: {  	s6 =	sadd.s32 $0xD1200, s8;
	s12 =	ssub.s32 s10, s12;
	s11 =	sadd.s32 s11, s8  }
0xc: {  	s7 =	sadd.s32 $0xC9200, s8;
	s8 =	sshll.u32 s9, $0xA;
	s9 =	sadd.s32 $0x15A00, s11  }
0xd: {  	v0 =	vimm.f32 $0.0e+00;
	vm0 =	vcmask $0x3F3C;
	v1 =	vlaneseq.u32;
	s10 =	sadd.s32 $0x15A82, s11;
	s11 =	smax.u32 s12, $0x1;
	s12 =	simm.s32 $0x1  }
.LBB2_1:
0xe: {  	s20 =	simm.s32 $0x40;
	s21 =	simm.s32 $0x0  }
.LBB2_2:
0xf: {  	p0 =	sne.s32 s20, $0x1000;
	[tilespmem:s21+$0x1400] =	vst v0;
	s22 =	smov.u32 s20;
	s20 =	sadd.s32 $0x40, s20  }
.Ltmp0:
0x10: {  	[tilespmem:s21+$0x1810] =	vst v0;
	(pc) =	sbr.rel @p0 .LBB2_2-.Ltmp0, $2  }
0x11: {  	_ =	sdelay $0x2  }
0x12: {  	s21 =	sshra.s32 s22, $0x2  }
0x13: {  	[tilespmem:s21+$0x1400] =	vst v0  }
0x14: {  	s20 =	simm.s32 $0x0;
	[tilespmem:s21+$0x1810] =	vst v0;
	s21 =	simm.s32 $0x0  }
.LBB2_4:
0x15: {  	s22 =	sshll.u32 s21, $0x7  }
0x16: {  	s22 =	sadd.s32 s8, s22  }
0x17: {  	s23 =	sadd.s32 s4, s22  }
0x18: {  	[tilespmem:s20], [sflag:$0x1] =	stream.linear.gather [hbm4b:s23+s20], $0x400, $0x38;
	[tilespmem:$0x1C20] =	vst v63  }
0x19: {  	_ =	swait.ge [sflag:s12], $0x400  }
0x1a: {  	[sflag:s12] =	ssyncset.done $0x0  }
0x1b: {  	s28 =	sadd.s32 s5, s22;
	[sflag:s12] =	ssyncadd.s32 $0xFFFFFC00  }
0x1c: {  	[tilespmem:s13], [sflag:$0x1] =	stream.linear.gather [hbm4b:s28+s20], $0x400, $0x38;
	[tilespmem:$0x1C20] =	vst v63  }
0x1d: {  	_ =	swait.ge [sflag:s12], $0x400  }
0x1e: {  	[sflag:s12] =	ssyncset.done $0x0  }
0x1f: {  	s29 =	sadd.s32 s2, s22;
	[sflag:s12] =	ssyncadd.s32 $0xFFFFFC00  }
0x20: {  	[tilespmem:s14], [sflag:$0x1] =	stream.linear.gather [hbm4b:s29+s20], $0x400, $0x38;
	[tilespmem:$0x1C20] =	vst v63  }
0x21: {  	_ =	swait.ge [sflag:s12], $0x400  }
0x22: {  	[sflag:s12] =	ssyncset.done $0x0  }
0x23: {  	s30 =	sadd.s32 s6, s22;
	[sflag:s12] =	ssyncadd.s32 $0xFFFFFC00  }
0x24: {  	[tilespmem:s15], [sflag:$0x1] =	stream.linear.gather [hbm4b:s30+s20], $0x400, $0x38;
	[tilespmem:$0x1C20] =	vst v63  }
0x25: {  	_ =	swait.ge [sflag:s12], $0x400  }
0x26: {  	[sflag:s12] =	ssyncset.done $0x0  }
0x27: {  	s22 =	sadd.s32 s7, s22;
	[sflag:s12] =	ssyncadd.s32 $0xFFFFFC00  }
0x28: {  	[tilespmem:s16], [sflag:$0x1] =	stream.linear.gather [hbm4b:s22+s20], $0x400, $0x38;
	[tilespmem:$0x1C20] =	vst v63  }
0x29: {  	_ =	swait.ge [sflag:s12], $0x400  }
0x2a: {  	[sflag:s12] =	ssyncset.done $0x0  }
0x2b: {  	s31 =	simm.s32 $0x0;
	[sflag:s12] =	ssyncadd.s32 $0xFFFFFC00  }
0x2c: {  	v2 =	vld [tilespmem:s31+$0x0];
	_ =	sdelay $0x2  }
0x2d: {  	v3 =	vld [tilespmem:s31+$0x400];
	_ =	sdelay $0x1  }
0x2e: {  	v4 =	vld [tilespmem:s31+$0xC00];
	(xrf2) =	vadd.scan.msk.f32 $0xffff, v2;
	_ =	sdelay $0x2  }
0x2f: {  	v2 =	vld [tilespmem:s31+$0x1000];
	(xrf2) =	vadd.scan.msk.f32 $0xffff, v3  }
0x30: {  	v3 =	vld [tilespmem:s31+$0x800]  }
0x31: {  	vm1 =	vne.s32 v4, $0x0  }
0x32: {  	vm2 =	vmor vm1, vm0  }
0x33: {  	vm1 =	veq.s32 v1, $0xF  }
0x34: {  	v2 =	vsel vm1, $0x400, v2;
	_ =	sdelay $0x1  }
0x35: {  	v4, _, _ =	vpop (xrf2)  }
0x36: {  	v5 =	vsub.f32 $0.0e+00, v4  }
0x37: {  	[tilespmem:v3+s17+$0x0] =	vst.idx.add.f32.msk vm2, v4  }
0x38: {  	v4, _, _ =	vpop (xrf2);
	[tilespmem:v2+s17+$0x0] =	vst.idx.add.f32.msk vm2, v5  }
0x39: {  	s22 =	simm.s32 $0x40;
	[tilespmem:v3+s18+$0x0] =	vst.idx.add.f32.msk vm2, v4;
	v3 =	vsub.f32 $0.0e+00, v4  }
.LBB2_5:
0x3a: {  	p0 =	sne.s32 s22, $0xFC0;
	s23 =	smov.u32 s22;
	s22 =	sadd.s32 $0x40, s22  }
0x3b: {  	s23 =	sshra.s32 s23, $0x2;
	[tilespmem:v2+s18+$0x0] =	vst.idx.add.f32.msk vm2, v3  }
0x3c: {  	v2 =	vld [tilespmem:s23+$0x0];
	_ =	sdelay $0x1  }
0x3d: {  	v3 =	vld [tilespmem:s23+$0x400];
	_ =	sdelay $0x2  }
0x3e: {  	v4 =	vld [tilespmem:s23+$0xC00];
	(xrf2) =	vadd.scan.msk.f32 $0xffff, v2;
	_ =	sdelay $0x2  }
0x3f: {  	v2 =	vld [tilespmem:s23+$0x1000];
	(xrf2) =	vadd.scan.msk.f32 $0xffff, v3  }
0x40: {  	v3 =	vld [tilespmem:s23+$0x800]  }
0x41: {  	vm2 =	vne.s32 v4, $0x0  }
0x42: {  	vm2 =	vmor vm2, vm0;
	_ =	sdelay $0x1  }
0x43: {  	v2 =	vsel vm1, $0x400, v2;
	_ =	sdelay $0x1  }
.Ltmp1:
0x44: {  	v4, _, _ =	vpop (xrf2);
	(pc) =	sbr.rel @p0 .LBB2_5-.Ltmp1, $4  }
0x45: {  	v5 =	vsub.f32 $0.0e+00, v4  }
0x46: {  	[tilespmem:v3+s17+$0x0] =	vst.idx.add.f32.msk vm2, v4  }
0x47: {  	[tilespmem:v2+s17+$0x0] =	vst.idx.add.f32.msk vm2, v5;
	v4, _, _ =	vpop (xrf2)  }
0x48: {  	[tilespmem:v3+s18+$0x0] =	vst.idx.add.f32.msk vm2, v4;
	v3 =	vsub.f32 $0.0e+00, v4  }
0x49: {  	s21 =	sadd.s32 $0x1, s21  }
0x4a: {  	p0 =	sne.s32 s21, $0x8  }
.Ltmp2:
0x4b: {  	_ = 	snop;
	(pc) =	sbr.rel @p0 .LBB2_4-.Ltmp2, $2  }
0x4c: {  	_ =	sdelay $0x2  }
0x4d: {  	[tilespmem:v2+s18+$0x0] =	vst.idx.add.f32.msk vm2, v3  }
0x4e: {  	[hbm4b:s9+s3] =	stream.linear.scatter [tilespmem:s17], [sflag:$0x1], $0x410, $0x38;
	[tilespmem:$0x1C20] =	vst v63  }
0x4f: {  	s19 =	sadd.s32 $0x1, s19;
	_ =	swait.ge [sflag:s12], $0x410  }
0x50: {  	p0 =	sne.s32 s19, s11;
	[sflag:s12] =	ssyncset.done $0x0  }
.Ltmp3:
0x51: {  	[sflag:s12] =	ssyncadd.s32 $0xFFFFFBF0;
	(pc) =	sbr.rel @p0 .LBB2_1-.Ltmp3, $4  }
0x52: {  	[hbm4b:s10+s3] =	stream.linear.scatter [tilespmem:s18], [sflag:$0x1], $0x410, $0x38;
	[tilespmem:$0x1C20] =	vst v63  }
0x53: {  	_ =	swait.ge [sflag:s12], $0x410  }
0x54: {  	[sflag:s12] =	ssyncset.done $0x0  }
0x55: {  	[sflag:s12] =	ssyncadd.s32 $0xFFFFFBF0  }
0x56: {  	_ =	sfence.sel $0x180000  }
0x57: {  	[bflag:$0x0] =	sbarrier.arrive $0xFFFF  }
0x58: {  	p0 =	sne.s32 s1, $0x0;
	_ =	strace $0x9000004A  }
0x59: {  	s0 =	sadd.s32 @!p0 $0x100000, s0;
	[bflag:$0x2] =	sbarrier.arrive $0xFFFF  }
0x5a: {  	[sflag:s0] =	ssyncadd.tile.s32 @!p0 $0x1;
	_ =	shalt  }
.Lfunc_end2:
_tile_overlayer_lowered:
.L_overlay_start_2:
0x5b: {  	(tag) =	ssettag $0x2  }
0x5c: {  	s0 =	rddreg [dreg:$0x0];
	s2 =	stileid.u32  }
0x5d: {  	s1 =	rddreg [dreg:$0x1];
	p0 =	sne.s32 s2, $0x0  }
0x5e: {  	s3 =	rddreg [dreg:$0x2];
	[bflag:$0x3] =	sbarrier.arrive $0xFFFF;
	s2 =	simm.s32 @!p0 $0x1C01  }
0x5f: {  	[timem:s3], [sflag:s2] =	dma.local @!p0 [hbm:s0], s1  }
0x60: {  	s0 =	simm.s32 @!p0 $0x1  }
0x61: {  	_ =	swait.ge @!p0 [sflag:s0], s1  }
0x62: {  	s1 =	ssub.s32 @!p0 $0x0, s1;
	[sflag:s0] =	ssyncset.done @!p0 $0x0  }
0x63: {  	[sflag:s0] =	ssyncadd.s32 @!p0 s1  }
0x64: {  	[bflag:$0x3] =	sbarrier.arrive $0xFFFF  }
0x65: {  	_ =	shalt  }

</sc_bundles>
